<compile_context>
chip_gen: v7x
topology: tpu7x:2x2x1
jax: 0.10.2.dev20260603
libtpu: 0.0.44.dev20260713+nightly
codegen_flags: <defaults>
</compile_context>

<pallas_src>
import jax
import jax.numpy as jnp
from jax import lax
from jax.experimental import pallas as pl
from jax.experimental.pallas import tpu as pltpu
from jax.experimental.pallas import tpu_sc as plsc

N_NODES = 10000
N_PAD = 10240
N_EDGES = 320000
NFEAT = 128
NCLASS = 64
K = 10
L = 16

NW = 16
CH = 128
CHUNKS = 160
U = 8
NB = CHUNKS // U
E_PAD = NW * CHUNKS * CH
NODES_W = N_PAD // NW
SUB = 64
NSUB = NODES_W // SUB
DSUB = 64
NDSUB = NODES_W // DSUB


def _mlp_body(x_ref, w1_ref, b1_ref, w2_ref, b2_ref, o_ref):
    h = jnp.dot(x_ref[...], w1_ref[...], preferred_element_type=jnp.float32)
    h = jnp.maximum(h + b1_ref[...], 0.0)
    o_ref[...] = jnp.dot(h, w2_ref[...], preferred_element_type=jnp.float32) + b2_ref[...]


def _mlp(x_pad, W1, b1, W2, b2):
    blk = 256
    return pl.pallas_call(
        _mlp_body,
        grid=(N_PAD // blk,),
        in_specs=[
            pl.BlockSpec((blk, NFEAT), lambda i: (i, 0)),
            pl.BlockSpec((NFEAT, NFEAT), lambda i: (0, 0)),
            pl.BlockSpec((1, NFEAT), lambda i: (0, 0)),
            pl.BlockSpec((NFEAT, NCLASS), lambda i: (0, 0)),
            pl.BlockSpec((1, NCLASS), lambda i: (0, 0)),
        ],
        out_specs=pl.BlockSpec((blk, NCLASS), lambda i: (i, 0)),
        out_shape=jax.ShapeDtypeStruct((N_PAD, NCLASS), jnp.float32),
    )(x_pad, W1, b1.reshape(1, NFEAT), W2, b2.reshape(1, NCLASS))


def _rsqrt16(d):
    ii = lax.bitcast_convert_type(d, jnp.int32)
    y = lax.bitcast_convert_type(jnp.int32(0x5F3759DF) - (ii >> 1), jnp.float32)
    for _ in range(3):
        y = y * (1.5 - 0.5 * d * y * y)
    return y


def _prop_body(h_hbm, row_hbm, col_hbm, gam_hbm,
               out_hbm, acc_hbm, g_hbm,
               ir_v, ic_v, msg_v, nbuf_v, gbuf_v, abuf_v,
               dm_v, dis2_v, ones_v, gam_v,
               sem_i, sem_g, sem_s, sem_a, sem_b, sem_w1, sem_w2, sem_w3,
               t_s, degm_s, zero_s):
    w = lax.axis_index("s")
    base = w * NODES_W
    cbase = w * CHUNKS

    pltpu.sync_copy(gam_hbm, gam_v)

    @pl.loop(0, CH)
    def _ones(r):
        ones_v[r, :] = jnp.ones((L,), jnp.float32)

    @pl.loop(0, SUB)
    def _zrow(r):
        for f in range(4):
            gbuf_v[r, pl.ds(f * L, L)] = jnp.zeros((L,), jnp.float32)

    @pl.loop(0, DSUB)
    def _zdm(r):
        dm_v[r, :] = jnp.zeros((L,), jnp.float32)

    @pl.loop(0, NDSUB)
    def _zdeg(s):
        pltpu.sync_copy(dm_v, degm_s.at[pl.ds(base + s * DSUB, DSUB)])

    @pl.when(w == 0)
    def _zblk():
        pltpu.sync_copy(gbuf_v, zero_s)

    plsc.subcore_barrier()

    @pl.loop(0, NSUB)
    def _zt(s):
        pltpu.sync_copy(zero_s, t_s.at[pl.ds(base + s * SUB, SUB)])
        pltpu.sync_copy(zero_s, acc_hbm.at[pl.ds(base + s * SUB, SUB)])

    @pl.loop(0, NB)
    def _deg(jj):
        pltpu.sync_copy(row_hbm.at[pl.ds(cbase + jj * U, U)], ir_v.at[0])
        for u in range(U):
            pltpu.sync_copy(ones_v, degm_s.at[ir_v.at[0, u]], add=True)

    plsc.subcore_barrier()

    rv = gam_v[2, :]

    @pl.loop(0, NDSUB)
    def _c(s):
        pltpu.sync_copy(degm_s.at[pl.ds(base + s * DSUB, DSUB)], dm_v)

        @pl.loop(0, DSUB)
        def _r(r):
            dg = dm_v[r, :]
            dis2_v[s * DSUB + r, :] = jnp.where(dg > 0.0, rv / dg, 0.0)

    g1v = gam_v[1, :]
    rsr = gam_v[3, :]

    @pl.loop(0, NSUB)
    def _g0(s):
        sb = base + s * SUB
        pltpu.sync_copy(h_hbm.at[pl.ds(sb, SUB)], nbuf_v)

        @pl.loop(0, SUB)
        def _row(r):
            d2 = dis2_v[s * SUB + r, :]
            dis = jnp.where(d2 > 0.0, d2 * _rsqrt16(d2) * rsr, 0.0)
            gd = g1v * dis
            for f in range(4):
                sl = pl.ds(f * L, L)
                gbuf_v[r, sl] = nbuf_v[r, sl] * gd

        pltpu.sync_copy(gbuf_v, g_hbm.at[pl.ds(sb, SUB)])

    plsc.subcore_barrier()

    NSLOT = 4

    @pl.loop(0, K)
    def _step(kk):
        pltpu.sync_copy(row_hbm.at[pl.ds(cbase, U)], ir_v.at[0])
        pltpu.sync_copy(col_hbm.at[pl.ds(cbase, U)], ic_v.at[0])

        @pl.loop(0, NB)
        def _body(jj):
            p = lax.rem(jj, 2)
            pn = lax.rem(jj + 1, 2)

            @pl.when(jj + 1 < NB)
            def _pref():
                pltpu.async_copy(
                    row_hbm.at[pl.ds(cbase + (jj + 1) * U, U)], ir_v.at[pn], sem_i)
                pltpu.async_copy(
                    col_hbm.at[pl.ds(cbase + (jj + 1) * U, U)], ic_v.at[pn], sem_i)

            gd = [None] * NSLOT
            sd = [None] * NSLOT
            gd[0] = pltpu.async_copy(g_hbm.at[ir_v.at[p, 0]], msg_v.at[0], sem_g.at[0])
            for u in range(U):
                q = u % NSLOT
                qn = (u + 1) % NSLOT
                if u + 1 < U:
                    if sd[qn] is not None:
                        sd[qn].wait()
                        sd[qn] = None
                    gd[qn] = pltpu.async_copy(
                        g_hbm.at[ir_v.at[p, u + 1]], msg_v.at[qn], sem_g.at[qn])
                gd[q].wait()
                if sd[q] is not None:
                    sd[q].wait()
                sd[q] = pltpu.async_copy(
                    msg_v.at[q], t_s.at[ic_v.at[p, u]], sem_s.at[q], add=True)
            for q in range(NSLOT):
                if sd[q] is not None:
                    sd[q].wait()

            @pl.when(jj + 1 < NB)
            def _wi():
                pltpu.make_async_copy(
                    row_hbm.at[pl.ds(cbase, U)], ir_v.at[pn], sem_i).wait()
                pltpu.make_async_copy(
                    col_hbm.at[pl.ds(cbase, U)], ic_v.at[pn], sem_i).wait()

        plsc.subcore_barrier()

        @pl.loop(0, NSUB)
        def _node(s):
            sb = base + s * SUB

            @pl.when(s > 0)
            def _drain():
                sbp = base + (s - 1) * SUB
                pltpu.make_async_copy(abuf_v, acc_hbm.at[pl.ds(sbp, SUB)], sem_w1).wait()
                pltpu.make_async_copy(gbuf_v, g_hbm.at[pl.ds(sbp, SUB)], sem_w2).wait()
                pltpu.make_async_copy(zero_s, t_s.at[pl.ds(sbp, SUB)], sem_w3).wait()

            dt = pltpu.async_copy(t_s.at[pl.ds(sb, SUB)], nbuf_v, sem_a)
            da = pltpu.async_copy(acc_hbm.at[pl.ds(sb, SUB)], abuf_v, sem_b)
            dt.wait()
            pltpu.async_copy(zero_s, t_s.at[pl.ds(sb, SUB)], sem_w3)
            da.wait()

            @pl.loop(0, SUB)
            def _row(r):
                d2 = dis2_v[s * SUB + r, :]
                for f in range(4):
                    sl = pl.ds(f * L, L)
                    tv = nbuf_v[r, sl]
                    abuf_v[r, sl] = abuf_v[r, sl] + tv
                    gbuf_v[r, sl] = d2 * tv

            pltpu.async_copy(abuf_v, acc_hbm.at[pl.ds(sb, SUB)], sem_w1)
            pltpu.async_copy(gbuf_v, g_hbm.at[pl.ds(sb, SUB)], sem_w2)

        sbl = base + (NSUB - 1) * SUB
        pltpu.make_async_copy(abuf_v, acc_hbm.at[pl.ds(sbl, SUB)], sem_w1).wait()
        pltpu.make_async_copy(gbuf_v, g_hbm.at[pl.ds(sbl, SUB)], sem_w2).wait()
        pltpu.make_async_copy(zero_s, t_s.at[pl.ds(sbl, SUB)], sem_w3).wait()

        plsc.subcore_barrier()

    g0v = gam_v[0, :]
    rsr2 = gam_v[3, :]

    @pl.loop(0, NSUB)
    def _out(s):
        sb = base + s * SUB
        pltpu.sync_copy(h_hbm.at[pl.ds(sb, SUB)], nbuf_v)
        pltpu.sync_copy(acc_hbm.at[pl.ds(sb, SUB)], abuf_v)

        @pl.loop(0, SUB)
        def _row(r):
            d2 = dis2_v[s * SUB + r, :]
            dis = jnp.where(d2 > 0.0, d2 * _rsqrt16(d2) * rsr2, 0.0)
            for f in range(4):
                sl = pl.ds(f * L, L)
                gbuf_v[r, sl] = g0v * nbuf_v[r, sl] + dis * abuf_v[r, sl]

        pltpu.sync_copy(gbuf_v, out_hbm.at[pl.ds(sb, SUB)])


_prop = pl.kernel(
    _prop_body,
    out_type=(
        jax.ShapeDtypeStruct((N_PAD, NCLASS), jnp.float32),
        jax.ShapeDtypeStruct((N_PAD, NCLASS), jnp.float32),
        jax.ShapeDtypeStruct((N_PAD, NCLASS), jnp.float32),
    ),
    mesh=plsc.VectorSubcoreMesh(core_axis_name="c", subcore_axis_name="s",
                                num_cores=1),
    scratch_types=[
        pltpu.VMEM((2, U, CH), jnp.int32),
        pltpu.VMEM((2, U, CH), jnp.int32),
        pltpu.VMEM((4, CH, NCLASS), jnp.float32),
        pltpu.VMEM((SUB, NCLASS), jnp.float32),
        pltpu.VMEM((SUB, NCLASS), jnp.float32),
        pltpu.VMEM((SUB, NCLASS), jnp.float32),
        pltpu.VMEM((DSUB, L), jnp.float32),
        pltpu.VMEM((NODES_W, L), jnp.float32),
        pltpu.VMEM((CH, L), jnp.float32),
        pltpu.VMEM((L, L), jnp.float32),
        pltpu.SemaphoreType.DMA,
        pltpu.SemaphoreType.DMA((4,)),
        pltpu.SemaphoreType.DMA((4,)),
        pltpu.SemaphoreType.DMA,
        pltpu.SemaphoreType.DMA,
        pltpu.SemaphoreType.DMA,
        pltpu.SemaphoreType.DMA,
        pltpu.SemaphoreType.DMA,
        pltpu.VMEM_SHARED((N_PAD, NCLASS), jnp.float32),
        pltpu.VMEM_SHARED((N_PAD, L), jnp.float32),
        pltpu.VMEM_SHARED((SUB, NCLASS), jnp.float32),
    ],
    compiler_params=pltpu.CompilerParams(needs_layout_passes=False,
                                         use_tc_tiling_on_sc=False),
)


def kernel(x, edge_index, W1, b1, W2, b2, gamma):
    x = x.astype(jnp.float32)
    x_pad = jnp.pad(x, ((0, N_PAD - N_NODES), (0, 0)))
    h = _mlp(x_pad, W1, b1, W2, b2)

    row = edge_index[0].astype(jnp.int32)
    col = edge_index[1].astype(jnp.int32)
    n_extra = E_PAD - N_EDGES
    pad_idx = N_NODES + (jnp.arange(n_extra, dtype=jnp.int32) % (N_PAD - N_NODES))
    row_p = jnp.concatenate([row, pad_idx]).reshape(NW * CHUNKS, CH)
    col_p = jnp.concatenate([col, pad_idx]).reshape(NW * CHUNKS, CH)

    gamma = gamma.astype(jnp.float32)
    ratio = jnp.where(gamma[1] != 0, gamma[2] / gamma[1], 0.0)
    rs = jnp.where(ratio > 0, 1.0 / jnp.sqrt(ratio), 0.0)
    ones = jnp.ones((L,), jnp.float32)
    gam_exp = jnp.zeros((L, L), jnp.float32)
    gam_exp = gam_exp.at[0].set(gamma[0] * ones)
    gam_exp = gam_exp.at[1].set(gamma[1] * ones)
    gam_exp = gam_exp.at[2].set(ratio * ones)
    gam_exp = gam_exp.at[3].set(rs * ones)

    out, _, _ = _prop(h, row_p, col_p, gam_exp)
    return out[:N_NODES]

# --- scband reference (transcript-rebuilt; emitter-appended) ---
"""Pipeline reference for scband-gprgnn-52261162058537 (READ-ONLY COPY).

The authoritative reference and input builder live on the scoring server;
editing this copy changes nothing except your own understanding.
"""

import jax, jax.numpy as jnp
import numpy as np

N_NODES = 10000
N_EDGES = 320000
NFEAT = 128
NHID = 128
NCLASS = 64
K = 10
ALPHA = 0.1


def setup_inputs(seed: int = 0) -> dict:
    key = jax.random.key(seed)
    k_x, k_e, k_w1, k_b1, k_w2, k_b2 = jax.random.split(key, 6)
    x = jax.random.normal(k_x, (N_NODES, NFEAT), dtype=jnp.float32)
    edge_index = jax.random.randint(k_e, (2, N_EDGES), 0, N_NODES, dtype=jnp.int64)
    # Linear layer params (torch nn.Linear default init: U(-1/sqrt(fan_in), 1/sqrt(fan_in)))
    lim1 = 1.0 / np.sqrt(NFEAT)
    W1 = jax.random.uniform(k_w1, (NFEAT, NHID), dtype=jnp.float32, minval=-lim1, maxval=lim1)
    b1 = jax.random.uniform(k_b1, (NHID,), dtype=jnp.float32, minval=-lim1, maxval=lim1)
    lim2 = 1.0 / np.sqrt(NHID)
    W2 = jax.random.uniform(k_w2, (NHID, NCLASS), dtype=jnp.float32, minval=-lim2, maxval=lim2)
    b2 = jax.random.uniform(k_b2, (NCLASS,), dtype=jnp.float32, minval=-lim2, maxval=lim2)
    gamma = (ALPHA * (1.0 - ALPHA) ** jnp.arange(K + 1)).astype(jnp.float32)
    return {"x": x, "edge_index": edge_index, "W1": W1, "b1": b1, "W2": W2, "b2": b2, "gamma": gamma}


def reference(x, edge_index, W1, b1, W2, b2, gamma):
    # Eval mode: dropout is identity
    num_nodes = x.shape[0]
    x = x.astype(jnp.float32)
    h = jnp.maximum(x @ W1 + b1, 0.0)
    h = h @ W2 + b2
    row = edge_index[0]
    col = edge_index[1]
    deg = jnp.zeros((num_nodes,), dtype=jnp.float32).at[row].add(jnp.ones_like(row, dtype=jnp.float32))
    deg_inv_sqrt = jnp.where(deg > 0, 1.0 / jnp.sqrt(deg), 0.0)
    norm = deg_inv_sqrt[row] * deg_inv_sqrt[col]
    out = gamma[0] * h
    h_k = h
    for k in range(1, K + 1):
        msg = h_k[row] * norm[:, None]
        h_k = jnp.zeros_like(h_k).at[col].add(msg)
        out = out + gamma[k] * h_k
    return out

if __name__ == "__main__":
    import jax
    _d = setup_inputs()
    print(jax.jit(kernel)(*tuple(_d.values())))

</pallas_src>

<mosaic_0001>
#map = affine_map<(d0, d1) -> (0, 0)>
module attributes {stable_mosaic.version = 14 : i64} {
  func.func @_prop_body(%arg0: i32, %arg1: i32, %arg2: memref<10240x64xf32, #tpu.memory_space<hbm>>, %arg3: memref<2560x128xi32, #tpu.memory_space<hbm>>, %arg4: memref<2560x128xi32, #tpu.memory_space<hbm>>, %arg5: memref<16x16xf32, #tpu.memory_space<hbm>>, %arg6: memref<10240x64xf32, #tpu.memory_space<hbm>>, %arg7: memref<10240x64xf32, #tpu.memory_space<hbm>>, %arg8: memref<10240x64xf32, #tpu.memory_space<hbm>>, %arg9: memref<2x8x128xi32, #tpu.memory_space<vmem>>, %arg10: memref<2x8x128xi32, #tpu.memory_space<vmem>>, %arg11: memref<4x128x64xf32, #tpu.memory_space<vmem>>, %arg12: memref<64x64xf32, #tpu.memory_space<vmem>>, %arg13: memref<64x64xf32, #tpu.memory_space<vmem>>, %arg14: memref<64x64xf32, #tpu.memory_space<vmem>>, %arg15: memref<64x16xf32, #tpu.memory_space<vmem>>, %arg16: memref<640x16xf32, #tpu.memory_space<vmem>>, %arg17: memref<128x16xf32, #tpu.memory_space<vmem>>, %arg18: memref<16x16xf32, #tpu.memory_space<vmem>>, %arg19: memref<!tpu.dma_semaphore, #tpu.memory_space<semaphore_mem>>, %arg20: memref<4x!tpu.dma_semaphore, #tpu.memory_space<semaphore_mem>>, %arg21: memref<4x!tpu.dma_semaphore, #tpu.memory_space<semaphore_mem>>, %arg22: memref<!tpu.dma_semaphore, #tpu.memory_space<semaphore_mem>>, %arg23: memref<!tpu.dma_semaphore, #tpu.memory_space<semaphore_mem>>, %arg24: memref<!tpu.dma_semaphore, #tpu.memory_space<semaphore_mem>>, %arg25: memref<!tpu.dma_semaphore, #tpu.memory_space<semaphore_mem>>, %arg26: memref<!tpu.dma_semaphore, #tpu.memory_space<semaphore_mem>>, %arg27: memref<10240x64xf32, #tpu.memory_space<vmem_shared>>, %arg28: memref<10240x16xf32, #tpu.memory_space<vmem_shared>>, %arg29: memref<64x64xf32, #tpu.memory_space<vmem_shared>>) attributes {dimension_semantics = [#tpu.dimension_semantics<core_parallel>, #tpu.dimension_semantics<subcore_parallel>], iteration_bounds = array<i64: 1, 16>, scalar_prefetch = 0 : i64, scratch_operands = 21 : i64, tpu.core_type = #tpu.core_type<sc_vector_subcore>, window_params = [{transform_indices = #map}, {transform_indices = #map}, {transform_indices = #map}, {transform_indices = #map}, {transform_indices = #map}, {transform_indices = #map}, {transform_indices = #map}]} {
    %mul3A = arith.constant 640 : i32
    %mul3A_0 = arith.muli %arg1, %mul3A : i32
    %mul3A_1 = arith.constant 160 : i32
    %mul3A_2 = arith.muli %arg1, %mul3A_1 : i32
    "tpu.region"() ({
      %run_scoped3A = tpu.sem_alloc : memref<!tpu.dma_semaphore, #tpu.memory_space<semaphore_mem>>
      tpu.enqueue_dma source(%arg5 : memref<16x16xf32, #tpu.memory_space<hbm>>) target(%arg18 : memref<16x16xf32, #tpu.memory_space<vmem>>) target_semaphore(%run_scoped3A : memref<!tpu.dma_semaphore, #tpu.memory_space<semaphore_mem>>)
      tpu.wait_dma2 semaphore(%run_scoped3A : memref<!tpu.dma_semaphore, #tpu.memory_space<semaphore_mem>>) src(%arg5 : memref<16x16xf32, #tpu.memory_space<hbm>>) dst(%arg18 : memref<16x16xf32, #tpu.memory_space<vmem>>)
      tpu.yield
    }) : () -> ()
    %scan3A = arith.constant 0 : i32
    %scan3A_3 = arith.constant 128 : i32
    %scan3A_4 = arith.addi %scan3A, %scan3A_3 : i32
    %scan3A_5 = arith.constant 1 : i32
    scf.for %scan3A_75 = %scan3A to %scan3A_4 step %scan3A_5  : i32 {
      %mul3A_76 = arith.constant 1 : i32
      %mul3A_77 = arith.muli %scan3A_75, %mul3A_76 : i32
      %add3A = arith.constant 0 : i32
      %add3A_78 = arith.addi %add3A, %mul3A_77 : i32
      %broadcast_in_dim3A = arith.constant 1.000000e+00 : f32
      %broadcast_in_dim3A_79 = vector.broadcast %broadcast_in_dim3A : f32 to vector<16xf32>
      %swap3A = arith.index_cast %add3A_78 : i32 to index
      %swap3A_80 = arith.constant 0 : index
      %swap3A_81 = tpu.vector_load %arg17[%swap3A, %swap3A_80] {strides = array<i32>} : memref<128x16xf32, #tpu.memory_space<vmem>>, vector<16xf32>,
      tpu.vector_store %arg17[%swap3A, %swap3A_80], %broadcast_in_dim3A_79 {strides = array<i32>} : memref<128x16xf32, #tpu.memory_space<vmem>>, vector<16xf32>,
    }
    %scan3A_6 = arith.constant 128 : i32
    %scan3A_7 = arith.constant 0 : i32
    %scan3A_8 = arith.constant 64 : i32
    %scan3A_9 = arith.addi %scan3A_7, %scan3A_8 : i32
    %scan3A_10 = arith.constant 1 : i32
    scf.for %scan3A_75 = %scan3A_7 to %scan3A_9 step %scan3A_10  : i32 {
      %mul3A_76 = arith.constant 1 : i32
      %mul3A_77 = arith.muli %scan3A_75, %mul3A_76 : i32
      %add3A = arith.constant 0 : i32
      %add3A_78 = arith.addi %add3A, %mul3A_77 : i32
      %broadcast_in_dim3A = arith.constant 0.000000e+00 : f32
      %broadcast_in_dim3A_79 = vector.broadcast %broadcast_in_dim3A : f32 to vector<16xf32>
      %swap3A = arith.index_cast %add3A_78 : i32 to index
      %swap3A_80 = arith.constant 0 : index
      %swap3A_81 = tpu.vector_load %arg13[%swap3A, %swap3A_80] {strides = array<i32>} : memref<64x64xf32, #tpu.memory_space<vmem>>, vector<16xf32>,
      tpu.vector_store %arg13[%swap3A, %swap3A_80], %broadcast_in_dim3A_79 {strides = array<i32>} : memref<64x64xf32, #tpu.memory_space<vmem>>, vector<16xf32>,
      %broadcast_in_dim3A_82 = arith.constant 0.000000e+00 : f32
      %broadcast_in_dim3A_83 = vector.broadcast %broadcast_in_dim3A_82 : f32 to vector<16xf32>
      %swap3A_84 = arith.index_cast %add3A_78 : i32 to index
      %swap3A_85 = arith.constant 16 : index
      %swap3A_86 = tpu.vector_load %arg13[%swap3A_84, %swap3A_85] {strides = array<i32>} : memref<64x64xf32, #tpu.memory_space<vmem>>, vector<16xf32>,
      tpu.vector_store %arg13[%swap3A_84, %swap3A_85], %broadcast_in_dim3A_83 {strides = array<i32>} : memref<64x64xf32, #tpu.memory_space<vmem>>, vector<16xf32>,
      %broadcast_in_dim3A_87 = arith.constant 0.000000e+00 : f32
      %broadcast_in_dim3A_88 = vector.broadcast %broadcast_in_dim3A_87 : f32 to vector<16xf32>
      %swap3A_89 = arith.index_cast %add3A_78 : i32 to index
      %swap3A_90 = arith.constant 32 : index
      %swap3A_91 = tpu.vector_load %arg13[%swap3A_89, %swap3A_90] {strides = array<i32>} : memref<64x64xf32, #tpu.memory_space<vmem>>, vector<16xf32>,
      tpu.vector_store %arg13[%swap3A_89, %swap3A_90], %broadcast_in_dim3A_88 {strides = array<i32>} : memref<64x64xf32, #tpu.memory_space<vmem>>, vector<16xf32>,
      %broadcast_in_dim3A_92 = arith.constant 0.000000e+00 : f32
      %broadcast_in_dim3A_93 = vector.broadcast %broadcast_in_dim3A_92 : f32 to vector<16xf32>
      %swap3A_94 = arith.index_cast %add3A_78 : i32 to index
      %swap3A_95 = arith.constant 48 : index
      %swap3A_96 = tpu.vector_load %arg13[%swap3A_94, %swap3A_95] {strides = array<i32>} : memref<64x64xf32, #tpu.memory_space<vmem>>, vector<16xf32>,
      tpu.vector_store %arg13[%swap3A_94, %swap3A_95], %broadcast_in_dim3A_93 {strides = array<i32>} : memref<64x64xf32, #tpu.memory_space<vmem>>, vector<16xf32>,
    }
    %scan3A_11 = arith.constant 64 : i32
    %scan3A_12 = arith.constant 0 : i32
    %scan3A_13 = arith.constant 64 : i32
    %scan3A_14 = arith.addi %scan3A_12, %scan3A_13 : i32
    %scan3A_15 = arith.constant 1 : i32
    scf.for %scan3A_75 = %scan3A_12 to %scan3A_14 step %scan3A_15  : i32 {
      %mul3A_76 = arith.constant 1 : i32
      %mul3A_77 = arith.muli %scan3A_75, %mul3A_76 : i32
      %add3A = arith.constant 0 : i32
      %add3A_78 = arith.addi %add3A, %mul3A_77 : i32
      %broadcast_in_dim3A = arith.constant 0.000000e+00 : f32
      %broadcast_in_dim3A_79 = vector.broadcast %broadcast_in_dim3A : f32 to vector<16xf32>
      %swap3A = arith.index_cast %add3A_78 : i32 to index
      %swap3A_80 = arith.constant 0 : index
      %swap3A_81 = tpu.vector_load %arg15[%swap3A, %swap3A_80] {strides = array<i32>} : memref<64x16xf32, #tpu.memory_space<vmem>>, vector<16xf32>,
      tpu.vector_store %arg15[%swap3A, %swap3A_80], %broadcast_in_dim3A_79 {strides = array<i32>} : memref<64x16xf32, #tpu.memory_space<vmem>>, vector<16xf32>,
    }
    %scan3A_16 = arith.constant 64 : i32
    %scan3A_17 = arith.constant 0 : i32
    %scan3A_18 = arith.constant 10 : i32
    %scan3A_19 = arith.addi %scan3A_17, %scan3A_18 : i32
    %scan3A_20 = arith.constant 1 : i32
    scf.for %scan3A_75 = %scan3A_17 to %scan3A_19 step %scan3A_20  : i32 {
      %mul3A_76 = arith.constant 1 : i32
      %mul3A_77 = arith.muli %scan3A_75, %mul3A_76 : i32
      %add3A = arith.constant 0 : i32
      %add3A_78 = arith.addi %add3A, %mul3A_77 : i32
      %mul3A_79 = arith.constant 64 : i32
      %mul3A_80 = arith.muli %add3A_78, %mul3A_79 : i32
      %add3A_81 = arith.addi %mul3A_0, %mul3A_80 : i32
      "tpu.region"() ({
        %run_scoped3A = tpu.sem_alloc : memref<!tpu.dma_semaphore, #tpu.memory_space<semaphore_mem>>
        %dma_start3A = arith.constant 0 : i32
        %dma_start3A_82 = tpu.memref_slice %arg28[%add3A_81, %dma_start3A] : memref<10240x16xf32, #tpu.memory_space<vmem_shared>> -> memref<64x16xf32, #tpu.memory_space<vmem_shared>>
        %dma_start3A_83 = arith.constant 0 : i32
        %dma_start3A_84 = tpu.memref_slice %arg28[%add3A_81, %dma_start3A_83] : memref<10240x16xf32, #tpu.memory_space<vmem_shared>> -> memref<64x16xf32, #tpu.memory_space<vmem_shared>>
        tpu.enqueue_dma source(%arg15 : memref<64x16xf32, #tpu.memory_space<vmem>>) target(%dma_start3A_84 : memref<64x16xf32, #tpu.memory_space<vmem_shared>>) target_semaphore(%run_scoped3A : memref<!tpu.dma_semaphore, #tpu.memory_space<semaphore_mem>>)
        %dma_wait3A = arith.constant 0 : i32
        %dma_wait3A_85 = tpu.memref_slice %arg28[%add3A_81, %dma_wait3A] : memref<10240x16xf32, #tpu.memory_space<vmem_shared>> -> memref<64x16xf32, #tpu.memory_space<vmem_shared>>
        %dma_wait3A_86 = arith.constant 0 : i32
        %dma_wait3A_87 = tpu.memref_slice %arg28[%add3A_81, %dma_wait3A_86] : memref<10240x16xf32, #tpu.memory_space<vmem_shared>> -> memref<64x16xf32, #tpu.memory_space<vmem_shared>>
        tpu.wait_dma2 semaphore(%run_scoped3A : memref<!tpu.dma_semaphore, #tpu.memory_space<semaphore_mem>>) src(%arg15 : memref<64x16xf32, #tpu.memory_space<vmem>>) dst(%dma_wait3A_87 : memref<64x16xf32, #tpu.memory_space<vmem_shared>>)
        tpu.yield
      }) : () -> ()
    }
    %scan3A_21 = arith.constant 10 : i32
    %eq3A = arith.constant 0 : i32
    %eq3A_22 = arith.cmpi eq, %arg1, %eq3A : i32
    %convert_element_type3A = arith.extui %eq3A_22 : i1 to i32
    %cond3A = arith.constant 0 : i32
    %cond3A_23 = arith.cmpi ne, %convert_element_type3A, %cond3A : i32
    scf.if %cond3A_23 {
      "tpu.region"() ({
        %run_scoped3A = tpu.sem_alloc : memref<!tpu.dma_semaphore, #tpu.memory_space<semaphore_mem>>
        tpu.enqueue_dma source(%arg13 : memref<64x64xf32, #tpu.memory_space<vmem>>) target(%arg29 : memref<64x64xf32, #tpu.memory_space<vmem_shared>>) target_semaphore(%run_scoped3A : memref<!tpu.dma_semaphore, #tpu.memory_space<semaphore_mem>>)
        tpu.wait_dma2 semaphore(%run_scoped3A : memref<!tpu.dma_semaphore, #tpu.memory_space<semaphore_mem>>) src(%arg13 : memref<64x64xf32, #tpu.memory_space<vmem>>) dst(%arg29 : memref<64x64xf32, #tpu.memory_space<vmem_shared>>)
        tpu.yield
      }) : () -> ()
    } else {
    }
    %barrier3A = arith.constant 0 : index
    tpu.barrier barrier_id(%barrier3A)
    %scan3A_24 = arith.constant 0 : i32
    %scan3A_25 = arith.constant 10 : i32
    %scan3A_26 = arith.addi %scan3A_24, %scan3A_25 : i32
    %scan3A_27 = arith.constant 1 : i32
    scf.for %scan3A_75 = %scan3A_24 to %scan3A_26 step %scan3A_27  : i32 {
      %mul3A_76 = arith.constant 1 : i32
      %mul3A_77 = arith.muli %scan3A_75, %mul3A_76 : i32
      %add3A = arith.constant 0 : i32
      %add3A_78 = arith.addi %add3A, %mul3A_77 : i32
      %mul3A_79 = arith.constant 64 : i32
      %mul3A_80 = arith.muli %add3A_78, %mul3A_79 : i32
      %add3A_81 = arith.addi %mul3A_0, %mul3A_80 : i32
      "tpu.region"() ({
        %run_scoped3A = tpu.sem_alloc : memref<!tpu.dma_semaphore, #tpu.memory_space<semaphore_mem>>
        %dma_start3A = arith.constant 0 : i32
        %dma_start3A_85 = tpu.memref_slice %arg27[%add3A_81, %dma_start3A] : memref<10240x64xf32, #tpu.memory_space<vmem_shared>> -> memref<64x64xf32, #tpu.memory_space<vmem_shared>>
        tpu.enqueue_dma source(%arg29 : memref<64x64xf32, #tpu.memory_space<vmem_shared>>) target(%dma_start3A_85 : memref<64x64xf32, #tpu.memory_space<vmem_shared>>) target_semaphore(%run_scoped3A : memref<!tpu.dma_semaphore, #tpu.memory_space<semaphore_mem>>)
        %dma_wait3A = arith.constant 0 : i32
        %dma_wait3A_86 = tpu.memref_slice %arg27[%add3A_81, %dma_wait3A] : memref<10240x64xf32, #tpu.memory_space<vmem_shared>> -> memref<64x64xf32, #tpu.memory_space<vmem_shared>>
        tpu.wait_dma2 semaphore(%run_scoped3A : memref<!tpu.dma_semaphore, #tpu.memory_space<semaphore_mem>>) src(%arg29 : memref<64x64xf32, #tpu.memory_space<vmem_shared>>) dst(%dma_wait3A_86 : memref<64x64xf32, #tpu.memory_space<vmem_shared>>)
        tpu.yield
      }) : () -> ()
      %mul3A_82 = arith.constant 64 : i32
      %mul3A_83 = arith.muli %add3A_78, %mul3A_82 : i32
      %add3A_84 = arith.addi %mul3A_0, %mul3A_83 : i32
      "tpu.region"() ({
        %run_scoped3A = tpu.sem_alloc : memref<!tpu.dma_semaphore, #tpu.memory_space<semaphore_mem>>
        %dma_start3A = arith.constant 0 : i32
        %dma_start3A_85 = tpu.memref_slice %arg7[%add3A_84, %dma_start3A] : memref<10240x64xf32, #tpu.memory_space<hbm>> -> memref<64x64xf32, #tpu.memory_space<hbm>>
        tpu.enqueue_dma source(%arg29 : memref<64x64xf32, #tpu.memory_space<vmem_shared>>) target(%dma_start3A_85 : memref<64x64xf32, #tpu.memory_space<hbm>>) target_semaphore(%run_scoped3A : memref<!tpu.dma_semaphore, #tpu.memory_space<semaphore_mem>>)
        %dma_wait3A = arith.constant 0 : i32
        %dma_wait3A_86 = tpu.memref_slice %arg7[%add3A_84, %dma_wait3A] : memref<10240x64xf32, #tpu.memory_space<hbm>> -> memref<64x64xf32, #tpu.memory_space<hbm>>
        tpu.wait_dma2 semaphore(%run_scoped3A : memref<!tpu.dma_semaphore, #tpu.memory_space<semaphore_mem>>) src(%arg29 : memref<64x64xf32, #tpu.memory_space<vmem_shared>>) dst(%dma_wait3A_86 : memref<64x64xf32, #tpu.memory_space<hbm>>)
        tpu.yield
      }) : () -> ()
    }
    %scan3A_28 = arith.constant 10 : i32
    %scan3A_29 = arith.constant 0 : i32
    %scan3A_30 = arith.constant 20 : i32
    %scan3A_31 = arith.addi %scan3A_29, %scan3A_30 : i32
    %scan3A_32 = arith.constant 1 : i32
    scf.for %scan3A_75 = %scan3A_29 to %scan3A_31 step %scan3A_32  : i32 {
      %mul3A_76 = arith.constant 1 : i32
      %mul3A_77 = arith.muli %scan3A_75, %mul3A_76 : i32
      %add3A = arith.constant 0 : i32
      %add3A_78 = arith.addi %add3A, %mul3A_77 : i32
      %mul3A_79 = arith.constant 8 : i32
      %mul3A_80 = arith.muli %add3A_78, %mul3A_79 : i32
      %add3A_81 = arith.addi %mul3A_2, %mul3A_80 : i32
      %run_scoped3A = arith.constant 0 : i32
      "tpu.region"() ({
        %run_scoped3A_98 = tpu.sem_alloc : memref<!tpu.dma_semaphore, #tpu.memory_space<semaphore_mem>>
        %dma_start3A = arith.constant 0 : i32
        %dma_start3A_99 = arith.constant 0 : i32
        %dma_start3A_100 = tpu.memref_slice %arg9[%run_scoped3A, %dma_start3A, %dma_start3A_99] : memref<2x8x128xi32, #tpu.memory_space<vmem>> -> memref<1x8x128xi32, #tpu.memory_space<vmem>>
        %dma_start3A_101 = tpu.memref_squeeze %dma_start3A_100 : memref<1x8x128xi32, #tpu.memory_space<vmem>> -> memref<8x128xi32, #tpu.memory_space<vmem>>
        %dma_start3A_102 = arith.constant 0 : i32
        %dma_start3A_103 = tpu.memref_slice %arg3[%add3A_81, %dma_start3A_102] : memref<2560x128xi32, #tpu.memory_space<hbm>> -> memref<8x128xi32, #tpu.memory_space<hbm>>
        %dma_start3A_104 = arith.constant 0 : i32
        %dma_start3A_105 = arith.constant 0 : i32
        %dma_start3A_106 = tpu.memref_slice %arg9[%run_scoped3A, %dma_start3A_104, %dma_start3A_105] : memref<2x8x128xi32, #tpu.memory_space<vmem>> -> memref<1x8x128xi32, #tpu.memory_space<vmem>>
        %dma_start3A_107 = tpu.memref_squeeze %dma_start3A_106 : memref<1x8x128xi32, #tpu.memory_space<vmem>> -> memref<8x128xi32, #tpu.memory_space<vmem>>
        %dma_start3A_108 = arith.constant 0 : i32
        %dma_start3A_109 = tpu.memref_slice %arg3[%add3A_81, %dma_start3A_108] : memref<2560x128xi32, #tpu.memory_space<hbm>> -> memref<8x128xi32, #tpu.memory_space<hbm>>
        tpu.enqueue_dma source(%dma_start3A_109 : memref<8x128xi32, #tpu.memory_space<hbm>>) target(%dma_start3A_107 : memref<8x128xi32, #tpu.memory_space<vmem>>) target_semaphore(%run_scoped3A_98 : memref<!tpu.dma_semaphore, #tpu.memory_space<semaphore_mem>>)
        %dma_wait3A = arith.constant 0 : i32
        %dma_wait3A_110 = arith.constant 0 : i32
        %dma_wait3A_111 = tpu.memref_slice %arg9[%run_scoped3A, %dma_wait3A, %dma_wait3A_110] : memref<2x8x128xi32, #tpu.memory_space<vmem>> -> memref<1x8x128xi32, #tpu.memory_space<vmem>>
        %dma_wait3A_112 = tpu.memref_squeeze %dma_wait3A_111 : memref<1x8x128xi32, #tpu.memory_space<vmem>> -> memref<8x128xi32, #tpu.memory_space<vmem>>
        %dma_wait3A_113 = arith.constant 0 : i32
        %dma_wait3A_114 = tpu.memref_slice %arg3[%add3A_81, %dma_wait3A_113] : memref<2560x128xi32, #tpu.memory_space<hbm>> -> memref<8x128xi32, #tpu.memory_space<hbm>>
        %dma_wait3A_115 = arith.constant 0 : i32
        %dma_wait3A_116 = arith.constant 0 : i32
        %dma_wait3A_117 = tpu.memref_slice %arg9[%run_scoped3A, %dma_wait3A_115, %dma_wait3A_116] : memref<2x8x128xi32, #tpu.memory_space<vmem>> -> memref<1x8x128xi32, #tpu.memory_space<vmem>>
        %dma_wait3A_118 = tpu.memref_squeeze %dma_wait3A_117 : memref<1x8x128xi32, #tpu.memory_space<vmem>> -> memref<8x128xi32, #tpu.memory_space<vmem>>
        %dma_wait3A_119 = arith.constant 0 : i32
        %dma_wait3A_120 = tpu.memref_slice %arg3[%add3A_81, %dma_wait3A_119] : memref<2560x128xi32, #tpu.memory_space<hbm>> -> memref<8x128xi32, #tpu.memory_space<hbm>>
        tpu.wait_dma2 semaphore(%run_scoped3A_98 : memref<!tpu.dma_semaphore, #tpu.memory_space<semaphore_mem>>) src(%dma_wait3A_120 : memref<8x128xi32, #tpu.memory_space<hbm>>) dst(%dma_wait3A_118 : memref<8x128xi32, #tpu.memory_space<vmem>>)
        tpu.yield
      }) : () -> ()
      %run_scoped3A_82 = arith.constant 0 : i32
      %run_scoped3A_83 = arith.constant 0 : i32
      "tpu.region"() ({
        %run_scoped3A_98 = tpu.sem_alloc : memref<!tpu.dma_semaphore, #tpu.memory_space<semaphore_mem>>
        %dma_start3A = arith.constant 0 : i32
        %dma_start3A_99 = tpu.memref_slice %arg9[%run_scoped3A_82, %run_scoped3A_83, %dma_start3A] : memref<2x8x128xi32, #tpu.memory_space<vmem>> -> memref<1x1x128xi32, #tpu.memory_space<vmem>>
        %dma_start3A_100 = tpu.memref_squeeze %dma_start3A_99 : memref<1x1x128xi32, #tpu.memory_space<vmem>> -> memref<128xi32, #tpu.memory_space<vmem>>
        %dma_start3A_101 = arith.constant 0 : i32
        %dma_start3A_102 = arith.constant 0 : i32
        %dma_start3A_103 = tpu.memref_slice %arg28[%dma_start3A_101, %dma_start3A_102] : memref<10240x16xf32, #tpu.memory_space<vmem_shared>> -> memref<10240x16xf32, #tpu.memory_space<vmem_shared>>
        tpu.enqueue_indirect_dma source(%arg17 : memref<128x16xf32, #tpu.memory_space<vmem>>) target(%dma_start3A_103 : memref<10240x16xf32, #tpu.memory_space<vmem_shared>>) offsets(%dma_start3A_100 : memref<128xi32, #tpu.memory_space<vmem>>) semaphore(%run_scoped3A_98 : memref<!tpu.dma_semaphore, #tpu.memory_space<semaphore_mem>>) {add = true}
        %dma_wait3A = arith.constant 0 : i32
        %dma_wait3A_104 = tpu.memref_slice %arg9[%run_scoped3A_82, %run_scoped3A_83, %dma_wait3A] : memref<2x8x128xi32, #tpu.memory_space<vmem>> -> memref<1x1x128xi32, #tpu.memory_space<vmem>>
        %dma_wait3A_105 = tpu.memref_squeeze %dma_wait3A_104 : memref<1x1x128xi32, #tpu.memory_space<vmem>> -> memref<128xi32, #tpu.memory_space<vmem>>
        %dma_wait3A_106 = arith.constant 0 : i32
        %dma_wait3A_107 = arith.constant 0 : i32
        %dma_wait3A_108 = tpu.memref_slice %arg28[%dma_wait3A_106, %dma_wait3A_107] : memref<10240x16xf32, #tpu.memory_space<vmem_shared>> -> memref<10240x16xf32, #tpu.memory_space<vmem_shared>>
        tpu.wait_indirect_dma semaphore(%run_scoped3A_98 : memref<!tpu.dma_semaphore, #tpu.memory_space<semaphore_mem>>) src(%arg17 : memref<128x16xf32, #tpu.memory_space<vmem>>) dst(%dma_wait3A_108 : memref<10240x16xf32, #tpu.memory_space<vmem_shared>>)
        tpu.yield
      }) : () -> ()
      %run_scoped3A_84 = arith.constant 0 : i32
      %run_scoped3A_85 = arith.constant 1 : i32
      "tpu.region"() ({
        %run_scoped3A_98 = tpu.sem_alloc : memref<!tpu.dma_semaphore, #tpu.memory_space<semaphore_mem>>
        %dma_start3A = arith.constant 0 : i32
        %dma_start3A_99 = tpu.memref_slice %arg9[%run_scoped3A_84, %run_scoped3A_85, %dma_start3A] : memref<2x8x128xi32, #tpu.memory_space<vmem>> -> memref<1x1x128xi32, #tpu.memory_space<vmem>>
        %dma_start3A_100 = tpu.memref_squeeze %dma_start3A_99 : memref<1x1x128xi32, #tpu.memory_space<vmem>> -> memref<128xi32, #tpu.memory_space<vmem>>
        %dma_start3A_101 = arith.constant 0 : i32
        %dma_start3A_102 = arith.constant 0 : i32
        %dma_start3A_103 = tpu.memref_slice %arg28[%dma_start3A_101, %dma_start3A_102] : memref<10240x16xf32, #tpu.memory_space<vmem_shared>> -> memref<10240x16xf32, #tpu.memory_space<vmem_shared>>
        tpu.enqueue_indirect_dma source(%arg17 : memref<128x16xf32, #tpu.memory_space<vmem>>) target(%dma_start3A_103 : memref<10240x16xf32, #tpu.memory_space<vmem_shared>>) offsets(%dma_start3A_100 : memref<128xi32, #tpu.memory_space<vmem>>) semaphore(%run_scoped3A_98 : memref<!tpu.dma_semaphore, #tpu.memory_space<semaphore_mem>>) {add = true}
        %dma_wait3A = arith.constant 0 : i32
        %dma_wait3A_104 = tpu.memref_slice %arg9[%run_scoped3A_84, %run_scoped3A_85, %dma_wait3A] : memref<2x8x128xi32, #tpu.memory_space<vmem>> -> memref<1x1x128xi32, #tpu.memory_space<vmem>>
        %dma_wait3A_105 = tpu.memref_squeeze %dma_wait3A_104 : memref<1x1x128xi32, #tpu.memory_space<vmem>> -> memref<128xi32, #tpu.memory_space<vmem>>
        %dma_wait3A_106 = arith.constant 0 : i32
        %dma_wait3A_107 = arith.constant 0 : i32
        %dma_wait3A_108 = tpu.memref_slice %arg28[%dma_wait3A_106, %dma_wait3A_107] : memref<10240x16xf32, #tpu.memory_space<vmem_shared>> -> memref<10240x16xf32, #tpu.memory_space<vmem_shared>>
        tpu.wait_indirect_dma semaphore(%run_scoped3A_98 : memref<!tpu.dma_semaphore, #tpu.memory_space<semaphore_mem>>) src(%arg17 : memref<128x16xf32, #tpu.memory_space<vmem>>) dst(%dma_wait3A_108 : memref<10240x16xf32, #tpu.memory_space<vmem_shared>>)
        tpu.yield
      }) : () -> ()
      %run_scoped3A_86 = arith.constant 0 : i32
      %run_scoped3A_87 = arith.constant 2 : i32
      "tpu.region"() ({
        %run_scoped3A_98 = tpu.sem_alloc : memref<!tpu.dma_semaphore, #tpu.memory_space<semaphore_mem>>
        %dma_start3A = arith.constant 0 : i32
        %dma_start3A_99 = tpu.memref_slice %arg9[%run_scoped3A_86, %run_scoped3A_87, %dma_start3A] : memref<2x8x128xi32, #tpu.memory_space<vmem>> -> memref<1x1x128xi32, #tpu.memory_space<vmem>>
        %dma_start3A_100 = tpu.memref_squeeze %dma_start3A_99 : memref<1x1x128xi32, #tpu.memory_space<vmem>> -> memref<128xi32, #tpu.memory_space<vmem>>
        %dma_start3A_101 = arith.constant 0 : i32
        %dma_start3A_102 = arith.constant 0 : i32
        %dma_start3A_103 = tpu.memref_slice %arg28[%dma_start3A_101, %dma_start3A_102] : memref<10240x16xf32, #tpu.memory_space<vmem_shared>> -> memref<10240x16xf32, #tpu.memory_space<vmem_shared>>
        tpu.enqueue_indirect_dma source(%arg17 : memref<128x16xf32, #tpu.memory_space<vmem>>) target(%dma_start3A_103 : memref<10240x16xf32, #tpu.memory_space<vmem_shared>>) offsets(%dma_start3A_100 : memref<128xi32, #tpu.memory_space<vmem>>) semaphore(%run_scoped3A_98 : memref<!tpu.dma_semaphore, #tpu.memory_space<semaphore_mem>>) {add = true}
        %dma_wait3A = arith.constant 0 : i32
        %dma_wait3A_104 = tpu.memref_slice %arg9[%run_scoped3A_86, %run_scoped3A_87, %dma_wait3A] : memref<2x8x128xi32, #tpu.memory_space<vmem>> -> memref<1x1x128xi32, #tpu.memory_space<vmem>>
        %dma_wait3A_105 = tpu.memref_squeeze %dma_wait3A_104 : memref<1x1x128xi32, #tpu.memory_space<vmem>> -> memref<128xi32, #tpu.memory_space<vmem>>
        %dma_wait3A_106 = arith.constant 0 : i32
        %dma_wait3A_107 = arith.constant 0 : i32
        %dma_wait3A_108 = tpu.memref_slice %arg28[%dma_wait3A_106, %dma_wait3A_107] : memref<10240x16xf32, #tpu.memory_space<vmem_shared>> -> memref<10240x16xf32, #tpu.memory_space<vmem_shared>>
        tpu.wait_indirect_dma semaphore(%run_scoped3A_98 : memref<!tpu.dma_semaphore, #tpu.memory_space<semaphore_mem>>) src(%arg17 : memref<128x16xf32, #tpu.memory_space<vmem>>) dst(%dma_wait3A_108 : memref<10240x16xf32, #tpu.memory_space<vmem_shared>>)
        tpu.yield
      }) : () -> ()
      %run_scoped3A_88 = arith.constant 0 : i32
      %run_scoped3A_89 = arith.constant 3 : i32
      "tpu.region"() ({
        %run_scoped3A_98 = tpu.sem_alloc : memref<!tpu.dma_semaphore, #tpu.memory_space<semaphore_mem>>
        %dma_start3A = arith.constant 0 : i32
        %dma_start3A_99 = tpu.memref_slice %arg9[%run_scoped3A_88, %run_scoped3A_89, %dma_start3A] : memref<2x8x128xi32, #tpu.memory_space<vmem>> -> memref<1x1x128xi32, #tpu.memory_space<vmem>>
        %dma_start3A_100 = tpu.memref_squeeze %dma_start3A_99 : memref<1x1x128xi32, #tpu.memory_space<vmem>> -> memref<128xi32, #tpu.memory_space<vmem>>
        %dma_start3A_101 = arith.constant 0 : i32
        %dma_start3A_102 = arith.constant 0 : i32
        %dma_start3A_103 = tpu.memref_slice %arg28[%dma_start3A_101, %dma_start3A_102] : memref<10240x16xf32, #tpu.memory_space<vmem_shared>> -> memref<10240x16xf32, #tpu.memory_space<vmem_shared>>
        tpu.enqueue_indirect_dma source(%arg17 : memref<128x16xf32, #tpu.memory_space<vmem>>) target(%dma_start3A_103 : memref<10240x16xf32, #tpu.memory_space<vmem_shared>>) offsets(%dma_start3A_100 : memref<128xi32, #tpu.memory_space<vmem>>) semaphore(%run_scoped3A_98 : memref<!tpu.dma_semaphore, #tpu.memory_space<semaphore_mem>>) {add = true}
        %dma_wait3A = arith.constant 0 : i32
        %dma_wait3A_104 = tpu.memref_slice %arg9[%run_scoped3A_88, %run_scoped3A_89, %dma_wait3A] : memref<2x8x128xi32, #tpu.memory_space<vmem>> -> memref<1x1x128xi32, #tpu.memory_space<vmem>>
        %dma_wait3A_105 = tpu.memref_squeeze %dma_wait3A_104 : memref<1x1x128xi32, #tpu.memory_space<vmem>> -> memref<128xi32, #tpu.memory_space<vmem>>
        %dma_wait3A_106 = arith.constant 0 : i32
        %dma_wait3A_107 = arith.constant 0 : i32
        %dma_wait3A_108 = tpu.memref_slice %arg28[%dma_wait3A_106, %dma_wait3A_107] : memref<10240x16xf32, #tpu.memory_space<vmem_shared>> -> memref<10240x16xf32, #tpu.memory_space<vmem_shared>>
        tpu.wait_indirect_dma semaphore(%run_scoped3A_98 : memref<!tpu.dma_semaphore, #tpu.memory_space<semaphore_mem>>) src(%arg17 : memref<128x16xf32, #tpu.memory_space<vmem>>) dst(%dma_wait3A_108 : memref<10240x16xf32, #tpu.memory_space<vmem_shared>>)
        tpu.yield
      }) : () -> ()
      %run_scoped3A_90 = arith.constant 0 : i32
      %run_scoped3A_91 = arith.constant 4 : i32
      "tpu.region"() ({
        %run_scoped3A_98 = tpu.sem_alloc : memref<!tpu.dma_semaphore, #tpu.memory_space<semaphore_mem>>
        %dma_start3A = arith.constant 0 : i32
        %dma_start3A_99 = tpu.memref_slice %arg9[%run_scoped3A_90, %run_scoped3A_91, %dma_start3A] : memref<2x8x128xi32, #tpu.memory_space<vmem>> -> memref<1x1x128xi32, #tpu.memory_space<vmem>>
        %dma_start3A_100 = tpu.memref_squeeze %dma_start3A_99 : memref<1x1x128xi32, #tpu.memory_space<vmem>> -> memref<128xi32, #tpu.memory_space<vmem>>
        %dma_start3A_101 = arith.constant 0 : i32
        %dma_start3A_102 = arith.constant 0 : i32
        %dma_start3A_103 = tpu.memref_slice %arg28[%dma_start3A_101, %dma_start3A_102] : memref<10240x16xf32, #tpu.memory_space<vmem_shared>> -> memref<10240x16xf32, #tpu.memory_space<vmem_shared>>
        tpu.enqueue_indirect_dma source(%arg17 : memref<128x16xf32, #tpu.memory_space<vmem>>) target(%dma_start3A_103 : memref<10240x16xf32, #tpu.memory_space<vmem_shared>>) offsets(%dma_start3A_100 : memref<128xi32, #tpu.memory_space<vmem>>) semaphore(%run_scoped3A_98 : memref<!tpu.dma_semaphore, #tpu.memory_space<semaphore_mem>>) {add = true}
        %dma_wait3A = arith.constant 0 : i32
        %dma_wait3A_104 = tpu.memref_slice %arg9[%run_scoped3A_90, %run_scoped3A_91, %dma_wait3A] : memref<2x8x128xi32, #tpu.memory_space<vmem>> -> memref<1x1x128xi32, #tpu.memory_space<vmem>>
        %dma_wait3A_105 = tpu.memref_squeeze %dma_wait3A_104 : memref<1x1x128xi32, #tpu.memory_space<vmem>> -> memref<128xi32, #tpu.memory_space<vmem>>
        %dma_wait3A_106 = arith.constant 0 : i32
        %dma_wait3A_107 = arith.constant 0 : i32
        %dma_wait3A_108 = tpu.memref_slice %arg28[%dma_wait3A_106, %dma_wait3A_107] : memref<10240x16xf32, #tpu.memory_space<vmem_shared>> -> memref<10240x16xf32, #tpu.memory_space<vmem_shared>>
        tpu.wait_indirect_dma semaphore(%run_scoped3A_98 : memref<!tpu.dma_semaphore, #tpu.memory_space<semaphore_mem>>) src(%arg17 : memref<128x16xf32, #tpu.memory_space<vmem>>) dst(%dma_wait3A_108 : memref<10240x16xf32, #tpu.memory_space<vmem_shared>>)
        tpu.yield
      }) : () -> ()
      %run_scoped3A_92 = arith.constant 0 : i32
      %run_scoped3A_93 = arith.constant 5 : i32
      "tpu.region"() ({
        %run_scoped3A_98 = tpu.sem_alloc : memref<!tpu.dma_semaphore, #tpu.memory_space<semaphore_mem>>
        %dma_start3A = arith.constant 0 : i32
        %dma_start3A_99 = tpu.memref_slice %arg9[%run_scoped3A_92, %run_scoped3A_93, %dma_start3A] : memref<2x8x128xi32, #tpu.memory_space<vmem>> -> memref<1x1x128xi32, #tpu.memory_space<vmem>>
        %dma_start3A_100 = tpu.memref_squeeze %dma_start3A_99 : memref<1x1x128xi32, #tpu.memory_space<vmem>> -> memref<128xi32, #tpu.memory_space<vmem>>
        %dma_start3A_101 = arith.constant 0 : i32
        %dma_start3A_102 = arith.constant 0 : i32
        %dma_start3A_103 = tpu.memref_slice %arg28[%dma_start3A_101, %dma_start3A_102] : memref<10240x16xf32, #tpu.memory_space<vmem_shared>> -> memref<10240x16xf32, #tpu.memory_space<vmem_shared>>
        tpu.enqueue_indirect_dma source(%arg17 : memref<128x16xf32, #tpu.memory_space<vmem>>) target(%dma_start3A_103 : memref<10240x16xf32, #tpu.memory_space<vmem_shared>>) offsets(%dma_start3A_100 : memref<128xi32, #tpu.memory_space<vmem>>) semaphore(%run_scoped3A_98 : memref<!tpu.dma_semaphore, #tpu.memory_space<semaphore_mem>>) {add = true}
        %dma_wait3A = arith.constant 0 : i32
        %dma_wait3A_104 = tpu.memref_slice %arg9[%run_scoped3A_92, %run_scoped3A_93, %dma_wait3A] : memref<2x8x128xi32, #tpu.memory_space<vmem>> -> memref<1x1x128xi32, #tpu.memory_space<vmem>>
        %dma_wait3A_105 = tpu.memref_squeeze %dma_wait3A_104 : memref<1x1x128xi32, #tpu.memory_space<vmem>> -> memref<128xi32, #tpu.memory_space<vmem>>
        %dma_wait3A_106 = arith.constant 0 : i32
        %dma_wait3A_107 = arith.constant 0 : i32
        %dma_wait3A_108 = tpu.memref_slice %arg28[%dma_wait3A_106, %dma_wait3A_107] : memref<10240x16xf32, #tpu.memory_space<vmem_shared>> -> memref<10240x16xf32, #tpu.memory_space<vmem_shared>>
        tpu.wait_indirect_dma semaphore(%run_scoped3A_98 : memref<!tpu.dma_semaphore, #tpu.memory_space<semaphore_mem>>) src(%arg17 : memref<128x16xf32, #tpu.memory_space<vmem>>) dst(%dma_wait3A_108 : memref<10240x16xf32, #tpu.memory_space<vmem_shared>>)
        tpu.yield
      }) : () -> ()
      %run_scoped3A_94 = arith.constant 0 : i32
      %run_scoped3A_95 = arith.constant 6 : i32
      "tpu.region"() ({
        %run_scoped3A_98 = tpu.sem_alloc : memref<!tpu.dma_semaphore, #tpu.memory_space<semaphore_mem>>
        %dma_start3A = arith.constant 0 : i32
        %dma_start3A_99 = tpu.memref_slice %arg9[%run_scoped3A_94, %run_scoped3A_95, %dma_start3A] : memref<2x8x128xi32, #tpu.memory_space<vmem>> -> memref<1x1x128xi32, #tpu.memory_space<vmem>>
        %dma_start3A_100 = tpu.memref_squeeze %dma_start3A_99 : memref<1x1x128xi32, #tpu.memory_space<vmem>> -> memref<128xi32, #tpu.memory_space<vmem>>
        %dma_start3A_101 = arith.constant 0 : i32
        %dma_start3A_102 = arith.constant 0 : i32
        %dma_start3A_103 = tpu.memref_slice %arg28[%dma_start3A_101, %dma_start3A_102] : memref<10240x16xf32, #tpu.memory_space<vmem_shared>> -> memref<10240x16xf32, #tpu.memory_space<vmem_shared>>
        tpu.enqueue_indirect_dma source(%arg17 : memref<128x16xf32, #tpu.memory_space<vmem>>) target(%dma_start3A_103 : memref<10240x16xf32, #tpu.memory_space<vmem_shared>>) offsets(%dma_start3A_100 : memref<128xi32, #tpu.memory_space<vmem>>) semaphore(%run_scoped3A_98 : memref<!tpu.dma_semaphore, #tpu.memory_space<semaphore_mem>>) {add = true}
        %dma_wait3A = arith.constant 0 : i32
        %dma_wait3A_104 = tpu.memref_slice %arg9[%run_scoped3A_94, %run_scoped3A_95, %dma_wait3A] : memref<2x8x128xi32, #tpu.memory_space<vmem>> -> memref<1x1x128xi32, #tpu.memory_space<vmem>>
        %dma_wait3A_105 = tpu.memref_squeeze %dma_wait3A_104 : memref<1x1x128xi32, #tpu.memory_space<vmem>> -> memref<128xi32, #tpu.memory_space<vmem>>
        %dma_wait3A_106 = arith.constant 0 : i32
        %dma_wait3A_107 = arith.constant 0 : i32
        %dma_wait3A_108 = tpu.memref_slice %arg28[%dma_wait3A_106, %dma_wait3A_107] : memref<10240x16xf32, #tpu.memory_space<vmem_shared>> -> memref<10240x16xf32, #tpu.memory_space<vmem_shared>>
        tpu.wait_indirect_dma semaphore(%run_scoped3A_98 : memref<!tpu.dma_semaphore, #tpu.memory_space<semaphore_mem>>) src(%arg17 : memref<128x16xf32, #tpu.memory_space<vmem>>) dst(%dma_wait3A_108 : memref<10240x16xf32, #tpu.memory_space<vmem_shared>>)
        tpu.yield
      }) : () -> ()
      %run_scoped3A_96 = arith.constant 0 : i32
      %run_scoped3A_97 = arith.constant 7 : i32
      "tpu.region"() ({
        %run_scoped3A_98 = tpu.sem_alloc : memref<!tpu.dma_semaphore, #tpu.memory_space<semaphore_mem>>
        %dma_start3A = arith.constant 0 : i32
        %dma_start3A_99 = tpu.memref_slice %arg9[%run_scoped3A_96, %run_scoped3A_97, %dma_start3A] : memref<2x8x128xi32, #tpu.memory_space<vmem>> -> memref<1x1x128xi32, #tpu.memory_space<vmem>>
        %dma_start3A_100 = tpu.memref_squeeze %dma_start3A_99 : memref<1x1x128xi32, #tpu.memory_space<vmem>> -> memref<128xi32, #tpu.memory_space<vmem>>
        %dma_start3A_101 = arith.constant 0 : i32
        %dma_start3A_102 = arith.constant 0 : i32
        %dma_start3A_103 = tpu.memref_slice %arg28[%dma_start3A_101, %dma_start3A_102] : memref<10240x16xf32, #tpu.memory_space<vmem_shared>> -> memref<10240x16xf32, #tpu.memory_space<vmem_shared>>
        tpu.enqueue_indirect_dma source(%arg17 : memref<128x16xf32, #tpu.memory_space<vmem>>) target(%dma_start3A_103 : memref<10240x16xf32, #tpu.memory_space<vmem_shared>>) offsets(%dma_start3A_100 : memref<128xi32, #tpu.memory_space<vmem>>) semaphore(%run_scoped3A_98 : memref<!tpu.dma_semaphore, #tpu.memory_space<semaphore_mem>>) {add = true}
        %dma_wait3A = arith.constant 0 : i32
        %dma_wait3A_104 = tpu.memref_slice %arg9[%run_scoped3A_96, %run_scoped3A_97, %dma_wait3A] : memref<2x8x128xi32, #tpu.memory_space<vmem>> -> memref<1x1x128xi32, #tpu.memory_space<vmem>>
        %dma_wait3A_105 = tpu.memref_squeeze %dma_wait3A_104 : memref<1x1x128xi32, #tpu.memory_space<vmem>> -> memref<128xi32, #tpu.memory_space<vmem>>
        %dma_wait3A_106 = arith.constant 0 : i32
        %dma_wait3A_107 = arith.constant 0 : i32
        %dma_wait3A_108 = tpu.memref_slice %arg28[%dma_wait3A_106, %dma_wait3A_107] : memref<10240x16xf32, #tpu.memory_space<vmem_shared>> -> memref<10240x16xf32, #tpu.memory_space<vmem_shared>>
        tpu.wait_indirect_dma semaphore(%run_scoped3A_98 : memref<!tpu.dma_semaphore, #tpu.memory_space<semaphore_mem>>) src(%arg17 : memref<128x16xf32, #tpu.memory_space<vmem>>) dst(%dma_wait3A_108 : memref<10240x16xf32, #tpu.memory_space<vmem_shared>>)
        tpu.yield
      }) : () -> ()
    }
    %scan3A_33 = arith.constant 20 : i32
    %barrier3A_34 = arith.constant 0 : index
    tpu.barrier barrier_id(%barrier3A_34)
    %get3A = arith.constant 2 : i32
    %get3A_35 = arith.index_cast %get3A : i32 to index
    %get3A_36 = arith.constant 0 : index
    %get3A_37 = tpu.vector_load %arg18[%get3A_35, %get3A_36] {strides = array<i32>} : memref<16x16xf32, #tpu.memory_space<vmem>>, vector<16xf32>,
    %scan3A_38 = arith.constant 0 : i32
    %scan3A_39 = arith.constant 10 : i32
    %scan3A_40 = arith.addi %scan3A_38, %scan3A_39 : i32
    %scan3A_41 = arith.constant 1 : i32
    scf.for %scan3A_75 = %scan3A_38 to %scan3A_40 step %scan3A_41  : i32 {
      %mul3A_76 = arith.constant 1 : i32
      %mul3A_77 = arith.muli %scan3A_75, %mul3A_76 : i32
      %add3A = arith.constant 0 : i32
      %add3A_78 = arith.addi %add3A, %mul3A_77 : i32
      %mul3A_79 = arith.constant 64 : i32
      %mul3A_80 = arith.muli %add3A_78, %mul3A_79 : i32
      %add3A_81 = arith.addi %mul3A_0, %mul3A_80 : i32
      "tpu.region"() ({
        %run_scoped3A = tpu.sem_alloc : memref<!tpu.dma_semaphore, #tpu.memory_space<semaphore_mem>>
        %dma_start3A = arith.constant 0 : i32
        %dma_start3A_87 = tpu.memref_slice %arg28[%add3A_81, %dma_start3A] : memref<10240x16xf32, #tpu.memory_space<vmem_shared>> -> memref<64x16xf32, #tpu.memory_space<vmem_shared>>
        %dma_start3A_88 = arith.constant 0 : i32
        %dma_start3A_89 = tpu.memref_slice %arg28[%add3A_81, %dma_start3A_88] : memref<10240x16xf32, #tpu.memory_space<vmem_shared>> -> memref<64x16xf32, #tpu.memory_space<vmem_shared>>
        tpu.enqueue_dma source(%dma_start3A_89 : memref<64x16xf32, #tpu.memory_space<vmem_shared>>) target(%arg15 : memref<64x16xf32, #tpu.memory_space<vmem>>) target_semaphore(%run_scoped3A : memref<!tpu.dma_semaphore, #tpu.memory_space<semaphore_mem>>)
        %dma_wait3A = arith.constant 0 : i32
        %dma_wait3A_90 = tpu.memref_slice %arg28[%add3A_81, %dma_wait3A] : memref<10240x16xf32, #tpu.memory_space<vmem_shared>> -> memref<64x16xf32, #tpu.memory_space<vmem_shared>>
        %dma_wait3A_91 = arith.constant 0 : i32
        %dma_wait3A_92 = tpu.memref_slice %arg28[%add3A_81, %dma_wait3A_91] : memref<10240x16xf32, #tpu.memory_space<vmem_shared>> -> memref<64x16xf32, #tpu.memory_space<vmem_shared>>
        tpu.wait_dma2 semaphore(%run_scoped3A : memref<!tpu.dma_semaphore, #tpu.memory_space<semaphore_mem>>) src(%dma_wait3A_92 : memref<64x16xf32, #tpu.memory_space<vmem_shared>>) dst(%arg15 : memref<64x16xf32, #tpu.memory_space<vmem>>)
        tpu.yield
      }) : () -> ()
      %scan3A_82 = arith.constant 0 : i32
      %scan3A_83 = arith.constant 64 : i32
      %scan3A_84 = arith.addi %scan3A_82, %scan3A_83 : i32
      %scan3A_85 = arith.constant 1 : i32
      scf.for %scan3A_87 = %scan3A_82 to %scan3A_84 step %scan3A_85  : i32 {
        %mul3A_88 = arith.constant 1 : i32
        %mul3A_89 = arith.muli %scan3A_87, %mul3A_88 : i32
        %add3A_90 = arith.constant 0 : i32
        %add3A_91 = arith.addi %add3A_90, %mul3A_89 : i32
        %get3A_92 = arith.index_cast %add3A_91 : i32 to index
        %get3A_93 = arith.constant 0 : index
        %get3A_94 = tpu.vector_load %arg15[%get3A_92, %get3A_93] {strides = array<i32>} : memref<64x16xf32, #tpu.memory_space<vmem>>, vector<16xf32>,
        %gt3A = arith.constant 0.000000e+00 : f32
        %gt3A_95 = vector.broadcast %gt3A : f32 to vector<16xf32>
        %gt3A_96 = arith.cmpf ogt, %get3A_94, %gt3A_95 : vector<16xf32>
        %div3A = arith.divf %get3A_37, %get3A_94 : vector<16xf32>
        %jit3A = arith.constant 0.000000e+00 : f32
        %broadcast_in_dim3A = vector.broadcast %jit3A : f32 to vector<16xf32>
        %select_n3A = arith.select %gt3A_96, %div3A, %broadcast_in_dim3A : vector<16xi1>, vector<16xf32>
        %mul3A_97 = arith.constant 64 : i32
        %mul3A_98 = arith.muli %add3A_78, %mul3A_97 : i32
        %add3A_99 = arith.addi %mul3A_98, %add3A_91 : i32
        %swap3A = arith.index_cast %add3A_99 : i32 to index
        %swap3A_100 = arith.constant 0 : index
        %swap3A_101 = tpu.vector_load %arg16[%swap3A, %swap3A_100] {strides = array<i32>} : memref<640x16xf32, #tpu.memory_space<vmem>>, vector<16xf32>,
        tpu.vector_store %arg16[%swap3A, %swap3A_100], %select_n3A {strides = array<i32>} : memref<640x16xf32, #tpu.memory_space<vmem>>, vector<16xf32>,
      }
      %scan3A_86 = arith.constant 64 : i32
    }
    %scan3A_42 = arith.constant 10 : i32
    %get3A_43 = arith.constant 1 : i32
    %get3A_44 = arith.index_cast %get3A_43 : i32 to index
    %get3A_45 = arith.constant 0 : index
    %get3A_46 = tpu.vector_load %arg18[%get3A_44, %get3A_45] {strides = array<i32>} : memref<16x16xf32, #tpu.memory_space<vmem>>, vector<16xf32>,
    %get3A_47 = arith.constant 3 : i32
    %get3A_48 = arith.index_cast %get3A_47 : i32 to index
    %get3A_49 = arith.constant 0 : index
    %get3A_50 = tpu.vector_load %arg18[%get3A_48, %get3A_49] {strides = array<i32>} : memref<16x16xf32, #tpu.memory_space<vmem>>, vector<16xf32>,
    %scan3A_51 = arith.constant 0 : i32
    %scan3A_52 = arith.constant 10 : i32
    %scan3A_53 = arith.addi %scan3A_51, %scan3A_52 : i32
    %scan3A_54 = arith.constant 1 : i32
    scf.for %scan3A_75 = %scan3A_51 to %scan3A_53 step %scan3A_54  : i32 {
      %mul3A_76 = arith.constant 1 : i32
      %mul3A_77 = arith.muli %scan3A_75, %mul3A_76 : i32
      %add3A = arith.constant 0 : i32
      %add3A_78 = arith.addi %add3A, %mul3A_77 : i32
      %mul3A_79 = arith.constant 64 : i32
      %mul3A_80 = arith.muli %add3A_78, %mul3A_79 : i32
      %add3A_81 = arith.addi %mul3A_0, %mul3A_80 : i32
      "tpu.region"() ({
        %run_scoped3A = tpu.sem_alloc : memref<!tpu.dma_semaphore, #tpu.memory_space<semaphore_mem>>
        %dma_start3A = arith.constant 0 : i32
        %dma_start3A_87 = tpu.memref_slice %arg2[%add3A_81, %dma_start3A] : memref<10240x64xf32, #tpu.memory_space<hbm>> -> memref<64x64xf32, #tpu.memory_space<hbm>>
        %dma_start3A_88 = arith.constant 0 : i32
        %dma_start3A_89 = tpu.memref_slice %arg2[%add3A_81, %dma_start3A_88] : memref<10240x64xf32, #tpu.memory_space<hbm>> -> memref<64x64xf32, #tpu.memory_space<hbm>>
        tpu.enqueue_dma source(%dma_start3A_89 : memref<64x64xf32, #tpu.memory_space<hbm>>) target(%arg12 : memref<64x64xf32, #tpu.memory_space<vmem>>) target_semaphore(%run_scoped3A : memref<!tpu.dma_semaphore, #tpu.memory_space<semaphore_mem>>)
        %dma_wait3A = arith.constant 0 : i32
        %dma_wait3A_90 = tpu.memref_slice %arg2[%add3A_81, %dma_wait3A] : memref<10240x64xf32, #tpu.memory_space<hbm>> -> memref<64x64xf32, #tpu.memory_space<hbm>>
        %dma_wait3A_91 = arith.constant 0 : i32
        %dma_wait3A_92 = tpu.memref_slice %arg2[%add3A_81, %dma_wait3A_91] : memref<10240x64xf32, #tpu.memory_space<hbm>> -> memref<64x64xf32, #tpu.memory_space<hbm>>
        tpu.wait_dma2 semaphore(%run_scoped3A : memref<!tpu.dma_semaphore, #tpu.memory_space<semaphore_mem>>) src(%dma_wait3A_92 : memref<64x64xf32, #tpu.memory_space<hbm>>) dst(%arg12 : memref<64x64xf32, #tpu.memory_space<vmem>>)
        tpu.yield
      }) : () -> ()
      %scan3A_82 = arith.constant 0 : i32
      %scan3A_83 = arith.constant 64 : i32
      %scan3A_84 = arith.addi %scan3A_82, %scan3A_83 : i32
      %scan3A_85 = arith.constant 1 : i32
      scf.for %scan3A_87 = %scan3A_82 to %scan3A_84 step %scan3A_85  : i32 {
        %mul3A_88 = arith.constant 1 : i32
        %mul3A_89 = arith.muli %scan3A_87, %mul3A_88 : i32
        %add3A_90 = arith.constant 0 : i32
        %add3A_91 = arith.addi %add3A_90, %mul3A_89 : i32
        %mul3A_92 = arith.constant 64 : i32
        %mul3A_93 = arith.muli %add3A_78, %mul3A_92 : i32
        %add3A_94 = arith.addi %mul3A_93, %add3A_91 : i32
        %get3A_95 = arith.index_cast %add3A_94 : i32 to index
        %get3A_96 = arith.constant 0 : index
        %get3A_97 = tpu.vector_load %arg16[%get3A_95, %get3A_96] {strides = array<i32>} : memref<640x16xf32, #tpu.memory_space<vmem>>, vector<16xf32>,
        %gt3A = arith.constant 0.000000e+00 : f32
        %gt3A_98 = vector.broadcast %gt3A : f32 to vector<16xf32>
        %gt3A_99 = arith.cmpf ogt, %get3A_97, %gt3A_98 : vector<16xf32>
        %bitcast_convert_type3A = tpu.bitcast %get3A_97 : vector<16xf32> -> vector<16xi32>
        %shift_right_arithmetic3A = arith.constant 1 : i32
        %shift_right_arithmetic3A_100 = vector.broadcast %shift_right_arithmetic3A : i32 to vector<16xi32>
        %shift_right_arithmetic3A_101 = arith.shrsi %bitcast_convert_type3A, %shift_right_arithmetic3A_100 : vector<16xi32>
        %sub3A = arith.constant 1597463007 : i32
        %sub3A_102 = vector.broadcast %sub3A : i32 to vector<16xi32>
        %sub3A_103 = arith.subi %sub3A_102, %shift_right_arithmetic3A_101 : vector<16xi32>
        %bitcast_convert_type3A_104 = tpu.bitcast %sub3A_103 : vector<16xi32> -> vector<16xf32>
        %mul3A_105 = arith.constant 5.000000e-01 : f32
        %mul3A_106 = vector.broadcast %mul3A_105 : f32 to vector<16xf32>
        %mul3A_107 = arith.mulf %mul3A_106, %get3A_97 : vector<16xf32>
        %mul3A_108 = arith.mulf %mul3A_107, %bitcast_convert_type3A_104 : vector<16xf32>
        %mul3A_109 = arith.mulf %mul3A_108, %bitcast_convert_type3A_104 : vector<16xf32>
        %sub3A_110 = arith.constant 1.500000e+00 : f32
        %sub3A_111 = vector.broadcast %sub3A_110 : f32 to vector<16xf32>
        %sub3A_112 = arith.subf %sub3A_111, %mul3A_109 : vector<16xf32>
        %mul3A_113 = arith.mulf %bitcast_convert_type3A_104, %sub3A_112 : vector<16xf32>
        %mul3A_114 = arith.constant 5.000000e-01 : f32
        %mul3A_115 = vector.broadcast %mul3A_114 : f32 to vector<16xf32>
        %mul3A_116 = arith.mulf %mul3A_115, %get3A_97 : vector<16xf32>
        %mul3A_117 = arith.mulf %mul3A_116, %mul3A_113 : vector<16xf32>
        %mul3A_118 = arith.mulf %mul3A_117, %mul3A_113 : vector<16xf32>
        %sub3A_119 = arith.constant 1.500000e+00 : f32
        %sub3A_120 = vector.broadcast %sub3A_119 : f32 to vector<16xf32>
        %sub3A_121 = arith.subf %sub3A_120, %mul3A_118 : vector<16xf32>
        %mul3A_122 = arith.mulf %mul3A_113, %sub3A_121 : vector<16xf32>
        %mul3A_123 = arith.constant 5.000000e-01 : f32
        %mul3A_124 = vector.broadcast %mul3A_123 : f32 to vector<16xf32>
        %mul3A_125 = arith.mulf %mul3A_124, %get3A_97 : vector<16xf32>
        %mul3A_126 = arith.mulf %mul3A_125, %mul3A_122 : vector<16xf32>
        %mul3A_127 = arith.mulf %mul3A_126, %mul3A_122 : vector<16xf32>
        %sub3A_128 = arith.constant 1.500000e+00 : f32
        %sub3A_129 = vector.broadcast %sub3A_128 : f32 to vector<16xf32>
        %sub3A_130 = arith.subf %sub3A_129, %mul3A_127 : vector<16xf32>
        %mul3A_131 = arith.mulf %mul3A_122, %sub3A_130 : vector<16xf32>
        %mul3A_132 = arith.mulf %get3A_97, %mul3A_131 : vector<16xf32>
        %mul3A_133 = arith.mulf %mul3A_132, %get3A_50 : vector<16xf32>
        %jit3A = arith.constant 0.000000e+00 : f32
        %broadcast_in_dim3A = vector.broadcast %jit3A : f32 to vector<16xf32>
        %select_n3A = arith.select %gt3A_99, %mul3A_133, %broadcast_in_dim3A : vector<16xi1>, vector<16xf32>
        %mul3A_134 = arith.mulf %get3A_46, %select_n3A : vector<16xf32>
        %get3A_135 = arith.index_cast %add3A_91 : i32 to index
        %get3A_136 = arith.constant 0 : index
        %get3A_137 = tpu.vector_load %arg12[%get3A_135, %get3A_136] {strides = array<i32>} : memref<64x64xf32, #tpu.memory_space<vmem>>, vector<16xf32>,
        %mul3A_138 = arith.mulf %get3A_137, %mul3A_134 : vector<16xf32>
        %swap3A = arith.index_cast %add3A_91 : i32 to index
        %swap3A_139 = arith.constant 0 : index
        %swap3A_140 = tpu.vector_load %arg13[%swap3A, %swap3A_139] {strides = array<i32>} : memref<64x64xf32, #tpu.memory_space<vmem>>, vector<16xf32>,
        tpu.vector_store %arg13[%swap3A, %swap3A_139], %mul3A_138 {strides = array<i32>} : memref<64x64xf32, #tpu.memory_space<vmem>>, vector<16xf32>,
        %get3A_141 = arith.index_cast %add3A_91 : i32 to index
        %get3A_142 = arith.constant 16 : index
        %get3A_143 = tpu.vector_load %arg12[%get3A_141, %get3A_142] {strides = array<i32>} : memref<64x64xf32, #tpu.memory_space<vmem>>, vector<16xf32>,
        %mul3A_144 = arith.mulf %get3A_143, %mul3A_134 : vector<16xf32>
        %swap3A_145 = arith.index_cast %add3A_91 : i32 to index
        %swap3A_146 = arith.constant 16 : index
        %swap3A_147 = tpu.vector_load %arg13[%swap3A_145, %swap3A_146] {strides = array<i32>} : memref<64x64xf32, #tpu.memory_space<vmem>>, vector<16xf32>,
        tpu.vector_store %arg13[%swap3A_145, %swap3A_146], %mul3A_144 {strides = array<i32>} : memref<64x64xf32, #tpu.memory_space<vmem>>, vector<16xf32>,
        %get3A_148 = arith.index_cast %add3A_91 : i32 to index
        %get3A_149 = arith.constant 32 : index
        %get3A_150 = tpu.vector_load %arg12[%get3A_148, %get3A_149] {strides = array<i32>} : memref<64x64xf32, #tpu.memory_space<vmem>>, vector<16xf32>,
        %mul3A_151 = arith.mulf %get3A_150, %mul3A_134 : vector<16xf32>
        %swap3A_152 = arith.index_cast %add3A_91 : i32 to index
        %swap3A_153 = arith.constant 32 : index
        %swap3A_154 = tpu.vector_load %arg13[%swap3A_152, %swap3A_153] {strides = array<i32>} : memref<64x64xf32, #tpu.memory_space<vmem>>, vector<16xf32>,
        tpu.vector_store %arg13[%swap3A_152, %swap3A_153], %mul3A_151 {strides = array<i32>} : memref<64x64xf32, #tpu.memory_space<vmem>>, vector<16xf32>,
        %get3A_155 = arith.index_cast %add3A_91 : i32 to index
        %get3A_156 = arith.constant 48 : index
        %get3A_157 = tpu.vector_load %arg12[%get3A_155, %get3A_156] {strides = array<i32>} : memref<64x64xf32, #tpu.memory_space<vmem>>, vector<16xf32>,
        %mul3A_158 = arith.mulf %get3A_157, %mul3A_134 : vector<16xf32>
        %swap3A_159 = arith.index_cast %add3A_91 : i32 to index
        %swap3A_160 = arith.constant 48 : index
        %swap3A_161 = tpu.vector_load %arg13[%swap3A_159, %swap3A_160] {strides = array<i32>} : memref<64x64xf32, #tpu.memory_space<vmem>>, vector<16xf32>,
        tpu.vector_store %arg13[%swap3A_159, %swap3A_160], %mul3A_158 {strides = array<i32>} : memref<64x64xf32, #tpu.memory_space<vmem>>, vector<16xf32>,
      }
      %scan3A_86 = arith.constant 64 : i32
      "tpu.region"() ({
        %run_scoped3A = tpu.sem_alloc : memref<!tpu.dma_semaphore, #tpu.memory_space<semaphore_mem>>
        %dma_start3A = arith.constant 0 : i32
        %dma_start3A_87 = tpu.memref_slice %arg8[%add3A_81, %dma_start3A] : memref<10240x64xf32, #tpu.memory_space<hbm>> -> memref<64x64xf32, #tpu.memory_space<hbm>>
        %dma_start3A_88 = arith.constant 0 : i32
        %dma_start3A_89 = tpu.memref_slice %arg8[%add3A_81, %dma_start3A_88] : memref<10240x64xf32, #tpu.memory_space<hbm>> -> memref<64x64xf32, #tpu.memory_space<hbm>>
        tpu.enqueue_dma source(%arg13 : memref<64x64xf32, #tpu.memory_space<vmem>>) target(%dma_start3A_89 : memref<64x64xf32, #tpu.memory_space<hbm>>) target_semaphore(%run_scoped3A : memref<!tpu.dma_semaphore, #tpu.memory_space<semaphore_mem>>)
        %dma_wait3A = arith.constant 0 : i32
        %dma_wait3A_90 = tpu.memref_slice %arg8[%add3A_81, %dma_wait3A] : memref<10240x64xf32, #tpu.memory_space<hbm>> -> memref<64x64xf32, #tpu.memory_space<hbm>>
        %dma_wait3A_91 = arith.constant 0 : i32
        %dma_wait3A_92 = tpu.memref_slice %arg8[%add3A_81, %dma_wait3A_91] : memref<10240x64xf32, #tpu.memory_space<hbm>> -> memref<64x64xf32, #tpu.memory_space<hbm>>
        tpu.wait_dma2 semaphore(%run_scoped3A : memref<!tpu.dma_semaphore, #tpu.memory_space<semaphore_mem>>) src(%arg13 : memref<64x64xf32, #tpu.memory_space<vmem>>) dst(%dma_wait3A_92 : memref<64x64xf32, #tpu.memory_space<hbm>>)
        tpu.yield
      }) : () -> ()
    }
    %scan3A_55 = arith.constant 10 : i32
    %barrier3A_56 = arith.constant 0 : index
    tpu.barrier barrier_id(%barrier3A_56)
    %scan3A_57 = arith.constant 0 : i32
    %scan3A_58 = arith.constant 10 : i32
    %scan3A_59 = arith.addi %scan3A_57, %scan3A_58 : i32
    %scan3A_60 = arith.constant 1 : i32
    scf.for %scan3A_75 = %scan3A_57 to %scan3A_59 step %scan3A_60  : i32 {
      %mul3A_76 = arith.constant 1 : i32
      %mul3A_77 = arith.muli %scan3A_75, %mul3A_76 : i32
      %add3A = arith.constant 0 : i32
      %add3A_78 = arith.addi %add3A, %mul3A_77 : i32
      %run_scoped3A = arith.constant 0 : i32
      "tpu.region"() ({
        %run_scoped3A_103 = tpu.sem_alloc : memref<!tpu.dma_semaphore, #tpu.memory_space<semaphore_mem>>
        %dma_start3A = arith.constant 0 : i32
        %dma_start3A_104 = arith.constant 0 : i32
        %dma_start3A_105 = tpu.memref_slice %arg9[%run_scoped3A, %dma_start3A, %dma_start3A_104] : memref<2x8x128xi32, #tpu.memory_space<vmem>> -> memref<1x8x128xi32, #tpu.memory_space<vmem>>
        %dma_start3A_106 = tpu.memref_squeeze %dma_start3A_105 : memref<1x8x128xi32, #tpu.memory_space<vmem>> -> memref<8x128xi32, #tpu.memory_space<vmem>>
        %dma_start3A_107 = arith.constant 0 : i32
        %dma_start3A_108 = tpu.memref_slice %arg3[%mul3A_2, %dma_start3A_107] : memref<2560x128xi32, #tpu.memory_space<hbm>> -> memref<8x128xi32, #tpu.memory_space<hbm>>
        %dma_start3A_109 = arith.constant 0 : i32
        %dma_start3A_110 = arith.constant 0 : i32
        %dma_start3A_111 = tpu.memref_slice %arg9[%run_scoped3A, %dma_start3A_109, %dma_start3A_110] : memref<2x8x128xi32, #tpu.memory_space<vmem>> -> memref<1x8x128xi32, #tpu.memory_space<vmem>>
        %dma_start3A_112 = tpu.memref_squeeze %dma_start3A_111 : memref<1x8x128xi32, #tpu.memory_space<vmem>> -> memref<8x128xi32, #tpu.memory_space<vmem>>
        %dma_start3A_113 = arith.constant 0 : i32
        %dma_start3A_114 = tpu.memref_slice %arg3[%mul3A_2, %dma_start3A_113] : memref<2560x128xi32, #tpu.memory_space<hbm>> -> memref<8x128xi32, #tpu.memory_space<hbm>>
        tpu.enqueue_dma source(%dma_start3A_114 : memref<8x128xi32, #tpu.memory_space<hbm>>) target(%dma_start3A_112 : memref<8x128xi32, #tpu.memory_space<vmem>>) target_semaphore(%run_scoped3A_103 : memref<!tpu.dma_semaphore, #tpu.memory_space<semaphore_mem>>)
        %dma_wait3A_115 = arith.constant 0 : i32
        %dma_wait3A_116 = arith.constant 0 : i32
        %dma_wait3A_117 = tpu.memref_slice %arg9[%run_scoped3A, %dma_wait3A_115, %dma_wait3A_116] : memref<2x8x128xi32, #tpu.memory_space<vmem>> -> memref<1x8x128xi32, #tpu.memory_space<vmem>>
        %dma_wait3A_118 = tpu.memref_squeeze %dma_wait3A_117 : memref<1x8x128xi32, #tpu.memory_space<vmem>> -> memref<8x128xi32, #tpu.memory_space<vmem>>
        %dma_wait3A_119 = arith.constant 0 : i32
        %dma_wait3A_120 = tpu.memref_slice %arg3[%mul3A_2, %dma_wait3A_119] : memref<2560x128xi32, #tpu.memory_space<hbm>> -> memref<8x128xi32, #tpu.memory_space<hbm>>
        %dma_wait3A_121 = arith.constant 0 : i32
        %dma_wait3A_122 = arith.constant 0 : i32
        %dma_wait3A_123 = tpu.memref_slice %arg9[%run_scoped3A, %dma_wait3A_121, %dma_wait3A_122] : memref<2x8x128xi32, #tpu.memory_space<vmem>> -> memref<1x8x128xi32, #tpu.memory_space<vmem>>
        %dma_wait3A_124 = tpu.memref_squeeze %dma_wait3A_123 : memref<1x8x128xi32, #tpu.memory_space<vmem>> -> memref<8x128xi32, #tpu.memory_space<vmem>>
        %dma_wait3A_125 = arith.constant 0 : i32
        %dma_wait3A_126 = tpu.memref_slice %arg3[%mul3A_2, %dma_wait3A_125] : memref<2560x128xi32, #tpu.memory_space<hbm>> -> memref<8x128xi32, #tpu.memory_space<hbm>>
        tpu.wait_dma2 semaphore(%run_scoped3A_103 : memref<!tpu.dma_semaphore, #tpu.memory_space<semaphore_mem>>) src(%dma_wait3A_126 : memref<8x128xi32, #tpu.memory_space<hbm>>) dst(%dma_wait3A_124 : memref<8x128xi32, #tpu.memory_space<vmem>>)
        tpu.yield
      }) : () -> ()
      %run_scoped3A_79 = arith.constant 0 : i32
      "tpu.region"() ({
        %run_scoped3A_103 = tpu.sem_alloc : memref<!tpu.dma_semaphore, #tpu.memory_space<semaphore_mem>>
        %dma_start3A = arith.constant 0 : i32
        %dma_start3A_104 = arith.constant 0 : i32
        %dma_start3A_105 = tpu.memref_slice %arg10[%run_scoped3A_79, %dma_start3A, %dma_start3A_104] : memref<2x8x128xi32, #tpu.memory_space<vmem>> -> memref<1x8x128xi32, #tpu.memory_space<vmem>>
        %dma_start3A_106 = tpu.memref_squeeze %dma_start3A_105 : memref<1x8x128xi32, #tpu.memory_space<vmem>> -> memref<8x128xi32, #tpu.memory_space<vmem>>
        %dma_start3A_107 = arith.constant 0 : i32
        %dma_start3A_108 = tpu.memref_slice %arg4[%mul3A_2, %dma_start3A_107] : memref<2560x128xi32, #tpu.memory_space<hbm>> -> memref<8x128xi32, #tpu.memory_space<hbm>>
        %dma_start3A_109 = arith.constant 0 : i32
        %dma_start3A_110 = arith.constant 0 : i32
        %dma_start3A_111 = tpu.memref_slice %arg10[%run_scoped3A_79, %dma_start3A_109, %dma_start3A_110] : memref<2x8x128xi32, #tpu.memory_space<vmem>> -> memref<1x8x128xi32, #tpu.memory_space<vmem>>
        %dma_start3A_112 = tpu.memref_squeeze %dma_start3A_111 : memref<1x8x128xi32, #tpu.memory_space<vmem>> -> memref<8x128xi32, #tpu.memory_space<vmem>>
        %dma_start3A_113 = arith.constant 0 : i32
        %dma_start3A_114 = tpu.memref_slice %arg4[%mul3A_2, %dma_start3A_113] : memref<2560x128xi32, #tpu.memory_space<hbm>> -> memref<8x128xi32, #tpu.memory_space<hbm>>
        tpu.enqueue_dma source(%dma_start3A_114 : memref<8x128xi32, #tpu.memory_space<hbm>>) target(%dma_start3A_112 : memref<8x128xi32, #tpu.memory_space<vmem>>) target_semaphore(%run_scoped3A_103 : memref<!tpu.dma_semaphore, #tpu.memory_space<semaphore_mem>>)
        %dma_wait3A_115 = arith.constant 0 : i32
        %dma_wait3A_116 = arith.constant 0 : i32
        %dma_wait3A_117 = tpu.memref_slice %arg10[%run_scoped3A_79, %dma_wait3A_115, %dma_wait3A_116] : memref<2x8x128xi32, #tpu.memory_space<vmem>> -> memref<1x8x128xi32, #tpu.memory_space<vmem>>
        %dma_wait3A_118 = tpu.memref_squeeze %dma_wait3A_117 : memref<1x8x128xi32, #tpu.memory_space<vmem>> -> memref<8x128xi32, #tpu.memory_space<vmem>>
        %dma_wait3A_119 = arith.constant 0 : i32
        %dma_wait3A_120 = tpu.memref_slice %arg4[%mul3A_2, %dma_wait3A_119] : memref<2560x128xi32, #tpu.memory_space<hbm>> -> memref<8x128xi32, #tpu.memory_space<hbm>>
        %dma_wait3A_121 = arith.constant 0 : i32
        %dma_wait3A_122 = arith.constant 0 : i32
        %dma_wait3A_123 = tpu.memref_slice %arg10[%run_scoped3A_79, %dma_wait3A_121, %dma_wait3A_122] : memref<2x8x128xi32, #tpu.memory_space<vmem>> -> memref<1x8x128xi32, #tpu.memory_space<vmem>>
        %dma_wait3A_124 = tpu.memref_squeeze %dma_wait3A_123 : memref<1x8x128xi32, #tpu.memory_space<vmem>> -> memref<8x128xi32, #tpu.memory_space<vmem>>
        %dma_wait3A_125 = arith.constant 0 : i32
        %dma_wait3A_126 = tpu.memref_slice %arg4[%mul3A_2, %dma_wait3A_125] : memref<2560x128xi32, #tpu.memory_space<hbm>> -> memref<8x128xi32, #tpu.memory_space<hbm>>
        tpu.wait_dma2 semaphore(%run_scoped3A_103 : memref<!tpu.dma_semaphore, #tpu.memory_space<semaphore_mem>>) src(%dma_wait3A_126 : memref<8x128xi32, #tpu.memory_space<hbm>>) dst(%dma_wait3A_124 : memref<8x128xi32, #tpu.memory_space<vmem>>)
        tpu.yield
      }) : () -> ()
      %scan3A_80 = arith.constant 0 : i32
      %scan3A_81 = arith.constant 20 : i32
      %scan3A_82 = arith.addi %scan3A_80, %scan3A_81 : i32
      %scan3A_83 = arith.constant 1 : i32
      scf.for %scan3A_103 = %scan3A_80 to %scan3A_82 step %scan3A_83  : i32 {
        %mul3A_104 = arith.constant 1 : i32
        %mul3A_105 = arith.muli %scan3A_103, %mul3A_104 : i32
        %add3A_106 = arith.constant 0 : i32
        %add3A_107 = arith.addi %add3A_106, %mul3A_105 : i32
        %rem3A = arith.constant 2 : i32
        %rem3A_108 = arith.remsi %add3A_107, %rem3A : i32
        %add3A_109 = arith.constant 1 : i32
        %add3A_110 = arith.addi %add3A_107, %add3A_109 : i32
        %rem3A_111 = arith.constant 2 : i32
        %rem3A_112 = arith.remsi %add3A_110, %rem3A_111 : i32
        %add3A_113 = arith.constant 1 : i32
        %add3A_114 = arith.addi %add3A_107, %add3A_113 : i32
        %lt3A = arith.constant 20 : i32
        %lt3A_115 = arith.cmpi slt, %add3A_114, %lt3A : i32
        %convert_element_type3A_116 = arith.extui %lt3A_115 : i1 to i32
        %cond3A_117 = arith.constant 0 : i32
        %cond3A_118 = arith.cmpi ne, %convert_element_type3A_116, %cond3A_117 : i32
        scf.if %cond3A_118 {
          %add3A_605 = arith.constant 1 : i32
          %add3A_606 = arith.addi %add3A_107, %add3A_605 : i32
          %mul3A_607 = arith.constant 8 : i32
          %mul3A_608 = arith.muli %add3A_606, %mul3A_607 : i32
          %add3A_609 = arith.addi %mul3A_2, %mul3A_608 : i32
          %dma_start3A_610 = arith.constant 0 : i32
          %dma_start3A_611 = arith.constant 0 : i32
          %dma_start3A_612 = tpu.memref_slice %arg9[%rem3A_112, %dma_start3A_610, %dma_start3A_611] : memref<2x8x128xi32, #tpu.memory_space<vmem>> -> memref<1x8x128xi32, #tpu.memory_space<vmem>>
          %dma_start3A_613 = tpu.memref_squeeze %dma_start3A_612 : memref<1x8x128xi32, #tpu.memory_space<vmem>> -> memref<8x128xi32, #tpu.memory_space<vmem>>
          %dma_start3A_614 = arith.constant 0 : i32
          %dma_start3A_615 = tpu.memref_slice %arg3[%add3A_609, %dma_start3A_614] : memref<2560x128xi32, #tpu.memory_space<hbm>> -> memref<8x128xi32, #tpu.memory_space<hbm>>
          %dma_start3A_616 = arith.constant 0 : i32
          %dma_start3A_617 = arith.constant 0 : i32
          %dma_start3A_618 = tpu.memref_slice %arg9[%rem3A_112, %dma_start3A_616, %dma_start3A_617] : memref<2x8x128xi32, #tpu.memory_space<vmem>> -> memref<1x8x128xi32, #tpu.memory_space<vmem>>
          %dma_start3A_619 = tpu.memref_squeeze %dma_start3A_618 : memref<1x8x128xi32, #tpu.memory_space<vmem>> -> memref<8x128xi32, #tpu.memory_space<vmem>>
          %dma_start3A_620 = arith.constant 0 : i32
          %dma_start3A_621 = tpu.memref_slice %arg3[%add3A_609, %dma_start3A_620] : memref<2560x128xi32, #tpu.memory_space<hbm>> -> memref<8x128xi32, #tpu.memory_space<hbm>>
          tpu.enqueue_dma source(%dma_start3A_621 : memref<8x128xi32, #tpu.memory_space<hbm>>) target(%dma_start3A_619 : memref<8x128xi32, #tpu.memory_space<vmem>>) target_semaphore(%arg19 : memref<!tpu.dma_semaphore, #tpu.memory_space<semaphore_mem>>)
          %add3A_622 = arith.constant 1 : i32
          %add3A_623 = arith.addi %add3A_107, %add3A_622 : i32
          %mul3A_624 = arith.constant 8 : i32
          %mul3A_625 = arith.muli %add3A_623, %mul3A_624 : i32
          %add3A_626 = arith.addi %mul3A_2, %mul3A_625 : i32
          %dma_start3A_627 = arith.constant 0 : i32
          %dma_start3A_628 = arith.constant 0 : i32
          %dma_start3A_629 = tpu.memref_slice %arg10[%rem3A_112, %dma_start3A_627, %dma_start3A_628] : memref<2x8x128xi32, #tpu.memory_space<vmem>> -> memref<1x8x128xi32, #tpu.memory_space<vmem>>
          %dma_start3A_630 = tpu.memref_squeeze %dma_start3A_629 : memref<1x8x128xi32, #tpu.memory_space<vmem>> -> memref<8x128xi32, #tpu.memory_space<vmem>>
          %dma_start3A_631 = arith.constant 0 : i32
          %dma_start3A_632 = tpu.memref_slice %arg4[%add3A_626, %dma_start3A_631] : memref<2560x128xi32, #tpu.memory_space<hbm>> -> memref<8x128xi32, #tpu.memory_space<hbm>>
          %dma_start3A_633 = arith.constant 0 : i32
          %dma_start3A_634 = arith.constant 0 : i32
          %dma_start3A_635 = tpu.memref_slice %arg10[%rem3A_112, %dma_start3A_633, %dma_start3A_634] : memref<2x8x128xi32, #tpu.memory_space<vmem>> -> memref<1x8x128xi32, #tpu.memory_space<vmem>>
          %dma_start3A_636 = tpu.memref_squeeze %dma_start3A_635 : memref<1x8x128xi32, #tpu.memory_space<vmem>> -> memref<8x128xi32, #tpu.memory_space<vmem>>
          %dma_start3A_637 = arith.constant 0 : i32
          %dma_start3A_638 = tpu.memref_slice %arg4[%add3A_626, %dma_start3A_637] : memref<2560x128xi32, #tpu.memory_space<hbm>> -> memref<8x128xi32, #tpu.memory_space<hbm>>
          tpu.enqueue_dma source(%dma_start3A_638 : memref<8x128xi32, #tpu.memory_space<hbm>>) target(%dma_start3A_636 : memref<8x128xi32, #tpu.memory_space<vmem>>) target_semaphore(%arg19 : memref<!tpu.dma_semaphore, #tpu.memory_space<semaphore_mem>>)
        } else {
        }
        %dma_start3A = arith.constant 0 : i32
        %dma_start3A_119 = arith.constant 0 : i32
        %dma_start3A_120 = arith.constant 0 : i32
        %dma_start3A_121 = arith.constant 0 : i32
        %dma_start3A_122 = arith.constant 0 : i32
        %dma_start3A_123 = tpu.memref_slice %arg11[%dma_start3A_119, %dma_start3A_121, %dma_start3A_122] : memref<4x128x64xf32, #tpu.memory_space<vmem>> -> memref<1x128x64xf32, #tpu.memory_space<vmem>>
        %dma_start3A_124 = tpu.memref_squeeze %dma_start3A_123 : memref<1x128x64xf32, #tpu.memory_space<vmem>> -> memref<128x64xf32, #tpu.memory_space<vmem>>
        %dma_start3A_125 = arith.constant 0 : i32
        %dma_start3A_126 = tpu.memref_slice %arg9[%rem3A_108, %dma_start3A, %dma_start3A_125] : memref<2x8x128xi32, #tpu.memory_space<vmem>> -> memref<1x1x128xi32, #tpu.memory_space<vmem>>
        %dma_start3A_127 = tpu.memref_squeeze %dma_start3A_126 : memref<1x1x128xi32, #tpu.memory_space<vmem>> -> memref<128xi32, #tpu.memory_space<vmem>>
        %dma_start3A_128 = arith.constant 0 : i32
        %dma_start3A_129 = arith.constant 0 : i32
        %dma_start3A_130 = tpu.memref_slice %arg8[%dma_start3A_128, %dma_start3A_129] : memref<10240x64xf32, #tpu.memory_space<hbm>> -> memref<10240x64xf32, #tpu.memory_space<hbm>>
        %dma_start3A_131 = tpu.memref_slice %arg20[%dma_start3A_120] : memref<4x!tpu.dma_semaphore, #tpu.memory_space<semaphore_mem>> -> memref<1x!tpu.dma_semaphore, #tpu.memory_space<semaphore_mem>>
        %dma_start3A_132 = tpu.memref_squeeze %dma_start3A_131 : memref<1x!tpu.dma_semaphore, #tpu.memory_space<semaphore_mem>> -> memref<!tpu.dma_semaphore, #tpu.memory_space<semaphore_mem>>
        tpu.enqueue_indirect_dma source(%dma_start3A_130 : memref<10240x64xf32, #tpu.memory_space<hbm>>) target(%dma_start3A_124 : memref<128x64xf32, #tpu.memory_space<vmem>>) offsets(%dma_start3A_127 : memref<128xi32, #tpu.memory_space<vmem>>) semaphore(%dma_start3A_132 : memref<!tpu.dma_semaphore, #tpu.memory_space<semaphore_mem>>)
        %dma_start3A_133 = arith.constant 1 : i32
        %dma_start3A_134 = arith.constant 1 : i32
        %dma_start3A_135 = arith.constant 1 : i32
        %dma_start3A_136 = arith.constant 0 : i32
        %dma_start3A_137 = arith.constant 0 : i32
        %dma_start3A_138 = tpu.memref_slice %arg11[%dma_start3A_134, %dma_start3A_136, %dma_start3A_137] : memref<4x128x64xf32, #tpu.memory_space<vmem>> -> memref<1x128x64xf32, #tpu.memory_space<vmem>>
        %dma_start3A_139 = tpu.memref_squeeze %dma_start3A_138 : memref<1x128x64xf32, #tpu.memory_space<vmem>> -> memref<128x64xf32, #tpu.memory_space<vmem>>
        %dma_start3A_140 = arith.constant 0 : i32
        %dma_start3A_141 = tpu.memref_slice %arg9[%rem3A_108, %dma_start3A_133, %dma_start3A_140] : memref<2x8x128xi32, #tpu.memory_space<vmem>> -> memref<1x1x128xi32, #tpu.memory_space<vmem>>
        %dma_start3A_142 = tpu.memref_squeeze %dma_start3A_141 : memref<1x1x128xi32, #tpu.memory_space<vmem>> -> memref<128xi32, #tpu.memory_space<vmem>>
        %dma_start3A_143 = arith.constant 0 : i32
        %dma_start3A_144 = arith.constant 0 : i32
        %dma_start3A_145 = tpu.memref_slice %arg8[%dma_start3A_143, %dma_start3A_144] : memref<10240x64xf32, #tpu.memory_space<hbm>> -> memref<10240x64xf32, #tpu.memory_space<hbm>>
        %dma_start3A_146 = tpu.memref_slice %arg20[%dma_start3A_135] : memref<4x!tpu.dma_semaphore, #tpu.memory_space<semaphore_mem>> -> memref<1x!tpu.dma_semaphore, #tpu.memory_space<semaphore_mem>>
        %dma_start3A_147 = tpu.memref_squeeze %dma_start3A_146 : memref<1x!tpu.dma_semaphore, #tpu.memory_space<semaphore_mem>> -> memref<!tpu.dma_semaphore, #tpu.memory_space<semaphore_mem>>
        tpu.enqueue_indirect_dma source(%dma_start3A_145 : memref<10240x64xf32, #tpu.memory_space<hbm>>) target(%dma_start3A_139 : memref<128x64xf32, #tpu.memory_space<vmem>>) offsets(%dma_start3A_142 : memref<128xi32, #tpu.memory_space<vmem>>) semaphore(%dma_start3A_147 : memref<!tpu.dma_semaphore, #tpu.memory_space<semaphore_mem>>)
        %dma_wait3A_148 = arith.constant 0 : i32
        %dma_wait3A_149 = arith.constant 0 : i32
        %dma_wait3A_150 = arith.constant 0 : i32
        %dma_wait3A_151 = arith.constant 0 : i32
        %dma_wait3A_152 = arith.constant 0 : i32
        %dma_wait3A_153 = tpu.memref_slice %arg11[%dma_wait3A_149, %dma_wait3A_151, %dma_wait3A_152] : memref<4x128x64xf32, #tpu.memory_space<vmem>> -> memref<1x128x64xf32, #tpu.memory_space<vmem>>
        %dma_wait3A_154 = tpu.memref_squeeze %dma_wait3A_153 : memref<1x128x64xf32, #tpu.memory_space<vmem>> -> memref<128x64xf32, #tpu.memory_space<vmem>>
        %dma_wait3A_155 = arith.constant 0 : i32
        %dma_wait3A_156 = tpu.memref_slice %arg9[%rem3A_108, %dma_wait3A_148, %dma_wait3A_155] : memref<2x8x128xi32, #tpu.memory_space<vmem>> -> memref<1x1x128xi32, #tpu.memory_space<vmem>>
        %dma_wait3A_157 = tpu.memref_squeeze %dma_wait3A_156 : memref<1x1x128xi32, #tpu.memory_space<vmem>> -> memref<128xi32, #tpu.memory_space<vmem>>
        %dma_wait3A_158 = arith.constant 0 : i32
        %dma_wait3A_159 = arith.constant 0 : i32
        %dma_wait3A_160 = tpu.memref_slice %arg8[%dma_wait3A_158, %dma_wait3A_159] : memref<10240x64xf32, #tpu.memory_space<hbm>> -> memref<10240x64xf32, #tpu.memory_space<hbm>>
        %dma_wait3A_161 = tpu.memref_slice %arg20[%dma_wait3A_150] : memref<4x!tpu.dma_semaphore, #tpu.memory_space<semaphore_mem>> -> memref<1x!tpu.dma_semaphore, #tpu.memory_space<semaphore_mem>>
        %dma_wait3A_162 = tpu.memref_squeeze %dma_wait3A_161 : memref<1x!tpu.dma_semaphore, #tpu.memory_space<semaphore_mem>> -> memref<!tpu.dma_semaphore, #tpu.memory_space<semaphore_mem>>
        tpu.wait_indirect_dma semaphore(%dma_wait3A_162 : memref<!tpu.dma_semaphore, #tpu.memory_space<semaphore_mem>>) src(%dma_wait3A_160 : memref<10240x64xf32, #tpu.memory_space<hbm>>) dst(%dma_wait3A_154 : memref<128x64xf32, #tpu.memory_space<vmem>>)
        %dma_start3A_163 = arith.constant 0 : i32
        %dma_start3A_164 = arith.constant 0 : i32
        %dma_start3A_165 = arith.constant 0 : i32
        %dma_start3A_166 = arith.constant 0 : i32
        %dma_start3A_167 = arith.constant 0 : i32
        %dma_start3A_168 = tpu.memref_slice %arg11[%dma_start3A_163, %dma_start3A_166, %dma_start3A_167] : memref<4x128x64xf32, #tpu.memory_space<vmem>> -> memref<1x128x64xf32, #tpu.memory_space<vmem>>
        %dma_start3A_169 = tpu.memref_squeeze %dma_start3A_168 : memref<1x128x64xf32, #tpu.memory_space<vmem>> -> memref<128x64xf32, #tpu.memory_space<vmem>>
        %dma_start3A_170 = arith.constant 0 : i32
        %dma_start3A_171 = tpu.memref_slice %arg10[%rem3A_108, %dma_start3A_164, %dma_start3A_170] : memref<2x8x128xi32, #tpu.memory_space<vmem>> -> memref<1x1x128xi32, #tpu.memory_space<vmem>>
        %dma_start3A_172 = tpu.memref_squeeze %dma_start3A_171 : memref<1x1x128xi32, #tpu.memory_space<vmem>> -> memref<128xi32, #tpu.memory_space<vmem>>
        %dma_start3A_173 = arith.constant 0 : i32
        %dma_start3A_174 = arith.constant 0 : i32
        %dma_start3A_175 = tpu.memref_slice %arg27[%dma_start3A_173, %dma_start3A_174] : memref<10240x64xf32, #tpu.memory_space<vmem_shared>> -> memref<10240x64xf32, #tpu.memory_space<vmem_shared>>
        %dma_start3A_176 = tpu.memref_slice %arg21[%dma_start3A_165] : memref<4x!tpu.dma_semaphore, #tpu.memory_space<semaphore_mem>> -> memref<1x!tpu.dma_semaphore, #tpu.memory_space<semaphore_mem>>
        %dma_start3A_177 = tpu.memref_squeeze %dma_start3A_176 : memref<1x!tpu.dma_semaphore, #tpu.memory_space<semaphore_mem>> -> memref<!tpu.dma_semaphore, #tpu.memory_space<semaphore_mem>>
        tpu.enqueue_indirect_dma source(%dma_start3A_169 : memref<128x64xf32, #tpu.memory_space<vmem>>) target(%dma_start3A_175 : memref<10240x64xf32, #tpu.memory_space<vmem_shared>>) offsets(%dma_start3A_172 : memref<128xi32, #tpu.memory_space<vmem>>) semaphore(%dma_start3A_177 : memref<!tpu.dma_semaphore, #tpu.memory_space<semaphore_mem>>) {add = true}
        %dma_start3A_178 = arith.constant 2 : i32
        %dma_start3A_179 = arith.constant 2 : i32
        %dma_start3A_180 = arith.constant 2 : i32
        %dma_start3A_181 = arith.constant 0 : i32
        %dma_start3A_182 = arith.constant 0 : i32
        %dma_start3A_183 = tpu.memref_slice %arg11[%dma_start3A_179, %dma_start3A_181, %dma_start3A_182] : memref<4x128x64xf32, #tpu.memory_space<vmem>> -> memref<1x128x64xf32, #tpu.memory_space<vmem>>
        %dma_start3A_184 = tpu.memref_squeeze %dma_start3A_183 : memref<1x128x64xf32, #tpu.memory_space<vmem>> -> memref<128x64xf32, #tpu.memory_space<vmem>>
        %dma_start3A_185 = arith.constant 0 : i32
        %dma_start3A_186 = tpu.memref_slice %arg9[%rem3A_108, %dma_start3A_178, %dma_start3A_185] : memref<2x8x128xi32, #tpu.memory_space<vmem>> -> memref<1x1x128xi32, #tpu.memory_space<vmem>>
        %dma_start3A_187 = tpu.memref_squeeze %dma_start3A_186 : memref<1x1x128xi32, #tpu.memory_space<vmem>> -> memref<128xi32, #tpu.memory_space<vmem>>
        %dma_start3A_188 = arith.constant 0 : i32
        %dma_start3A_189 = arith.constant 0 : i32
        %dma_start3A_190 = tpu.memref_slice %arg8[%dma_start3A_188, %dma_start3A_189] : memref<10240x64xf32, #tpu.memory_space<hbm>> -> memref<10240x64xf32, #tpu.memory_space<hbm>>
        %dma_start3A_191 = tpu.memref_slice %arg20[%dma_start3A_180] : memref<4x!tpu.dma_semaphore, #tpu.memory_space<semaphore_mem>> -> memref<1x!tpu.dma_semaphore, #tpu.memory_space<semaphore_mem>>
        %dma_start3A_192 = tpu.memref_squeeze %dma_start3A_191 : memref<1x!tpu.dma_semaphore, #tpu.memory_space<semaphore_mem>> -> memref<!tpu.dma_semaphore, #tpu.memory_space<semaphore_mem>>
        tpu.enqueue_indirect_dma source(%dma_start3A_190 : memref<10240x64xf32, #tpu.memory_space<hbm>>) target(%dma_start3A_184 : memref<128x64xf32, #tpu.memory_space<vmem>>) offsets(%dma_start3A_187 : memref<128xi32, #tpu.memory_space<vmem>>) semaphore(%dma_start3A_192 : memref<!tpu.dma_semaphore, #tpu.memory_space<semaphore_mem>>)
        %dma_wait3A_193 = arith.constant 1 : i32
        %dma_wait3A_194 = arith.constant 1 : i32
        %dma_wait3A_195 = arith.constant 1 : i32
        %dma_wait3A_196 = arith.constant 0 : i32
        %dma_wait3A_197 = arith.constant 0 : i32
        %dma_wait3A_198 = tpu.memref_slice %arg11[%dma_wait3A_194, %dma_wait3A_196, %dma_wait3A_197] : memref<4x128x64xf32, #tpu.memory_space<vmem>> -> memref<1x128x64xf32, #tpu.memory_space<vmem>>
        %dma_wait3A_199 = tpu.memref_squeeze %dma_wait3A_198 : memref<1x128x64xf32, #tpu.memory_space<vmem>> -> memref<128x64xf32, #tpu.memory_space<vmem>>
        %dma_wait3A_200 = arith.constant 0 : i32
        %dma_wait3A_201 = tpu.memref_slice %arg9[%rem3A_108, %dma_wait3A_193, %dma_wait3A_200] : memref<2x8x128xi32, #tpu.memory_space<vmem>> -> memref<1x1x128xi32, #tpu.memory_space<vmem>>
        %dma_wait3A_202 = tpu.memref_squeeze %dma_wait3A_201 : memref<1x1x128xi32, #tpu.memory_space<vmem>> -> memref<128xi32, #tpu.memory_space<vmem>>
        %dma_wait3A_203 = arith.constant 0 : i32
        %dma_wait3A_204 = arith.constant 0 : i32
        %dma_wait3A_205 = tpu.memref_slice %arg8[%dma_wait3A_203, %dma_wait3A_204] : memref<10240x64xf32, #tpu.memory_space<hbm>> -> memref<10240x64xf32, #tpu.memory_space<hbm>>
        %dma_wait3A_206 = tpu.memref_slice %arg20[%dma_wait3A_195] : memref<4x!tpu.dma_semaphore, #tpu.memory_space<semaphore_mem>> -> memref<1x!tpu.dma_semaphore, #tpu.memory_space<semaphore_mem>>
        %dma_wait3A_207 = tpu.memref_squeeze %dma_wait3A_206 : memref<1x!tpu.dma_semaphore, #tpu.memory_space<semaphore_mem>> -> memref<!tpu.dma_semaphore, #tpu.memory_space<semaphore_mem>>
        tpu.wait_indirect_dma semaphore(%dma_wait3A_207 : memref<!tpu.dma_semaphore, #tpu.memory_space<semaphore_mem>>) src(%dma_wait3A_205 : memref<10240x64xf32, #tpu.memory_space<hbm>>) dst(%dma_wait3A_199 : memref<128x64xf32, #tpu.memory_space<vmem>>)
        %dma_start3A_208 = arith.constant 1 : i32
        %dma_start3A_209 = arith.constant 1 : i32
        %dma_start3A_210 = arith.constant 1 : i32
        %dma_start3A_211 = arith.constant 0 : i32
        %dma_start3A_212 = arith.constant 0 : i32
        %dma_start3A_213 = tpu.memref_slice %arg11[%dma_start3A_208, %dma_start3A_211, %dma_start3A_212] : memref<4x128x64xf32, #tpu.memory_space<vmem>> -> memref<1x128x64xf32, #tpu.memory_space<vmem>>
        %dma_start3A_214 = tpu.memref_squeeze %dma_start3A_213 : memref<1x128x64xf32, #tpu.memory_space<vmem>> -> memref<128x64xf32, #tpu.memory_space<vmem>>
        %dma_start3A_215 = arith.constant 0 : i32
        %dma_start3A_216 = tpu.memref_slice %arg10[%rem3A_108, %dma_start3A_209, %dma_start3A_215] : memref<2x8x128xi32, #tpu.memory_space<vmem>> -> memref<1x1x128xi32, #tpu.memory_space<vmem>>
        %dma_start3A_217 = tpu.memref_squeeze %dma_start3A_216 : memref<1x1x128xi32, #tpu.memory_space<vmem>> -> memref<128xi32, #tpu.memory_space<vmem>>
        %dma_start3A_218 = arith.constant 0 : i32
        %dma_start3A_219 = arith.constant 0 : i32
        %dma_start3A_220 = tpu.memref_slice %arg27[%dma_start3A_218, %dma_start3A_219] : memref<10240x64xf32, #tpu.memory_space<vmem_shared>> -> memref<10240x64xf32, #tpu.memory_space<vmem_shared>>
        %dma_start3A_221 = tpu.memref_slice %arg21[%dma_start3A_210] : memref<4x!tpu.dma_semaphore, #tpu.memory_space<semaphore_mem>> -> memref<1x!tpu.dma_semaphore, #tpu.memory_space<semaphore_mem>>
        %dma_start3A_222 = tpu.memref_squeeze %dma_start3A_221 : memref<1x!tpu.dma_semaphore, #tpu.memory_space<semaphore_mem>> -> memref<!tpu.dma_semaphore, #tpu.memory_space<semaphore_mem>>
        tpu.enqueue_indirect_dma source(%dma_start3A_214 : memref<128x64xf32, #tpu.memory_space<vmem>>) target(%dma_start3A_220 : memref<10240x64xf32, #tpu.memory_space<vmem_shared>>) offsets(%dma_start3A_217 : memref<128xi32, #tpu.memory_space<vmem>>) semaphore(%dma_start3A_222 : memref<!tpu.dma_semaphore, #tpu.memory_space<semaphore_mem>>) {add = true}
        %dma_start3A_223 = arith.constant 3 : i32
        %dma_start3A_224 = arith.constant 3 : i32
        %dma_start3A_225 = arith.constant 3 : i32
        %dma_start3A_226 = arith.constant 0 : i32
        %dma_start3A_227 = arith.constant 0 : i32
        %dma_start3A_228 = tpu.memref_slice %arg11[%dma_start3A_224, %dma_start3A_226, %dma_start3A_227] : memref<4x128x64xf32, #tpu.memory_space<vmem>> -> memref<1x128x64xf32, #tpu.memory_space<vmem>>
        %dma_start3A_229 = tpu.memref_squeeze %dma_start3A_228 : memref<1x128x64xf32, #tpu.memory_space<vmem>> -> memref<128x64xf32, #tpu.memory_space<vmem>>
        %dma_start3A_230 = arith.constant 0 : i32
        %dma_start3A_231 = tpu.memref_slice %arg9[%rem3A_108, %dma_start3A_223, %dma_start3A_230] : memref<2x8x128xi32, #tpu.memory_space<vmem>> -> memref<1x1x128xi32, #tpu.memory_space<vmem>>
        %dma_start3A_232 = tpu.memref_squeeze %dma_start3A_231 : memref<1x1x128xi32, #tpu.memory_space<vmem>> -> memref<128xi32, #tpu.memory_space<vmem>>
        %dma_start3A_233 = arith.constant 0 : i32
        %dma_start3A_234 = arith.constant 0 : i32
        %dma_start3A_235 = tpu.memref_slice %arg8[%dma_start3A_233, %dma_start3A_234] : memref<10240x64xf32, #tpu.memory_space<hbm>> -> memref<10240x64xf32, #tpu.memory_space<hbm>>
        %dma_start3A_236 = tpu.memref_slice %arg20[%dma_start3A_225] : memref<4x!tpu.dma_semaphore, #tpu.memory_space<semaphore_mem>> -> memref<1x!tpu.dma_semaphore, #tpu.memory_space<semaphore_mem>>
        %dma_start3A_237 = tpu.memref_squeeze %dma_start3A_236 : memref<1x!tpu.dma_semaphore, #tpu.memory_space<semaphore_mem>> -> memref<!tpu.dma_semaphore, #tpu.memory_space<semaphore_mem>>
        tpu.enqueue_indirect_dma source(%dma_start3A_235 : memref<10240x64xf32, #tpu.memory_space<hbm>>) target(%dma_start3A_229 : memref<128x64xf32, #tpu.memory_space<vmem>>) offsets(%dma_start3A_232 : memref<128xi32, #tpu.memory_space<vmem>>) semaphore(%dma_start3A_237 : memref<!tpu.dma_semaphore, #tpu.memory_space<semaphore_mem>>)
        %dma_wait3A_238 = arith.constant 2 : i32
        %dma_wait3A_239 = arith.constant 2 : i32
        %dma_wait3A_240 = arith.constant 2 : i32
        %dma_wait3A_241 = arith.constant 0 : i32
        %dma_wait3A_242 = arith.constant 0 : i32
        %dma_wait3A_243 = tpu.memref_slice %arg11[%dma_wait3A_239, %dma_wait3A_241, %dma_wait3A_242] : memref<4x128x64xf32, #tpu.memory_space<vmem>> -> memref<1x128x64xf32, #tpu.memory_space<vmem>>
        %dma_wait3A_244 = tpu.memref_squeeze %dma_wait3A_243 : memref<1x128x64xf32, #tpu.memory_space<vmem>> -> memref<128x64xf32, #tpu.memory_space<vmem>>
        %dma_wait3A_245 = arith.constant 0 : i32
        %dma_wait3A_246 = tpu.memref_slice %arg9[%rem3A_108, %dma_wait3A_238, %dma_wait3A_245] : memref<2x8x128xi32, #tpu.memory_space<vmem>> -> memref<1x1x128xi32, #tpu.memory_space<vmem>>
        %dma_wait3A_247 = tpu.memref_squeeze %dma_wait3A_246 : memref<1x1x128xi32, #tpu.memory_space<vmem>> -> memref<128xi32, #tpu.memory_space<vmem>>
        %dma_wait3A_248 = arith.constant 0 : i32
        %dma_wait3A_249 = arith.constant 0 : i32
        %dma_wait3A_250 = tpu.memref_slice %arg8[%dma_wait3A_248, %dma_wait3A_249] : memref<10240x64xf32, #tpu.memory_space<hbm>> -> memref<10240x64xf32, #tpu.memory_space<hbm>>
        %dma_wait3A_251 = tpu.memref_slice %arg20[%dma_wait3A_240] : memref<4x!tpu.dma_semaphore, #tpu.memory_space<semaphore_mem>> -> memref<1x!tpu.dma_semaphore, #tpu.memory_space<semaphore_mem>>
        %dma_wait3A_252 = tpu.memref_squeeze %dma_wait3A_251 : memref<1x!tpu.dma_semaphore, #tpu.memory_space<semaphore_mem>> -> memref<!tpu.dma_semaphore, #tpu.memory_space<semaphore_mem>>
        tpu.wait_indirect_dma semaphore(%dma_wait3A_252 : memref<!tpu.dma_semaphore, #tpu.memory_space<semaphore_mem>>) src(%dma_wait3A_250 : memref<10240x64xf32, #tpu.memory_space<hbm>>) dst(%dma_wait3A_244 : memref<128x64xf32, #tpu.memory_space<vmem>>)
        %dma_start3A_253 = arith.constant 2 : i32
        %dma_start3A_254 = arith.constant 2 : i32
        %dma_start3A_255 = arith.constant 2 : i32
        %dma_start3A_256 = arith.constant 0 : i32
        %dma_start3A_257 = arith.constant 0 : i32
        %dma_start3A_258 = tpu.memref_slice %arg11[%dma_start3A_253, %dma_start3A_256, %dma_start3A_257] : memref<4x128x64xf32, #tpu.memory_space<vmem>> -> memref<1x128x64xf32, #tpu.memory_space<vmem>>
        %dma_start3A_259 = tpu.memref_squeeze %dma_start3A_258 : memref<1x128x64xf32, #tpu.memory_space<vmem>> -> memref<128x64xf32, #tpu.memory_space<vmem>>
        %dma_start3A_260 = arith.constant 0 : i32
        %dma_start3A_261 = tpu.memref_slice %arg10[%rem3A_108, %dma_start3A_254, %dma_start3A_260] : memref<2x8x128xi32, #tpu.memory_space<vmem>> -> memref<1x1x128xi32, #tpu.memory_space<vmem>>
        %dma_start3A_262 = tpu.memref_squeeze %dma_start3A_261 : memref<1x1x128xi32, #tpu.memory_space<vmem>> -> memref<128xi32, #tpu.memory_space<vmem>>
        %dma_start3A_263 = arith.constant 0 : i32
        %dma_start3A_264 = arith.constant 0 : i32
        %dma_start3A_265 = tpu.memref_slice %arg27[%dma_start3A_263, %dma_start3A_264] : memref<10240x64xf32, #tpu.memory_space<vmem_shared>> -> memref<10240x64xf32, #tpu.memory_space<vmem_shared>>
        %dma_start3A_266 = tpu.memref_slice %arg21[%dma_start3A_255] : memref<4x!tpu.dma_semaphore, #tpu.memory_space<semaphore_mem>> -> memref<1x!tpu.dma_semaphore, #tpu.memory_space<semaphore_mem>>
        %dma_start3A_267 = tpu.memref_squeeze %dma_start3A_266 : memref<1x!tpu.dma_semaphore, #tpu.memory_space<semaphore_mem>> -> memref<!tpu.dma_semaphore, #tpu.memory_space<semaphore_mem>>
        tpu.enqueue_indirect_dma source(%dma_start3A_259 : memref<128x64xf32, #tpu.memory_space<vmem>>) target(%dma_start3A_265 : memref<10240x64xf32, #tpu.memory_space<vmem_shared>>) offsets(%dma_start3A_262 : memref<128xi32, #tpu.memory_space<vmem>>) semaphore(%dma_start3A_267 : memref<!tpu.dma_semaphore, #tpu.memory_space<semaphore_mem>>) {add = true}
        %dma_wait3A_268 = arith.constant 0 : i32
        %dma_wait3A_269 = arith.constant 0 : i32
        %dma_wait3A_270 = arith.constant 0 : i32
        %dma_wait3A_271 = arith.constant 0 : i32
        %dma_wait3A_272 = arith.constant 0 : i32
        %dma_wait3A_273 = tpu.memref_slice %arg11[%dma_wait3A_268, %dma_wait3A_271, %dma_wait3A_272] : memref<4x128x64xf32, #tpu.memory_space<vmem>> -> memref<1x128x64xf32, #tpu.memory_space<vmem>>
        %dma_wait3A_274 = tpu.memref_squeeze %dma_wait3A_273 : memref<1x128x64xf32, #tpu.memory_space<vmem>> -> memref<128x64xf32, #tpu.memory_space<vmem>>
        %dma_wait3A_275 = arith.constant 0 : i32
        %dma_wait3A_276 = tpu.memref_slice %arg10[%rem3A_108, %dma_wait3A_269, %dma_wait3A_275] : memref<2x8x128xi32, #tpu.memory_space<vmem>> -> memref<1x1x128xi32, #tpu.memory_space<vmem>>
        %dma_wait3A_277 = tpu.memref_squeeze %dma_wait3A_276 : memref<1x1x128xi32, #tpu.memory_space<vmem>> -> memref<128xi32, #tpu.memory_space<vmem>>
        %dma_wait3A_278 = arith.constant 0 : i32
        %dma_wait3A_279 = arith.constant 0 : i32
        %dma_wait3A_280 = tpu.memref_slice %arg27[%dma_wait3A_278, %dma_wait3A_279] : memref<10240x64xf32, #tpu.memory_space<vmem_shared>> -> memref<10240x64xf32, #tpu.memory_space<vmem_shared>>
        %dma_wait3A_281 = tpu.memref_slice %arg21[%dma_wait3A_270] : memref<4x!tpu.dma_semaphore, #tpu.memory_space<semaphore_mem>> -> memref<1x!tpu.dma_semaphore, #tpu.memory_space<semaphore_mem>>
        %dma_wait3A_282 = tpu.memref_squeeze %dma_wait3A_281 : memref<1x!tpu.dma_semaphore, #tpu.memory_space<semaphore_mem>> -> memref<!tpu.dma_semaphore, #tpu.memory_space<semaphore_mem>>
        tpu.wait_indirect_dma semaphore(%dma_wait3A_282 : memref<!tpu.dma_semaphore, #tpu.memory_space<semaphore_mem>>) src(%dma_wait3A_274 : memref<128x64xf32, #tpu.memory_space<vmem>>) dst(%dma_wait3A_280 : memref<10240x64xf32, #tpu.memory_space<vmem_shared>>)
        %dma_start3A_283 = arith.constant 4 : i32
        %dma_start3A_284 = arith.constant 0 : i32
        %dma_start3A_285 = arith.constant 0 : i32
        %dma_start3A_286 = arith.constant 0 : i32
        %dma_start3A_287 = arith.constant 0 : i32
        %dma_start3A_288 = tpu.memref_slice %arg11[%dma_start3A_284, %dma_start3A_286, %dma_start3A_287] : memref<4x128x64xf32, #tpu.memory_space<vmem>> -> memref<1x128x64xf32, #tpu.memory_space<vmem>>
        %dma_start3A_289 = tpu.memref_squeeze %dma_start3A_288 : memref<1x128x64xf32, #tpu.memory_space<vmem>> -> memref<128x64xf32, #tpu.memory_space<vmem>>
        %dma_start3A_290 = arith.constant 0 : i32
        %dma_start3A_291 = tpu.memref_slice %arg9[%rem3A_108, %dma_start3A_283, %dma_start3A_290] : memref<2x8x128xi32, #tpu.memory_space<vmem>> -> memref<1x1x128xi32, #tpu.memory_space<vmem>>
        %dma_start3A_292 = tpu.memref_squeeze %dma_start3A_291 : memref<1x1x128xi32, #tpu.memory_space<vmem>> -> memref<128xi32, #tpu.memory_space<vmem>>
        %dma_start3A_293 = arith.constant 0 : i32
        %dma_start3A_294 = arith.constant 0 : i32
        %dma_start3A_295 = tpu.memref_slice %arg8[%dma_start3A_293, %dma_start3A_294] : memref<10240x64xf32, #tpu.memory_space<hbm>> -> memref<10240x64xf32, #tpu.memory_space<hbm>>
        %dma_start3A_296 = tpu.memref_slice %arg20[%dma_start3A_285] : memref<4x!tpu.dma_semaphore, #tpu.memory_space<semaphore_mem>> -> memref<1x!tpu.dma_semaphore, #tpu.memory_space<semaphore_mem>>
        %dma_start3A_297 = tpu.memref_squeeze %dma_start3A_296 : memref<1x!tpu.dma_semaphore, #tpu.memory_space<semaphore_mem>> -> memref<!tpu.dma_semaphore, #tpu.memory_space<semaphore_mem>>
        tpu.enqueue_indirect_dma source(%dma_start3A_295 : memref<10240x64xf32, #tpu.memory_space<hbm>>) target(%dma_start3A_289 : memref<128x64xf32, #tpu.memory_space<vmem>>) offsets(%dma_start3A_292 : memref<128xi32, #tpu.memory_space<vmem>>) semaphore(%dma_start3A_297 : memref<!tpu.dma_semaphore, #tpu.memory_space<semaphore_mem>>)
        %dma_wait3A_298 = arith.constant 3 : i32
        %dma_wait3A_299 = arith.constant 3 : i32
        %dma_wait3A_300 = arith.constant 3 : i32
        %dma_wait3A_301 = arith.constant 0 : i32
        %dma_wait3A_302 = arith.constant 0 : i32
        %dma_wait3A_303 = tpu.memref_slice %arg11[%dma_wait3A_299, %dma_wait3A_301, %dma_wait3A_302] : memref<4x128x64xf32, #tpu.memory_space<vmem>> -> memref<1x128x64xf32, #tpu.memory_space<vmem>>
        %dma_wait3A_304 = tpu.memref_squeeze %dma_wait3A_303 : memref<1x128x64xf32, #tpu.memory_space<vmem>> -> memref<128x64xf32, #tpu.memory_space<vmem>>
        %dma_wait3A_305 = arith.constant 0 : i32
        %dma_wait3A_306 = tpu.memref_slice %arg9[%rem3A_108, %dma_wait3A_298, %dma_wait3A_305] : memref<2x8x128xi32, #tpu.memory_space<vmem>> -> memref<1x1x128xi32, #tpu.memory_space<vmem>>
        %dma_wait3A_307 = tpu.memref_squeeze %dma_wait3A_306 : memref<1x1x128xi32, #tpu.memory_space<vmem>> -> memref<128xi32, #tpu.memory_space<vmem>>
        %dma_wait3A_308 = arith.constant 0 : i32
        %dma_wait3A_309 = arith.constant 0 : i32
        %dma_wait3A_310 = tpu.memref_slice %arg8[%dma_wait3A_308, %dma_wait3A_309] : memref<10240x64xf32, #tpu.memory_space<hbm>> -> memref<10240x64xf32, #tpu.memory_space<hbm>>
        %dma_wait3A_311 = tpu.memref_slice %arg20[%dma_wait3A_300] : memref<4x!tpu.dma_semaphore, #tpu.memory_space<semaphore_mem>> -> memref<1x!tpu.dma_semaphore, #tpu.memory_space<semaphore_mem>>
        %dma_wait3A_312 = tpu.memref_squeeze %dma_wait3A_311 : memref<1x!tpu.dma_semaphore, #tpu.memory_space<semaphore_mem>> -> memref<!tpu.dma_semaphore, #tpu.memory_space<semaphore_mem>>
        tpu.wait_indirect_dma semaphore(%dma_wait3A_312 : memref<!tpu.dma_semaphore, #tpu.memory_space<semaphore_mem>>) src(%dma_wait3A_310 : memref<10240x64xf32, #tpu.memory_space<hbm>>) dst(%dma_wait3A_304 : memref<128x64xf32, #tpu.memory_space<vmem>>)
        %dma_start3A_313 = arith.constant 3 : i32
        %dma_start3A_314 = arith.constant 3 : i32
        %dma_start3A_315 = arith.constant 3 : i32
        %dma_start3A_316 = arith.constant 0 : i32
        %dma_start3A_317 = arith.constant 0 : i32
        %dma_start3A_318 = tpu.memref_slice %arg11[%dma_start3A_313, %dma_start3A_316, %dma_start3A_317] : memref<4x128x64xf32, #tpu.memory_space<vmem>> -> memref<1x128x64xf32, #tpu.memory_space<vmem>>
        %dma_start3A_319 = tpu.memref_squeeze %dma_start3A_318 : memref<1x128x64xf32, #tpu.memory_space<vmem>> -> memref<128x64xf32, #tpu.memory_space<vmem>>
        %dma_start3A_320 = arith.constant 0 : i32
        %dma_start3A_321 = tpu.memref_slice %arg10[%rem3A_108, %dma_start3A_314, %dma_start3A_320] : memref<2x8x128xi32, #tpu.memory_space<vmem>> -> memref<1x1x128xi32, #tpu.memory_space<vmem>>
        %dma_start3A_322 = tpu.memref_squeeze %dma_start3A_321 : memref<1x1x128xi32, #tpu.memory_space<vmem>> -> memref<128xi32, #tpu.memory_space<vmem>>
        %dma_start3A_323 = arith.constant 0 : i32
        %dma_start3A_324 = arith.constant 0 : i32
        %dma_start3A_325 = tpu.memref_slice %arg27[%dma_start3A_323, %dma_start3A_324] : memref<10240x64xf32, #tpu.memory_space<vmem_shared>> -> memref<10240x64xf32, #tpu.memory_space<vmem_shared>>
        %dma_start3A_326 = tpu.memref_slice %arg21[%dma_start3A_315] : memref<4x!tpu.dma_semaphore, #tpu.memory_space<semaphore_mem>> -> memref<1x!tpu.dma_semaphore, #tpu.memory_space<semaphore_mem>>
        %dma_start3A_327 = tpu.memref_squeeze %dma_start3A_326 : memref<1x!tpu.dma_semaphore, #tpu.memory_space<semaphore_mem>> -> memref<!tpu.dma_semaphore, #tpu.memory_space<semaphore_mem>>
        tpu.enqueue_indirect_dma source(%dma_start3A_319 : memref<128x64xf32, #tpu.memory_space<vmem>>) target(%dma_start3A_325 : memref<10240x64xf32, #tpu.memory_space<vmem_shared>>) offsets(%dma_start3A_322 : memref<128xi32, #tpu.memory_space<vmem>>) semaphore(%dma_start3A_327 : memref<!tpu.dma_semaphore, #tpu.memory_space<semaphore_mem>>) {add = true}
        %dma_wait3A_328 = arith.constant 1 : i32
        %dma_wait3A_329 = arith.constant 1 : i32
        %dma_wait3A_330 = arith.constant 1 : i32
        %dma_wait3A_331 = arith.constant 0 : i32
        %dma_wait3A_332 = arith.constant 0 : i32
        %dma_wait3A_333 = tpu.memref_slice %arg11[%dma_wait3A_328, %dma_wait3A_331, %dma_wait3A_332] : memref<4x128x64xf32, #tpu.memory_space<vmem>> -> memref<1x128x64xf32, #tpu.memory_space<vmem>>
        %dma_wait3A_334 = tpu.memref_squeeze %dma_wait3A_333 : memref<1x128x64xf32, #tpu.memory_space<vmem>> -> memref<128x64xf32, #tpu.memory_space<vmem>>
        %dma_wait3A_335 = arith.constant 0 : i32
        %dma_wait3A_336 = tpu.memref_slice %arg10[%rem3A_108, %dma_wait3A_329, %dma_wait3A_335] : memref<2x8x128xi32, #tpu.memory_space<vmem>> -> memref<1x1x128xi32, #tpu.memory_space<vmem>>
        %dma_wait3A_337 = tpu.memref_squeeze %dma_wait3A_336 : memref<1x1x128xi32, #tpu.memory_space<vmem>> -> memref<128xi32, #tpu.memory_space<vmem>>
        %dma_wait3A_338 = arith.constant 0 : i32
        %dma_wait3A_339 = arith.constant 0 : i32
        %dma_wait3A_340 = tpu.memref_slice %arg27[%dma_wait3A_338, %dma_wait3A_339] : memref<10240x64xf32, #tpu.memory_space<vmem_shared>> -> memref<10240x64xf32, #tpu.memory_space<vmem_shared>>
        %dma_wait3A_341 = tpu.memref_slice %arg21[%dma_wait3A_330] : memref<4x!tpu.dma_semaphore, #tpu.memory_space<semaphore_mem>> -> memref<1x!tpu.dma_semaphore, #tpu.memory_space<semaphore_mem>>
        %dma_wait3A_342 = tpu.memref_squeeze %dma_wait3A_341 : memref<1x!tpu.dma_semaphore, #tpu.memory_space<semaphore_mem>> -> memref<!tpu.dma_semaphore, #tpu.memory_space<semaphore_mem>>
        tpu.wait_indirect_dma semaphore(%dma_wait3A_342 : memref<!tpu.dma_semaphore, #tpu.memory_space<semaphore_mem>>) src(%dma_wait3A_334 : memref<128x64xf32, #tpu.memory_space<vmem>>) dst(%dma_wait3A_340 : memref<10240x64xf32, #tpu.memory_space<vmem_shared>>)
        %dma_start3A_343 = arith.constant 5 : i32
        %dma_start3A_344 = arith.constant 1 : i32
        %dma_start3A_345 = arith.constant 1 : i32
        %dma_start3A_346 = arith.constant 0 : i32
        %dma_start3A_347 = arith.constant 0 : i32
        %dma_start3A_348 = tpu.memref_slice %arg11[%dma_start3A_344, %dma_start3A_346, %dma_start3A_347] : memref<4x128x64xf32, #tpu.memory_space<vmem>> -> memref<1x128x64xf32, #tpu.memory_space<vmem>>
        %dma_start3A_349 = tpu.memref_squeeze %dma_start3A_348 : memref<1x128x64xf32, #tpu.memory_space<vmem>> -> memref<128x64xf32, #tpu.memory_space<vmem>>
        %dma_start3A_350 = arith.constant 0 : i32
        %dma_start3A_351 = tpu.memref_slice %arg9[%rem3A_108, %dma_start3A_343, %dma_start3A_350] : memref<2x8x128xi32, #tpu.memory_space<vmem>> -> memref<1x1x128xi32, #tpu.memory_space<vmem>>
        %dma_start3A_352 = tpu.memref_squeeze %dma_start3A_351 : memref<1x1x128xi32, #tpu.memory_space<vmem>> -> memref<128xi32, #tpu.memory_space<vmem>>
        %dma_start3A_353 = arith.constant 0 : i32
        %dma_start3A_354 = arith.constant 0 : i32
        %dma_start3A_355 = tpu.memref_slice %arg8[%dma_start3A_353, %dma_start3A_354] : memref<10240x64xf32, #tpu.memory_space<hbm>> -> memref<10240x64xf32, #tpu.memory_space<hbm>>
        %dma_start3A_356 = tpu.memref_slice %arg20[%dma_start3A_345] : memref<4x!tpu.dma_semaphore, #tpu.memory_space<semaphore_mem>> -> memref<1x!tpu.dma_semaphore, #tpu.memory_space<semaphore_mem>>
        %dma_start3A_357 = tpu.memref_squeeze %dma_start3A_356 : memref<1x!tpu.dma_semaphore, #tpu.memory_space<semaphore_mem>> -> memref<!tpu.dma_semaphore, #tpu.memory_space<semaphore_mem>>
        tpu.enqueue_indirect_dma source(%dma_start3A_355 : memref<10240x64xf32, #tpu.memory_space<hbm>>) target(%dma_start3A_349 : memref<128x64xf32, #tpu.memory_space<vmem>>) offsets(%dma_start3A_352 : memref<128xi32, #tpu.memory_space<vmem>>) semaphore(%dma_start3A_357 : memref<!tpu.dma_semaphore, #tpu.memory_space<semaphore_mem>>)
        %dma_wait3A_358 = arith.constant 4 : i32
        %dma_wait3A_359 = arith.constant 0 : i32
        %dma_wait3A_360 = arith.constant 0 : i32
        %dma_wait3A_361 = arith.constant 0 : i32
        %dma_wait3A_362 = arith.constant 0 : i32
        %dma_wait3A_363 = tpu.memref_slice %arg11[%dma_wait3A_359, %dma_wait3A_361, %dma_wait3A_362] : memref<4x128x64xf32, #tpu.memory_space<vmem>> -> memref<1x128x64xf32, #tpu.memory_space<vmem>>
        %dma_wait3A_364 = tpu.memref_squeeze %dma_wait3A_363 : memref<1x128x64xf32, #tpu.memory_space<vmem>> -> memref<128x64xf32, #tpu.memory_space<vmem>>
        %dma_wait3A_365 = arith.constant 0 : i32
        %dma_wait3A_366 = tpu.memref_slice %arg9[%rem3A_108, %dma_wait3A_358, %dma_wait3A_365] : memref<2x8x128xi32, #tpu.memory_space<vmem>> -> memref<1x1x128xi32, #tpu.memory_space<vmem>>
        %dma_wait3A_367 = tpu.memref_squeeze %dma_wait3A_366 : memref<1x1x128xi32, #tpu.memory_space<vmem>> -> memref<128xi32, #tpu.memory_space<vmem>>
        %dma_wait3A_368 = arith.constant 0 : i32
        %dma_wait3A_369 = arith.constant 0 : i32
        %dma_wait3A_370 = tpu.memref_slice %arg8[%dma_wait3A_368, %dma_wait3A_369] : memref<10240x64xf32, #tpu.memory_space<hbm>> -> memref<10240x64xf32, #tpu.memory_space<hbm>>
        %dma_wait3A_371 = tpu.memref_slice %arg20[%dma_wait3A_360] : memref<4x!tpu.dma_semaphore, #tpu.memory_space<semaphore_mem>> -> memref<1x!tpu.dma_semaphore, #tpu.memory_space<semaphore_mem>>
        %dma_wait3A_372 = tpu.memref_squeeze %dma_wait3A_371 : memref<1x!tpu.dma_semaphore, #tpu.memory_space<semaphore_mem>> -> memref<!tpu.dma_semaphore, #tpu.memory_space<semaphore_mem>>
        tpu.wait_indirect_dma semaphore(%dma_wait3A_372 : memref<!tpu.dma_semaphore, #tpu.memory_space<semaphore_mem>>) src(%dma_wait3A_370 : memref<10240x64xf32, #tpu.memory_space<hbm>>) dst(%dma_wait3A_364 : memref<128x64xf32, #tpu.memory_space<vmem>>)
        %dma_start3A_373 = arith.constant 0 : i32
        %dma_start3A_374 = arith.constant 4 : i32
        %dma_start3A_375 = arith.constant 0 : i32
        %dma_start3A_376 = arith.constant 0 : i32
        %dma_start3A_377 = arith.constant 0 : i32
        %dma_start3A_378 = tpu.memref_slice %arg11[%dma_start3A_373, %dma_start3A_376, %dma_start3A_377] : memref<4x128x64xf32, #tpu.memory_space<vmem>> -> memref<1x128x64xf32, #tpu.memory_space<vmem>>
        %dma_start3A_379 = tpu.memref_squeeze %dma_start3A_378 : memref<1x128x64xf32, #tpu.memory_space<vmem>> -> memref<128x64xf32, #tpu.memory_space<vmem>>
        %dma_start3A_380 = arith.constant 0 : i32
        %dma_start3A_381 = tpu.memref_slice %arg10[%rem3A_108, %dma_start3A_374, %dma_start3A_380] : memref<2x8x128xi32, #tpu.memory_space<vmem>> -> memref<1x1x128xi32, #tpu.memory_space<vmem>>
        %dma_start3A_382 = tpu.memref_squeeze %dma_start3A_381 : memref<1x1x128xi32, #tpu.memory_space<vmem>> -> memref<128xi32, #tpu.memory_space<vmem>>
        %dma_start3A_383 = arith.constant 0 : i32
        %dma_start3A_384 = arith.constant 0 : i32
        %dma_start3A_385 = tpu.memref_slice %arg27[%dma_start3A_383, %dma_start3A_384] : memref<10240x64xf32, #tpu.memory_space<vmem_shared>> -> memref<10240x64xf32, #tpu.memory_space<vmem_shared>>
        %dma_start3A_386 = tpu.memref_slice %arg21[%dma_start3A_375] : memref<4x!tpu.dma_semaphore, #tpu.memory_space<semaphore_mem>> -> memref<1x!tpu.dma_semaphore, #tpu.memory_space<semaphore_mem>>
        %dma_start3A_387 = tpu.memref_squeeze %dma_start3A_386 : memref<1x!tpu.dma_semaphore, #tpu.memory_space<semaphore_mem>> -> memref<!tpu.dma_semaphore, #tpu.memory_space<semaphore_mem>>
        tpu.enqueue_indirect_dma source(%dma_start3A_379 : memref<128x64xf32, #tpu.memory_space<vmem>>) target(%dma_start3A_385 : memref<10240x64xf32, #tpu.memory_space<vmem_shared>>) offsets(%dma_start3A_382 : memref<128xi32, #tpu.memory_space<vmem>>) semaphore(%dma_start3A_387 : memref<!tpu.dma_semaphore, #tpu.memory_space<semaphore_mem>>) {add = true}
        %dma_wait3A_388 = arith.constant 2 : i32
        %dma_wait3A_389 = arith.constant 2 : i32
        %dma_wait3A_390 = arith.constant 2 : i32
        %dma_wait3A_391 = arith.constant 0 : i32
        %dma_wait3A_392 = arith.constant 0 : i32
        %dma_wait3A_393 = tpu.memref_slice %arg11[%dma_wait3A_388, %dma_wait3A_391, %dma_wait3A_392] : memref<4x128x64xf32, #tpu.memory_space<vmem>> -> memref<1x128x64xf32, #tpu.memory_space<vmem>>
        %dma_wait3A_394 = tpu.memref_squeeze %dma_wait3A_393 : memref<1x128x64xf32, #tpu.memory_space<vmem>> -> memref<128x64xf32, #tpu.memory_space<vmem>>
        %dma_wait3A_395 = arith.constant 0 : i32
        %dma_wait3A_396 = tpu.memref_slice %arg10[%rem3A_108, %dma_wait3A_389, %dma_wait3A_395] : memref<2x8x128xi32, #tpu.memory_space<vmem>> -> memref<1x1x128xi32, #tpu.memory_space<vmem>>
        %dma_wait3A_397 = tpu.memref_squeeze %dma_wait3A_396 : memref<1x1x128xi32, #tpu.memory_space<vmem>> -> memref<128xi32, #tpu.memory_space<vmem>>
        %dma_wait3A_398 = arith.constant 0 : i32
        %dma_wait3A_399 = arith.constant 0 : i32
        %dma_wait3A_400 = tpu.memref_slice %arg27[%dma_wait3A_398, %dma_wait3A_399] : memref<10240x64xf32, #tpu.memory_space<vmem_shared>> -> memref<10240x64xf32, #tpu.memory_space<vmem_shared>>
        %dma_wait3A_401 = tpu.memref_slice %arg21[%dma_wait3A_390] : memref<4x!tpu.dma_semaphore, #tpu.memory_space<semaphore_mem>> -> memref<1x!tpu.dma_semaphore, #tpu.memory_space<semaphore_mem>>
        %dma_wait3A_402 = tpu.memref_squeeze %dma_wait3A_401 : memref<1x!tpu.dma_semaphore, #tpu.memory_space<semaphore_mem>> -> memref<!tpu.dma_semaphore, #tpu.memory_space<semaphore_mem>>
        tpu.wait_indirect_dma semaphore(%dma_wait3A_402 : memref<!tpu.dma_semaphore, #tpu.memory_space<semaphore_mem>>) src(%dma_wait3A_394 : memref<128x64xf32, #tpu.memory_space<vmem>>) dst(%dma_wait3A_400 : memref<10240x64xf32, #tpu.memory_space<vmem_shared>>)
        %dma_start3A_403 = arith.constant 6 : i32
        %dma_start3A_404 = arith.constant 2 : i32
        %dma_start3A_405 = arith.constant 2 : i32
        %dma_start3A_406 = arith.constant 0 : i32
        %dma_start3A_407 = arith.constant 0 : i32
        %dma_start3A_408 = tpu.memref_slice %arg11[%dma_start3A_404, %dma_start3A_406, %dma_start3A_407] : memref<4x128x64xf32, #tpu.memory_space<vmem>> -> memref<1x128x64xf32, #tpu.memory_space<vmem>>
        %dma_start3A_409 = tpu.memref_squeeze %dma_start3A_408 : memref<1x128x64xf32, #tpu.memory_space<vmem>> -> memref<128x64xf32, #tpu.memory_space<vmem>>
        %dma_start3A_410 = arith.constant 0 : i32
        %dma_start3A_411 = tpu.memref_slice %arg9[%rem3A_108, %dma_start3A_403, %dma_start3A_410] : memref<2x8x128xi32, #tpu.memory_space<vmem>> -> memref<1x1x128xi32, #tpu.memory_space<vmem>>
        %dma_start3A_412 = tpu.memref_squeeze %dma_start3A_411 : memref<1x1x128xi32, #tpu.memory_space<vmem>> -> memref<128xi32, #tpu.memory_space<vmem>>
        %dma_start3A_413 = arith.constant 0 : i32
        %dma_start3A_414 = arith.constant 0 : i32
        %dma_start3A_415 = tpu.memref_slice %arg8[%dma_start3A_413, %dma_start3A_414] : memref<10240x64xf32, #tpu.memory_space<hbm>> -> memref<10240x64xf32, #tpu.memory_space<hbm>>
        %dma_start3A_416 = tpu.memref_slice %arg20[%dma_start3A_405] : memref<4x!tpu.dma_semaphore, #tpu.memory_space<semaphore_mem>> -> memref<1x!tpu.dma_semaphore, #tpu.memory_space<semaphore_mem>>
        %dma_start3A_417 = tpu.memref_squeeze %dma_start3A_416 : memref<1x!tpu.dma_semaphore, #tpu.memory_space<semaphore_mem>> -> memref<!tpu.dma_semaphore, #tpu.memory_space<semaphore_mem>>
        tpu.enqueue_indirect_dma source(%dma_start3A_415 : memref<10240x64xf32, #tpu.memory_space<hbm>>) target(%dma_start3A_409 : memref<128x64xf32, #tpu.memory_space<vmem>>) offsets(%dma_start3A_412 : memref<128xi32, #tpu.memory_space<vmem>>) semaphore(%dma_start3A_417 : memref<!tpu.dma_semaphore, #tpu.memory_space<semaphore_mem>>)
        %dma_wait3A_418 = arith.constant 5 : i32
        %dma_wait3A_419 = arith.constant 1 : i32
        %dma_wait3A_420 = arith.constant 1 : i32
        %dma_wait3A_421 = arith.constant 0 : i32
        %dma_wait3A_422 = arith.constant 0 : i32
        %dma_wait3A_423 = tpu.memref_slice %arg11[%dma_wait3A_419, %dma_wait3A_421, %dma_wait3A_422] : memref<4x128x64xf32, #tpu.memory_space<vmem>> -> memref<1x128x64xf32, #tpu.memory_space<vmem>>
        %dma_wait3A_424 = tpu.memref_squeeze %dma_wait3A_423 : memref<1x128x64xf32, #tpu.memory_space<vmem>> -> memref<128x64xf32, #tpu.memory_space<vmem>>
        %dma_wait3A_425 = arith.constant 0 : i32
        %dma_wait3A_426 = tpu.memref_slice %arg9[%rem3A_108, %dma_wait3A_418, %dma_wait3A_425] : memref<2x8x128xi32, #tpu.memory_space<vmem>> -> memref<1x1x128xi32, #tpu.memory_space<vmem>>
        %dma_wait3A_427 = tpu.memref_squeeze %dma_wait3A_426 : memref<1x1x128xi32, #tpu.memory_space<vmem>> -> memref<128xi32, #tpu.memory_space<vmem>>
        %dma_wait3A_428 = arith.constant 0 : i32
        %dma_wait3A_429 = arith.constant 0 : i32
        %dma_wait3A_430 = tpu.memref_slice %arg8[%dma_wait3A_428, %dma_wait3A_429] : memref<10240x64xf32, #tpu.memory_space<hbm>> -> memref<10240x64xf32, #tpu.memory_space<hbm>>
        %dma_wait3A_431 = tpu.memref_slice %arg20[%dma_wait3A_420] : memref<4x!tpu.dma_semaphore, #tpu.memory_space<semaphore_mem>> -> memref<1x!tpu.dma_semaphore, #tpu.memory_space<semaphore_mem>>
        %dma_wait3A_432 = tpu.memref_squeeze %dma_wait3A_431 : memref<1x!tpu.dma_semaphore, #tpu.memory_space<semaphore_mem>> -> memref<!tpu.dma_semaphore, #tpu.memory_space<semaphore_mem>>
        tpu.wait_indirect_dma semaphore(%dma_wait3A_432 : memref<!tpu.dma_semaphore, #tpu.memory_space<semaphore_mem>>) src(%dma_wait3A_430 : memref<10240x64xf32, #tpu.memory_space<hbm>>) dst(%dma_wait3A_424 : memref<128x64xf32, #tpu.memory_space<vmem>>)
        %dma_start3A_433 = arith.constant 1 : i32
        %dma_start3A_434 = arith.constant 5 : i32
        %dma_start3A_435 = arith.constant 1 : i32
        %dma_start3A_436 = arith.constant 0 : i32
        %dma_start3A_437 = arith.constant 0 : i32
        %dma_start3A_438 = tpu.memref_slice %arg11[%dma_start3A_433, %dma_start3A_436, %dma_start3A_437] : memref<4x128x64xf32, #tpu.memory_space<vmem>> -> memref<1x128x64xf32, #tpu.memory_space<vmem>>
        %dma_start3A_439 = tpu.memref_squeeze %dma_start3A_438 : memref<1x128x64xf32, #tpu.memory_space<vmem>> -> memref<128x64xf32, #tpu.memory_space<vmem>>
        %dma_start3A_440 = arith.constant 0 : i32
        %dma_start3A_441 = tpu.memref_slice %arg10[%rem3A_108, %dma_start3A_434, %dma_start3A_440] : memref<2x8x128xi32, #tpu.memory_space<vmem>> -> memref<1x1x128xi32, #tpu.memory_space<vmem>>
        %dma_start3A_442 = tpu.memref_squeeze %dma_start3A_441 : memref<1x1x128xi32, #tpu.memory_space<vmem>> -> memref<128xi32, #tpu.memory_space<vmem>>
        %dma_start3A_443 = arith.constant 0 : i32
        %dma_start3A_444 = arith.constant 0 : i32
        %dma_start3A_445 = tpu.memref_slice %arg27[%dma_start3A_443, %dma_start3A_444] : memref<10240x64xf32, #tpu.memory_space<vmem_shared>> -> memref<10240x64xf32, #tpu.memory_space<vmem_shared>>
        %dma_start3A_446 = tpu.memref_slice %arg21[%dma_start3A_435] : memref<4x!tpu.dma_semaphore, #tpu.memory_space<semaphore_mem>> -> memref<1x!tpu.dma_semaphore, #tpu.memory_space<semaphore_mem>>
        %dma_start3A_447 = tpu.memref_squeeze %dma_start3A_446 : memref<1x!tpu.dma_semaphore, #tpu.memory_space<semaphore_mem>> -> memref<!tpu.dma_semaphore, #tpu.memory_space<semaphore_mem>>
        tpu.enqueue_indirect_dma source(%dma_start3A_439 : memref<128x64xf32, #tpu.memory_space<vmem>>) target(%dma_start3A_445 : memref<10240x64xf32, #tpu.memory_space<vmem_shared>>) offsets(%dma_start3A_442 : memref<128xi32, #tpu.memory_space<vmem>>) semaphore(%dma_start3A_447 : memref<!tpu.dma_semaphore, #tpu.memory_space<semaphore_mem>>) {add = true}
        %dma_wait3A_448 = arith.constant 3 : i32
        %dma_wait3A_449 = arith.constant 3 : i32
        %dma_wait3A_450 = arith.constant 3 : i32
        %dma_wait3A_451 = arith.constant 0 : i32
        %dma_wait3A_452 = arith.constant 0 : i32
        %dma_wait3A_453 = tpu.memref_slice %arg11[%dma_wait3A_448, %dma_wait3A_451, %dma_wait3A_452] : memref<4x128x64xf32, #tpu.memory_space<vmem>> -> memref<1x128x64xf32, #tpu.memory_space<vmem>>
        %dma_wait3A_454 = tpu.memref_squeeze %dma_wait3A_453 : memref<1x128x64xf32, #tpu.memory_space<vmem>> -> memref<128x64xf32, #tpu.memory_space<vmem>>
        %dma_wait3A_455 = arith.constant 0 : i32
        %dma_wait3A_456 = tpu.memref_slice %arg10[%rem3A_108, %dma_wait3A_449, %dma_wait3A_455] : memref<2x8x128xi32, #tpu.memory_space<vmem>> -> memref<1x1x128xi32, #tpu.memory_space<vmem>>
        %dma_wait3A_457 = tpu.memref_squeeze %dma_wait3A_456 : memref<1x1x128xi32, #tpu.memory_space<vmem>> -> memref<128xi32, #tpu.memory_space<vmem>>
        %dma_wait3A_458 = arith.constant 0 : i32
        %dma_wait3A_459 = arith.constant 0 : i32
        %dma_wait3A_460 = tpu.memref_slice %arg27[%dma_wait3A_458, %dma_wait3A_459] : memref<10240x64xf32, #tpu.memory_space<vmem_shared>> -> memref<10240x64xf32, #tpu.memory_space<vmem_shared>>
        %dma_wait3A_461 = tpu.memref_slice %arg21[%dma_wait3A_450] : memref<4x!tpu.dma_semaphore, #tpu.memory_space<semaphore_mem>> -> memref<1x!tpu.dma_semaphore, #tpu.memory_space<semaphore_mem>>
        %dma_wait3A_462 = tpu.memref_squeeze %dma_wait3A_461 : memref<1x!tpu.dma_semaphore, #tpu.memory_space<semaphore_mem>> -> memref<!tpu.dma_semaphore, #tpu.memory_space<semaphore_mem>>
        tpu.wait_indirect_dma semaphore(%dma_wait3A_462 : memref<!tpu.dma_semaphore, #tpu.memory_space<semaphore_mem>>) src(%dma_wait3A_454 : memref<128x64xf32, #tpu.memory_space<vmem>>) dst(%dma_wait3A_460 : memref<10240x64xf32, #tpu.memory_space<vmem_shared>>)
        %dma_start3A_463 = arith.constant 7 : i32
        %dma_start3A_464 = arith.constant 3 : i32
        %dma_start3A_465 = arith.constant 3 : i32
        %dma_start3A_466 = arith.constant 0 : i32
        %dma_start3A_467 = arith.constant 0 : i32
        %dma_start3A_468 = tpu.memref_slice %arg11[%dma_start3A_464, %dma_start3A_466, %dma_start3A_467] : memref<4x128x64xf32, #tpu.memory_space<vmem>> -> memref<1x128x64xf32, #tpu.memory_space<vmem>>
        %dma_start3A_469 = tpu.memref_squeeze %dma_start3A_468 : memref<1x128x64xf32, #tpu.memory_space<vmem>> -> memref<128x64xf32, #tpu.memory_space<vmem>>
        %dma_start3A_470 = arith.constant 0 : i32
        %dma_start3A_471 = tpu.memref_slice %arg9[%rem3A_108, %dma_start3A_463, %dma_start3A_470] : memref<2x8x128xi32, #tpu.memory_space<vmem>> -> memref<1x1x128xi32, #tpu.memory_space<vmem>>
        %dma_start3A_472 = tpu.memref_squeeze %dma_start3A_471 : memref<1x1x128xi32, #tpu.memory_space<vmem>> -> memref<128xi32, #tpu.memory_space<vmem>>
        %dma_start3A_473 = arith.constant 0 : i32
        %dma_start3A_474 = arith.constant 0 : i32
        %dma_start3A_475 = tpu.memref_slice %arg8[%dma_start3A_473, %dma_start3A_474] : memref<10240x64xf32, #tpu.memory_space<hbm>> -> memref<10240x64xf32, #tpu.memory_space<hbm>>
        %dma_start3A_476 = tpu.memref_slice %arg20[%dma_start3A_465] : memref<4x!tpu.dma_semaphore, #tpu.memory_space<semaphore_mem>> -> memref<1x!tpu.dma_semaphore, #tpu.memory_space<semaphore_mem>>
        %dma_start3A_477 = tpu.memref_squeeze %dma_start3A_476 : memref<1x!tpu.dma_semaphore, #tpu.memory_space<semaphore_mem>> -> memref<!tpu.dma_semaphore, #tpu.memory_space<semaphore_mem>>
        tpu.enqueue_indirect_dma source(%dma_start3A_475 : memref<10240x64xf32, #tpu.memory_space<hbm>>) target(%dma_start3A_469 : memref<128x64xf32, #tpu.memory_space<vmem>>) offsets(%dma_start3A_472 : memref<128xi32, #tpu.memory_space<vmem>>) semaphore(%dma_start3A_477 : memref<!tpu.dma_semaphore, #tpu.memory_space<semaphore_mem>>)
        %dma_wait3A_478 = arith.constant 6 : i32
        %dma_wait3A_479 = arith.constant 2 : i32
        %dma_wait3A_480 = arith.constant 2 : i32
        %dma_wait3A_481 = arith.constant 0 : i32
        %dma_wait3A_482 = arith.constant 0 : i32
        %dma_wait3A_483 = tpu.memref_slice %arg11[%dma_wait3A_479, %dma_wait3A_481, %dma_wait3A_482] : memref<4x128x64xf32, #tpu.memory_space<vmem>> -> memref<1x128x64xf32, #tpu.memory_space<vmem>>
        %dma_wait3A_484 = tpu.memref_squeeze %dma_wait3A_483 : memref<1x128x64xf32, #tpu.memory_space<vmem>> -> memref<128x64xf32, #tpu.memory_space<vmem>>
        %dma_wait3A_485 = arith.constant 0 : i32
        %dma_wait3A_486 = tpu.memref_slice %arg9[%rem3A_108, %dma_wait3A_478, %dma_wait3A_485] : memref<2x8x128xi32, #tpu.memory_space<vmem>> -> memref<1x1x128xi32, #tpu.memory_space<vmem>>
        %dma_wait3A_487 = tpu.memref_squeeze %dma_wait3A_486 : memref<1x1x128xi32, #tpu.memory_space<vmem>> -> memref<128xi32, #tpu.memory_space<vmem>>
        %dma_wait3A_488 = arith.constant 0 : i32
        %dma_wait3A_489 = arith.constant 0 : i32
        %dma_wait3A_490 = tpu.memref_slice %arg8[%dma_wait3A_488, %dma_wait3A_489] : memref<10240x64xf32, #tpu.memory_space<hbm>> -> memref<10240x64xf32, #tpu.memory_space<hbm>>
        %dma_wait3A_491 = tpu.memref_slice %arg20[%dma_wait3A_480] : memref<4x!tpu.dma_semaphore, #tpu.memory_space<semaphore_mem>> -> memref<1x!tpu.dma_semaphore, #tpu.memory_space<semaphore_mem>>
        %dma_wait3A_492 = tpu.memref_squeeze %dma_wait3A_491 : memref<1x!tpu.dma_semaphore, #tpu.memory_space<semaphore_mem>> -> memref<!tpu.dma_semaphore, #tpu.memory_space<semaphore_mem>>
        tpu.wait_indirect_dma semaphore(%dma_wait3A_492 : memref<!tpu.dma_semaphore, #tpu.memory_space<semaphore_mem>>) src(%dma_wait3A_490 : memref<10240x64xf32, #tpu.memory_space<hbm>>) dst(%dma_wait3A_484 : memref<128x64xf32, #tpu.memory_space<vmem>>)
        %dma_start3A_493 = arith.constant 2 : i32
        %dma_start3A_494 = arith.constant 6 : i32
        %dma_start3A_495 = arith.constant 2 : i32
        %dma_start3A_496 = arith.constant 0 : i32
        %dma_start3A_497 = arith.constant 0 : i32
        %dma_start3A_498 = tpu.memref_slice %arg11[%dma_start3A_493, %dma_start3A_496, %dma_start3A_497] : memref<4x128x64xf32, #tpu.memory_space<vmem>> -> memref<1x128x64xf32, #tpu.memory_space<vmem>>
        %dma_start3A_499 = tpu.memref_squeeze %dma_start3A_498 : memref<1x128x64xf32, #tpu.memory_space<vmem>> -> memref<128x64xf32, #tpu.memory_space<vmem>>
        %dma_start3A_500 = arith.constant 0 : i32
        %dma_start3A_501 = tpu.memref_slice %arg10[%rem3A_108, %dma_start3A_494, %dma_start3A_500] : memref<2x8x128xi32, #tpu.memory_space<vmem>> -> memref<1x1x128xi32, #tpu.memory_space<vmem>>
        %dma_start3A_502 = tpu.memref_squeeze %dma_start3A_501 : memref<1x1x128xi32, #tpu.memory_space<vmem>> -> memref<128xi32, #tpu.memory_space<vmem>>
        %dma_start3A_503 = arith.constant 0 : i32
        %dma_start3A_504 = arith.constant 0 : i32
        %dma_start3A_505 = tpu.memref_slice %arg27[%dma_start3A_503, %dma_start3A_504] : memref<10240x64xf32, #tpu.memory_space<vmem_shared>> -> memref<10240x64xf32, #tpu.memory_space<vmem_shared>>
        %dma_start3A_506 = tpu.memref_slice %arg21[%dma_start3A_495] : memref<4x!tpu.dma_semaphore, #tpu.memory_space<semaphore_mem>> -> memref<1x!tpu.dma_semaphore, #tpu.memory_space<semaphore_mem>>
        %dma_start3A_507 = tpu.memref_squeeze %dma_start3A_506 : memref<1x!tpu.dma_semaphore, #tpu.memory_space<semaphore_mem>> -> memref<!tpu.dma_semaphore, #tpu.memory_space<semaphore_mem>>
        tpu.enqueue_indirect_dma source(%dma_start3A_499 : memref<128x64xf32, #tpu.memory_space<vmem>>) target(%dma_start3A_505 : memref<10240x64xf32, #tpu.memory_space<vmem_shared>>) offsets(%dma_start3A_502 : memref<128xi32, #tpu.memory_space<vmem>>) semaphore(%dma_start3A_507 : memref<!tpu.dma_semaphore, #tpu.memory_space<semaphore_mem>>) {add = true}
        %dma_wait3A_508 = arith.constant 7 : i32
        %dma_wait3A_509 = arith.constant 3 : i32
        %dma_wait3A_510 = arith.constant 3 : i32
        %dma_wait3A_511 = arith.constant 0 : i32
        %dma_wait3A_512 = arith.constant 0 : i32
        %dma_wait3A_513 = tpu.memref_slice %arg11[%dma_wait3A_509, %dma_wait3A_511, %dma_wait3A_512] : memref<4x128x64xf32, #tpu.memory_space<vmem>> -> memref<1x128x64xf32, #tpu.memory_space<vmem>>
        %dma_wait3A_514 = tpu.memref_squeeze %dma_wait3A_513 : memref<1x128x64xf32, #tpu.memory_space<vmem>> -> memref<128x64xf32, #tpu.memory_space<vmem>>
        %dma_wait3A_515 = arith.constant 0 : i32
        %dma_wait3A_516 = tpu.memref_slice %arg9[%rem3A_108, %dma_wait3A_508, %dma_wait3A_515] : memref<2x8x128xi32, #tpu.memory_space<vmem>> -> memref<1x1x128xi32, #tpu.memory_space<vmem>>
        %dma_wait3A_517 = tpu.memref_squeeze %dma_wait3A_516 : memref<1x1x128xi32, #tpu.memory_space<vmem>> -> memref<128xi32, #tpu.memory_space<vmem>>
        %dma_wait3A_518 = arith.constant 0 : i32
        %dma_wait3A_519 = arith.constant 0 : i32
        %dma_wait3A_520 = tpu.memref_slice %arg8[%dma_wait3A_518, %dma_wait3A_519] : memref<10240x64xf32, #tpu.memory_space<hbm>> -> memref<10240x64xf32, #tpu.memory_space<hbm>>
        %dma_wait3A_521 = tpu.memref_slice %arg20[%dma_wait3A_510] : memref<4x!tpu.dma_semaphore, #tpu.memory_space<semaphore_mem>> -> memref<1x!tpu.dma_semaphore, #tpu.memory_space<semaphore_mem>>
        %dma_wait3A_522 = tpu.memref_squeeze %dma_wait3A_521 : memref<1x!tpu.dma_semaphore, #tpu.memory_space<semaphore_mem>> -> memref<!tpu.dma_semaphore, #tpu.memory_space<semaphore_mem>>
        tpu.wait_indirect_dma semaphore(%dma_wait3A_522 : memref<!tpu.dma_semaphore, #tpu.memory_space<semaphore_mem>>) src(%dma_wait3A_520 : memref<10240x64xf32, #tpu.memory_space<hbm>>) dst(%dma_wait3A_514 : memref<128x64xf32, #tpu.memory_space<vmem>>)
        %dma_start3A_523 = arith.constant 3 : i32
        %dma_start3A_524 = arith.constant 7 : i32
        %dma_start3A_525 = arith.constant 3 : i32
        %dma_start3A_526 = arith.constant 0 : i32
        %dma_start3A_527 = arith.constant 0 : i32
        %dma_start3A_528 = tpu.memref_slice %arg11[%dma_start3A_523, %dma_start3A_526, %dma_start3A_527] : memref<4x128x64xf32, #tpu.memory_space<vmem>> -> memref<1x128x64xf32, #tpu.memory_space<vmem>>
        %dma_start3A_529 = tpu.memref_squeeze %dma_start3A_528 : memref<1x128x64xf32, #tpu.memory_space<vmem>> -> memref<128x64xf32, #tpu.memory_space<vmem>>
        %dma_start3A_530 = arith.constant 0 : i32
        %dma_start3A_531 = tpu.memref_slice %arg10[%rem3A_108, %dma_start3A_524, %dma_start3A_530] : memref<2x8x128xi32, #tpu.memory_space<vmem>> -> memref<1x1x128xi32, #tpu.memory_space<vmem>>
        %dma_start3A_532 = tpu.memref_squeeze %dma_start3A_531 : memref<1x1x128xi32, #tpu.memory_space<vmem>> -> memref<128xi32, #tpu.memory_space<vmem>>
        %dma_start3A_533 = arith.constant 0 : i32
        %dma_start3A_534 = arith.constant 0 : i32
        %dma_start3A_535 = tpu.memref_slice %arg27[%dma_start3A_533, %dma_start3A_534] : memref<10240x64xf32, #tpu.memory_space<vmem_shared>> -> memref<10240x64xf32, #tpu.memory_space<vmem_shared>>
        %dma_start3A_536 = tpu.memref_slice %arg21[%dma_start3A_525] : memref<4x!tpu.dma_semaphore, #tpu.memory_space<semaphore_mem>> -> memref<1x!tpu.dma_semaphore, #tpu.memory_space<semaphore_mem>>
        %dma_start3A_537 = tpu.memref_squeeze %dma_start3A_536 : memref<1x!tpu.dma_semaphore, #tpu.memory_space<semaphore_mem>> -> memref<!tpu.dma_semaphore, #tpu.memory_space<semaphore_mem>>
        tpu.enqueue_indirect_dma source(%dma_start3A_529 : memref<128x64xf32, #tpu.memory_space<vmem>>) target(%dma_start3A_535 : memref<10240x64xf32, #tpu.memory_space<vmem_shared>>) offsets(%dma_start3A_532 : memref<128xi32, #tpu.memory_space<vmem>>) semaphore(%dma_start3A_537 : memref<!tpu.dma_semaphore, #tpu.memory_space<semaphore_mem>>) {add = true}
        %dma_wait3A_538 = arith.constant 0 : i32
        %dma_wait3A_539 = arith.constant 4 : i32
        %dma_wait3A_540 = arith.constant 0 : i32
        %dma_wait3A_541 = arith.constant 0 : i32
        %dma_wait3A_542 = arith.constant 0 : i32
        %dma_wait3A_543 = tpu.memref_slice %arg11[%dma_wait3A_538, %dma_wait3A_541, %dma_wait3A_542] : memref<4x128x64xf32, #tpu.memory_space<vmem>> -> memref<1x128x64xf32, #tpu.memory_space<vmem>>
        %dma_wait3A_544 = tpu.memref_squeeze %dma_wait3A_543 : memref<1x128x64xf32, #tpu.memory_space<vmem>> -> memref<128x64xf32, #tpu.memory_space<vmem>>
        %dma_wait3A_545 = arith.constant 0 : i32
        %dma_wait3A_546 = tpu.memref_slice %arg10[%rem3A_108, %dma_wait3A_539, %dma_wait3A_545] : memref<2x8x128xi32, #tpu.memory_space<vmem>> -> memref<1x1x128xi32, #tpu.memory_space<vmem>>
        %dma_wait3A_547 = tpu.memref_squeeze %dma_wait3A_546 : memref<1x1x128xi32, #tpu.memory_space<vmem>> -> memref<128xi32, #tpu.memory_space<vmem>>
        %dma_wait3A_548 = arith.constant 0 : i32
        %dma_wait3A_549 = arith.constant 0 : i32
        %dma_wait3A_550 = tpu.memref_slice %arg27[%dma_wait3A_548, %dma_wait3A_549] : memref<10240x64xf32, #tpu.memory_space<vmem_shared>> -> memref<10240x64xf32, #tpu.memory_space<vmem_shared>>
        %dma_wait3A_551 = tpu.memref_slice %arg21[%dma_wait3A_540] : memref<4x!tpu.dma_semaphore, #tpu.memory_space<semaphore_mem>> -> memref<1x!tpu.dma_semaphore, #tpu.memory_space<semaphore_mem>>
        %dma_wait3A_552 = tpu.memref_squeeze %dma_wait3A_551 : memref<1x!tpu.dma_semaphore, #tpu.memory_space<semaphore_mem>> -> memref<!tpu.dma_semaphore, #tpu.memory_space<semaphore_mem>>
        tpu.wait_indirect_dma semaphore(%dma_wait3A_552 : memref<!tpu.dma_semaphore, #tpu.memory_space<semaphore_mem>>) src(%dma_wait3A_544 : memref<128x64xf32, #tpu.memory_space<vmem>>) dst(%dma_wait3A_550 : memref<10240x64xf32, #tpu.memory_space<vmem_shared>>)
        %dma_wait3A_553 = arith.constant 1 : i32
        %dma_wait3A_554 = arith.constant 5 : i32
        %dma_wait3A_555 = arith.constant 1 : i32
        %dma_wait3A_556 = arith.constant 0 : i32
        %dma_wait3A_557 = arith.constant 0 : i32
        %dma_wait3A_558 = tpu.memref_slice %arg11[%dma_wait3A_553, %dma_wait3A_556, %dma_wait3A_557] : memref<4x128x64xf32, #tpu.memory_space<vmem>> -> memref<1x128x64xf32, #tpu.memory_space<vmem>>
        %dma_wait3A_559 = tpu.memref_squeeze %dma_wait3A_558 : memref<1x128x64xf32, #tpu.memory_space<vmem>> -> memref<128x64xf32, #tpu.memory_space<vmem>>
        %dma_wait3A_560 = arith.constant 0 : i32
        %dma_wait3A_561 = tpu.memref_slice %arg10[%rem3A_108, %dma_wait3A_554, %dma_wait3A_560] : memref<2x8x128xi32, #tpu.memory_space<vmem>> -> memref<1x1x128xi32, #tpu.memory_space<vmem>>
        %dma_wait3A_562 = tpu.memref_squeeze %dma_wait3A_561 : memref<1x1x128xi32, #tpu.memory_space<vmem>> -> memref<128xi32, #tpu.memory_space<vmem>>
        %dma_wait3A_563 = arith.constant 0 : i32
        %dma_wait3A_564 = arith.constant 0 : i32
        %dma_wait3A_565 = tpu.memref_slice %arg27[%dma_wait3A_563, %dma_wait3A_564] : memref<10240x64xf32, #tpu.memory_space<vmem_shared>> -> memref<10240x64xf32, #tpu.memory_space<vmem_shared>>
        %dma_wait3A_566 = tpu.memref_slice %arg21[%dma_wait3A_555] : memref<4x!tpu.dma_semaphore, #tpu.memory_space<semaphore_mem>> -> memref<1x!tpu.dma_semaphore, #tpu.memory_space<semaphore_mem>>
        %dma_wait3A_567 = tpu.memref_squeeze %dma_wait3A_566 : memref<1x!tpu.dma_semaphore, #tpu.memory_space<semaphore_mem>> -> memref<!tpu.dma_semaphore, #tpu.memory_space<semaphore_mem>>
        tpu.wait_indirect_dma semaphore(%dma_wait3A_567 : memref<!tpu.dma_semaphore, #tpu.memory_space<semaphore_mem>>) src(%dma_wait3A_559 : memref<128x64xf32, #tpu.memory_space<vmem>>) dst(%dma_wait3A_565 : memref<10240x64xf32, #tpu.memory_space<vmem_shared>>)
        %dma_wait3A_568 = arith.constant 2 : i32
        %dma_wait3A_569 = arith.constant 6 : i32
        %dma_wait3A_570 = arith.constant 2 : i32
        %dma_wait3A_571 = arith.constant 0 : i32
        %dma_wait3A_572 = arith.constant 0 : i32
        %dma_wait3A_573 = tpu.memref_slice %arg11[%dma_wait3A_568, %dma_wait3A_571, %dma_wait3A_572] : memref<4x128x64xf32, #tpu.memory_space<vmem>> -> memref<1x128x64xf32, #tpu.memory_space<vmem>>
        %dma_wait3A_574 = tpu.memref_squeeze %dma_wait3A_573 : memref<1x128x64xf32, #tpu.memory_space<vmem>> -> memref<128x64xf32, #tpu.memory_space<vmem>>
        %dma_wait3A_575 = arith.constant 0 : i32
        %dma_wait3A_576 = tpu.memref_slice %arg10[%rem3A_108, %dma_wait3A_569, %dma_wait3A_575] : memref<2x8x128xi32, #tpu.memory_space<vmem>> -> memref<1x1x128xi32, #tpu.memory_space<vmem>>
        %dma_wait3A_577 = tpu.memref_squeeze %dma_wait3A_576 : memref<1x1x128xi32, #tpu.memory_space<vmem>> -> memref<128xi32, #tpu.memory_space<vmem>>
        %dma_wait3A_578 = arith.constant 0 : i32
        %dma_wait3A_579 = arith.constant 0 : i32
        %dma_wait3A_580 = tpu.memref_slice %arg27[%dma_wait3A_578, %dma_wait3A_579] : memref<10240x64xf32, #tpu.memory_space<vmem_shared>> -> memref<10240x64xf32, #tpu.memory_space<vmem_shared>>
        %dma_wait3A_581 = tpu.memref_slice %arg21[%dma_wait3A_570] : memref<4x!tpu.dma_semaphore, #tpu.memory_space<semaphore_mem>> -> memref<1x!tpu.dma_semaphore, #tpu.memory_space<semaphore_mem>>
        %dma_wait3A_582 = tpu.memref_squeeze %dma_wait3A_581 : memref<1x!tpu.dma_semaphore, #tpu.memory_space<semaphore_mem>> -> memref<!tpu.dma_semaphore, #tpu.memory_space<semaphore_mem>>
        tpu.wait_indirect_dma semaphore(%dma_wait3A_582 : memref<!tpu.dma_semaphore, #tpu.memory_space<semaphore_mem>>) src(%dma_wait3A_574 : memref<128x64xf32, #tpu.memory_space<vmem>>) dst(%dma_wait3A_580 : memref<10240x64xf32, #tpu.memory_space<vmem_shared>>)
        %dma_wait3A_583 = arith.constant 3 : i32
        %dma_wait3A_584 = arith.constant 7 : i32
        %dma_wait3A_585 = arith.constant 3 : i32
        %dma_wait3A_586 = arith.constant 0 : i32
        %dma_wait3A_587 = arith.constant 0 : i32
        %dma_wait3A_588 = tpu.memref_slice %arg11[%dma_wait3A_583, %dma_wait3A_586, %dma_wait3A_587] : memref<4x128x64xf32, #tpu.memory_space<vmem>> -> memref<1x128x64xf32, #tpu.memory_space<vmem>>
        %dma_wait3A_589 = tpu.memref_squeeze %dma_wait3A_588 : memref<1x128x64xf32, #tpu.memory_space<vmem>> -> memref<128x64xf32, #tpu.memory_space<vmem>>
        %dma_wait3A_590 = arith.constant 0 : i32
        %dma_wait3A_591 = tpu.memref_slice %arg10[%rem3A_108, %dma_wait3A_584, %dma_wait3A_590] : memref<2x8x128xi32, #tpu.memory_space<vmem>> -> memref<1x1x128xi32, #tpu.memory_space<vmem>>
        %dma_wait3A_592 = tpu.memref_squeeze %dma_wait3A_591 : memref<1x1x128xi32, #tpu.memory_space<vmem>> -> memref<128xi32, #tpu.memory_space<vmem>>
        %dma_wait3A_593 = arith.constant 0 : i32
        %dma_wait3A_594 = arith.constant 0 : i32
        %dma_wait3A_595 = tpu.memref_slice %arg27[%dma_wait3A_593, %dma_wait3A_594] : memref<10240x64xf32, #tpu.memory_space<vmem_shared>> -> memref<10240x64xf32, #tpu.memory_space<vmem_shared>>
        %dma_wait3A_596 = tpu.memref_slice %arg21[%dma_wait3A_585] : memref<4x!tpu.dma_semaphore, #tpu.memory_space<semaphore_mem>> -> memref<1x!tpu.dma_semaphore, #tpu.memory_space<semaphore_mem>>
        %dma_wait3A_597 = tpu.memref_squeeze %dma_wait3A_596 : memref<1x!tpu.dma_semaphore, #tpu.memory_space<semaphore_mem>> -> memref<!tpu.dma_semaphore, #tpu.memory_space<semaphore_mem>>
        tpu.wait_indirect_dma semaphore(%dma_wait3A_597 : memref<!tpu.dma_semaphore, #tpu.memory_space<semaphore_mem>>) src(%dma_wait3A_589 : memref<128x64xf32, #tpu.memory_space<vmem>>) dst(%dma_wait3A_595 : memref<10240x64xf32, #tpu.memory_space<vmem_shared>>)
        %add3A_598 = arith.constant 1 : i32
        %add3A_599 = arith.addi %add3A_107, %add3A_598 : i32
        %lt3A_600 = arith.constant 20 : i32
        %lt3A_601 = arith.cmpi slt, %add3A_599, %lt3A_600 : i32
        %convert_element_type3A_602 = arith.extui %lt3A_601 : i1 to i32
        %cond3A_603 = arith.constant 0 : i32
        %cond3A_604 = arith.cmpi ne, %convert_element_type3A_602, %cond3A_603 : i32
        scf.if %cond3A_604 {
          %dma_wait3A_605 = arith.constant 0 : i32
          %dma_wait3A_606 = arith.constant 0 : i32
          %dma_wait3A_607 = tpu.memref_slice %arg9[%rem3A_112, %dma_wait3A_605, %dma_wait3A_606] : memref<2x8x128xi32, #tpu.memory_space<vmem>> -> memref<1x8x128xi32, #tpu.memory_space<vmem>>
          %dma_wait3A_608 = tpu.memref_squeeze %dma_wait3A_607 : memref<1x8x128xi32, #tpu.memory_space<vmem>> -> memref<8x128xi32, #tpu.memory_space<vmem>>
          %dma_wait3A_609 = arith.constant 0 : i32
          %dma_wait3A_610 = tpu.memref_slice %arg3[%mul3A_2, %dma_wait3A_609] : memref<2560x128xi32, #tpu.memory_space<hbm>> -> memref<8x128xi32, #tpu.memory_space<hbm>>
          %dma_wait3A_611 = arith.constant 0 : i32
          %dma_wait3A_612 = arith.constant 0 : i32
          %dma_wait3A_613 = tpu.memref_slice %arg9[%rem3A_112, %dma_wait3A_611, %dma_wait3A_612] : memref<2x8x128xi32, #tpu.memory_space<vmem>> -> memref<1x8x128xi32, #tpu.memory_space<vmem>>
          %dma_wait3A_614 = tpu.memref_squeeze %dma_wait3A_613 : memref<1x8x128xi32, #tpu.memory_space<vmem>> -> memref<8x128xi32, #tpu.memory_space<vmem>>
          %dma_wait3A_615 = arith.constant 0 : i32
          %dma_wait3A_616 = tpu.memref_slice %arg3[%mul3A_2, %dma_wait3A_615] : memref<2560x128xi32, #tpu.memory_space<hbm>> -> memref<8x128xi32, #tpu.memory_space<hbm>>
          tpu.wait_dma2 semaphore(%arg19 : memref<!tpu.dma_semaphore, #tpu.memory_space<semaphore_mem>>) src(%dma_wait3A_616 : memref<8x128xi32, #tpu.memory_space<hbm>>) dst(%dma_wait3A_614 : memref<8x128xi32, #tpu.memory_space<vmem>>)
          %dma_wait3A_617 = arith.constant 0 : i32
          %dma_wait3A_618 = arith.constant 0 : i32
          %dma_wait3A_619 = tpu.memref_slice %arg10[%rem3A_112, %dma_wait3A_617, %dma_wait3A_618] : memref<2x8x128xi32, #tpu.memory_space<vmem>> -> memref<1x8x128xi32, #tpu.memory_space<vmem>>
          %dma_wait3A_620 = tpu.memref_squeeze %dma_wait3A_619 : memref<1x8x128xi32, #tpu.memory_space<vmem>> -> memref<8x128xi32, #tpu.memory_space<vmem>>
          %dma_wait3A_621 = arith.constant 0 : i32
          %dma_wait3A_622 = tpu.memref_slice %arg4[%mul3A_2, %dma_wait3A_621] : memref<2560x128xi32, #tpu.memory_space<hbm>> -> memref<8x128xi32, #tpu.memory_space<hbm>>
          %dma_wait3A_623 = arith.constant 0 : i32
          %dma_wait3A_624 = arith.constant 0 : i32
          %dma_wait3A_625 = tpu.memref_slice %arg10[%rem3A_112, %dma_wait3A_623, %dma_wait3A_624] : memref<2x8x128xi32, #tpu.memory_space<vmem>> -> memref<1x8x128xi32, #tpu.memory_space<vmem>>
          %dma_wait3A_626 = tpu.memref_squeeze %dma_wait3A_625 : memref<1x8x128xi32, #tpu.memory_space<vmem>> -> memref<8x128xi32, #tpu.memory_space<vmem>>
          %dma_wait3A_627 = arith.constant 0 : i32
          %dma_wait3A_628 = tpu.memref_slice %arg4[%mul3A_2, %dma_wait3A_627] : memref<2560x128xi32, #tpu.memory_space<hbm>> -> memref<8x128xi32, #tpu.memory_space<hbm>>
          tpu.wait_dma2 semaphore(%arg19 : memref<!tpu.dma_semaphore, #tpu.memory_space<semaphore_mem>>) src(%dma_wait3A_628 : memref<8x128xi32, #tpu.memory_space<hbm>>) dst(%dma_wait3A_626 : memref<8x128xi32, #tpu.memory_space<vmem>>)
        } else {
        }
      }
      %scan3A_84 = arith.constant 20 : i32
      %barrier3A_85 = arith.constant 0 : index
      tpu.barrier barrier_id(%barrier3A_85)
      %scan3A_86 = arith.constant 0 : i32
      %scan3A_87 = arith.constant 10 : i32
      %scan3A_88 = arith.addi %scan3A_86, %scan3A_87 : i32
      %scan3A_89 = arith.constant 1 : i32
      scf.for %scan3A_103 = %scan3A_86 to %scan3A_88 step %scan3A_89  : i32 {
        %mul3A_104 = arith.constant 1 : i32
        %mul3A_105 = arith.muli %scan3A_103, %mul3A_104 : i32
        %add3A_106 = arith.constant 0 : i32
        %add3A_107 = arith.addi %add3A_106, %mul3A_105 : i32
        %mul3A_108 = arith.constant 64 : i32
        %mul3A_109 = arith.muli %add3A_107, %mul3A_108 : i32
        %add3A_110 = arith.addi %mul3A_0, %mul3A_109 : i32
        %gt3A = arith.constant 0 : i32
        %gt3A_111 = arith.cmpi sgt, %add3A_107, %gt3A : i32
        %convert_element_type3A_112 = arith.extui %gt3A_111 : i1 to i32
        %cond3A_113 = arith.constant 0 : i32
        %cond3A_114 = arith.cmpi ne, %convert_element_type3A_112, %cond3A_113 : i32
        scf.if %cond3A_114 {
          %sub3A = arith.constant 1 : i32
          %sub3A_145 = arith.subi %add3A_107, %sub3A : i32
          %mul3A_146 = arith.constant 64 : i32
          %mul3A_147 = arith.muli %sub3A_145, %mul3A_146 : i32
          %add3A_148 = arith.addi %mul3A_0, %mul3A_147 : i32
          %dma_wait3A_149 = arith.constant 0 : i32
          %dma_wait3A_150 = tpu.memref_slice %arg7[%add3A_148, %dma_wait3A_149] : memref<10240x64xf32, #tpu.memory_space<hbm>> -> memref<64x64xf32, #tpu.memory_space<hbm>>
          %dma_wait3A_151 = arith.constant 0 : i32
          %dma_wait3A_152 = tpu.memref_slice %arg7[%add3A_148, %dma_wait3A_151] : memref<10240x64xf32, #tpu.memory_space<hbm>> -> memref<64x64xf32, #tpu.memory_space<hbm>>
          tpu.wait_dma2 semaphore(%arg24 : memref<!tpu.dma_semaphore, #tpu.memory_space<semaphore_mem>>) src(%arg14 : memref<64x64xf32, #tpu.memory_space<vmem>>) dst(%dma_wait3A_152 : memref<64x64xf32, #tpu.memory_space<hbm>>)
          %dma_wait3A_153 = arith.constant 0 : i32
          %dma_wait3A_154 = tpu.memref_slice %arg8[%add3A_148, %dma_wait3A_153] : memref<10240x64xf32, #tpu.memory_space<hbm>> -> memref<64x64xf32, #tpu.memory_space<hbm>>
          %dma_wait3A_155 = arith.constant 0 : i32
          %dma_wait3A_156 = tpu.memref_slice %arg8[%add3A_148, %dma_wait3A_155] : memref<10240x64xf32, #tpu.memory_space<hbm>> -> memref<64x64xf32, #tpu.memory_space<hbm>>
          tpu.wait_dma2 semaphore(%arg25 : memref<!tpu.dma_semaphore, #tpu.memory_space<semaphore_mem>>) src(%arg13 : memref<64x64xf32, #tpu.memory_space<vmem>>) dst(%dma_wait3A_156 : memref<64x64xf32, #tpu.memory_space<hbm>>)
          %dma_wait3A_157 = arith.constant 0 : i32
          %dma_wait3A_158 = tpu.memref_slice %arg27[%add3A_148, %dma_wait3A_157] : memref<10240x64xf32, #tpu.memory_space<vmem_shared>> -> memref<64x64xf32, #tpu.memory_space<vmem_shared>>
          tpu.wait_dma2 semaphore(%arg26 : memref<!tpu.dma_semaphore, #tpu.memory_space<semaphore_mem>>) src(%arg29 : memref<64x64xf32, #tpu.memory_space<vmem_shared>>) dst(%dma_wait3A_158 : memref<64x64xf32, #tpu.memory_space<vmem_shared>>)
        } else {
        }
        %dma_start3A = arith.constant 0 : i32
        %dma_start3A_115 = tpu.memref_slice %arg27[%add3A_110, %dma_start3A] : memref<10240x64xf32, #tpu.memory_space<vmem_shared>> -> memref<64x64xf32, #tpu.memory_space<vmem_shared>>
        %dma_start3A_116 = arith.constant 0 : i32
        %dma_start3A_117 = tpu.memref_slice %arg27[%add3A_110, %dma_start3A_116] : memref<10240x64xf32, #tpu.memory_space<vmem_shared>> -> memref<64x64xf32, #tpu.memory_space<vmem_shared>>
        tpu.enqueue_dma source(%dma_start3A_117 : memref<64x64xf32, #tpu.memory_space<vmem_shared>>) target(%arg12 : memref<64x64xf32, #tpu.memory_space<vmem>>) target_semaphore(%arg22 : memref<!tpu.dma_semaphore, #tpu.memory_space<semaphore_mem>>)
        %dma_start3A_118 = arith.constant 0 : i32
        %dma_start3A_119 = tpu.memref_slice %arg7[%add3A_110, %dma_start3A_118] : memref<10240x64xf32, #tpu.memory_space<hbm>> -> memref<64x64xf32, #tpu.memory_space<hbm>>
        %dma_start3A_120 = arith.constant 0 : i32
        %dma_start3A_121 = tpu.memref_slice %arg7[%add3A_110, %dma_start3A_120] : memref<10240x64xf32, #tpu.memory_space<hbm>> -> memref<64x64xf32, #tpu.memory_space<hbm>>
        tpu.enqueue_dma source(%dma_start3A_121 : memref<64x64xf32, #tpu.memory_space<hbm>>) target(%arg14 : memref<64x64xf32, #tpu.memory_space<vmem>>) target_semaphore(%arg23 : memref<!tpu.dma_semaphore, #tpu.memory_space<semaphore_mem>>)
        %dma_wait3A_122 = arith.constant 0 : i32
        %dma_wait3A_123 = tpu.memref_slice %arg27[%add3A_110, %dma_wait3A_122] : memref<10240x64xf32, #tpu.memory_space<vmem_shared>> -> memref<64x64xf32, #tpu.memory_space<vmem_shared>>
        %dma_wait3A_124 = arith.constant 0 : i32
        %dma_wait3A_125 = tpu.memref_slice %arg27[%add3A_110, %dma_wait3A_124] : memref<10240x64xf32, #tpu.memory_space<vmem_shared>> -> memref<64x64xf32, #tpu.memory_space<vmem_shared>>
        tpu.wait_dma2 semaphore(%arg22 : memref<!tpu.dma_semaphore, #tpu.memory_space<semaphore_mem>>) src(%dma_wait3A_125 : memref<64x64xf32, #tpu.memory_space<vmem_shared>>) dst(%arg12 : memref<64x64xf32, #tpu.memory_space<vmem>>)
        %dma_start3A_126 = arith.constant 0 : i32
        %dma_start3A_127 = tpu.memref_slice %arg27[%add3A_110, %dma_start3A_126] : memref<10240x64xf32, #tpu.memory_space<vmem_shared>> -> memref<64x64xf32, #tpu.memory_space<vmem_shared>>
        tpu.enqueue_dma source(%arg29 : memref<64x64xf32, #tpu.memory_space<vmem_shared>>) target(%dma_start3A_127 : memref<64x64xf32, #tpu.memory_space<vmem_shared>>) target_semaphore(%arg26 : memref<!tpu.dma_semaphore, #tpu.memory_space<semaphore_mem>>)
        %dma_wait3A_128 = arith.constant 0 : i32
        %dma_wait3A_129 = tpu.memref_slice %arg7[%add3A_110, %dma_wait3A_128] : memref<10240x64xf32, #tpu.memory_space<hbm>> -> memref<64x64xf32, #tpu.memory_space<hbm>>
        %dma_wait3A_130 = arith.constant 0 : i32
        %dma_wait3A_131 = tpu.memref_slice %arg7[%add3A_110, %dma_wait3A_130] : memref<10240x64xf32, #tpu.memory_space<hbm>> -> memref<64x64xf32, #tpu.memory_space<hbm>>
        tpu.wait_dma2 semaphore(%arg23 : memref<!tpu.dma_semaphore, #tpu.memory_space<semaphore_mem>>) src(%dma_wait3A_131 : memref<64x64xf32, #tpu.memory_space<hbm>>) dst(%arg14 : memref<64x64xf32, #tpu.memory_space<vmem>>)
        %scan3A_132 = arith.constant 0 : i32
        %scan3A_133 = arith.constant 64 : i32
        %scan3A_134 = arith.addi %scan3A_132, %scan3A_133 : i32
        %scan3A_135 = arith.constant 1 : i32
        scf.for %scan3A_145 = %scan3A_132 to %scan3A_134 step %scan3A_135  : i32 {
          %mul3A_146 = arith.constant 1 : i32
          %mul3A_147 = arith.muli %scan3A_145, %mul3A_146 : i32
          %add3A_148 = arith.constant 0 : i32
          %add3A_149 = arith.addi %add3A_148, %mul3A_147 : i32
          %mul3A_150 = arith.constant 64 : i32
          %mul3A_151 = arith.muli %add3A_107, %mul3A_150 : i32
          %add3A_152 = arith.addi %mul3A_151, %add3A_149 : i32
          %get3A_153 = arith.index_cast %add3A_152 : i32 to index
          %get3A_154 = arith.constant 0 : index
          %get3A_155 = tpu.vector_load %arg16[%get3A_153, %get3A_154] {strides = array<i32>} : memref<640x16xf32, #tpu.memory_space<vmem>>, vector<16xf32>,
          %get3A_156 = arith.index_cast %add3A_149 : i32 to index
          %get3A_157 = arith.constant 0 : index
          %get3A_158 = tpu.vector_load %arg12[%get3A_156, %get3A_157] {strides = array<i32>} : memref<64x64xf32, #tpu.memory_space<vmem>>, vector<16xf32>,
          %get3A_159 = arith.index_cast %add3A_149 : i32 to index
          %get3A_160 = arith.constant 0 : index
          %get3A_161 = tpu.vector_load %arg14[%get3A_159, %get3A_160] {strides = array<i32>} : memref<64x64xf32, #tpu.memory_space<vmem>>, vector<16xf32>,
          %add3A_162 = arith.addf %get3A_161, %get3A_158 : vector<16xf32>
          %swap3A = arith.index_cast %add3A_149 : i32 to index
          %swap3A_163 = arith.constant 0 : index
          %swap3A_164 = tpu.vector_load %arg14[%swap3A, %swap3A_163] {strides = array<i32>} : memref<64x64xf32, #tpu.memory_space<vmem>>, vector<16xf32>,
          tpu.vector_store %arg14[%swap3A, %swap3A_163], %add3A_162 {strides = array<i32>} : memref<64x64xf32, #tpu.memory_space<vmem>>, vector<16xf32>,
          %mul3A_165 = arith.mulf %get3A_155, %get3A_158 : vector<16xf32>
          %swap3A_166 = arith.index_cast %add3A_149 : i32 to index
          %swap3A_167 = arith.constant 0 : index
          %swap3A_168 = tpu.vector_load %arg13[%swap3A_166, %swap3A_167] {strides = array<i32>} : memref<64x64xf32, #tpu.memory_space<vmem>>, vector<16xf32>,
          tpu.vector_store %arg13[%swap3A_166, %swap3A_167], %mul3A_165 {strides = array<i32>} : memref<64x64xf32, #tpu.memory_space<vmem>>, vector<16xf32>,
          %get3A_169 = arith.index_cast %add3A_149 : i32 to index
          %get3A_170 = arith.constant 16 : index
          %get3A_171 = tpu.vector_load %arg12[%get3A_169, %get3A_170] {strides = array<i32>} : memref<64x64xf32, #tpu.memory_space<vmem>>, vector<16xf32>,
          %get3A_172 = arith.index_cast %add3A_149 : i32 to index
          %get3A_173 = arith.constant 16 : index
          %get3A_174 = tpu.vector_load %arg14[%get3A_172, %get3A_173] {strides = array<i32>} : memref<64x64xf32, #tpu.memory_space<vmem>>, vector<16xf32>,
          %add3A_175 = arith.addf %get3A_174, %get3A_171 : vector<16xf32>
          %swap3A_176 = arith.index_cast %add3A_149 : i32 to index
          %swap3A_177 = arith.constant 16 : index
          %swap3A_178 = tpu.vector_load %arg14[%swap3A_176, %swap3A_177] {strides = array<i32>} : memref<64x64xf32, #tpu.memory_space<vmem>>, vector<16xf32>,
          tpu.vector_store %arg14[%swap3A_176, %swap3A_177], %add3A_175 {strides = array<i32>} : memref<64x64xf32, #tpu.memory_space<vmem>>, vector<16xf32>,
          %mul3A_179 = arith.mulf %get3A_155, %get3A_171 : vector<16xf32>
          %swap3A_180 = arith.index_cast %add3A_149 : i32 to index
          %swap3A_181 = arith.constant 16 : index
          %swap3A_182 = tpu.vector_load %arg13[%swap3A_180, %swap3A_181] {strides = array<i32>} : memref<64x64xf32, #tpu.memory_space<vmem>>, vector<16xf32>,
          tpu.vector_store %arg13[%swap3A_180, %swap3A_181], %mul3A_179 {strides = array<i32>} : memref<64x64xf32, #tpu.memory_space<vmem>>, vector<16xf32>,
          %get3A_183 = arith.index_cast %add3A_149 : i32 to index
          %get3A_184 = arith.constant 32 : index
          %get3A_185 = tpu.vector_load %arg12[%get3A_183, %get3A_184] {strides = array<i32>} : memref<64x64xf32, #tpu.memory_space<vmem>>, vector<16xf32>,
          %get3A_186 = arith.index_cast %add3A_149 : i32 to index
          %get3A_187 = arith.constant 32 : index
          %get3A_188 = tpu.vector_load %arg14[%get3A_186, %get3A_187] {strides = array<i32>} : memref<64x64xf32, #tpu.memory_space<vmem>>, vector<16xf32>,
          %add3A_189 = arith.addf %get3A_188, %get3A_185 : vector<16xf32>
          %swap3A_190 = arith.index_cast %add3A_149 : i32 to index
          %swap3A_191 = arith.constant 32 : index
          %swap3A_192 = tpu.vector_load %arg14[%swap3A_190, %swap3A_191] {strides = array<i32>} : memref<64x64xf32, #tpu.memory_space<vmem>>, vector<16xf32>,
          tpu.vector_store %arg14[%swap3A_190, %swap3A_191], %add3A_189 {strides = array<i32>} : memref<64x64xf32, #tpu.memory_space<vmem>>, vector<16xf32>,
          %mul3A_193 = arith.mulf %get3A_155, %get3A_185 : vector<16xf32>
          %swap3A_194 = arith.index_cast %add3A_149 : i32 to index
          %swap3A_195 = arith.constant 32 : index
          %swap3A_196 = tpu.vector_load %arg13[%swap3A_194, %swap3A_195] {strides = array<i32>} : memref<64x64xf32, #tpu.memory_space<vmem>>, vector<16xf32>,
          tpu.vector_store %arg13[%swap3A_194, %swap3A_195], %mul3A_193 {strides = array<i32>} : memref<64x64xf32, #tpu.memory_space<vmem>>, vector<16xf32>,
          %get3A_197 = arith.index_cast %add3A_149 : i32 to index
          %get3A_198 = arith.constant 48 : index
          %get3A_199 = tpu.vector_load %arg12[%get3A_197, %get3A_198] {strides = array<i32>} : memref<64x64xf32, #tpu.memory_space<vmem>>, vector<16xf32>,
          %get3A_200 = arith.index_cast %add3A_149 : i32 to index
          %get3A_201 = arith.constant 48 : index
          %get3A_202 = tpu.vector_load %arg14[%get3A_200, %get3A_201] {strides = array<i32>} : memref<64x64xf32, #tpu.memory_space<vmem>>, vector<16xf32>,
          %add3A_203 = arith.addf %get3A_202, %get3A_199 : vector<16xf32>
          %swap3A_204 = arith.index_cast %add3A_149 : i32 to index
          %swap3A_205 = arith.constant 48 : index
          %swap3A_206 = tpu.vector_load %arg14[%swap3A_204, %swap3A_205] {strides = array<i32>} : memref<64x64xf32, #tpu.memory_space<vmem>>, vector<16xf32>,
          tpu.vector_store %arg14[%swap3A_204, %swap3A_205], %add3A_203 {strides = array<i32>} : memref<64x64xf32, #tpu.memory_space<vmem>>, vector<16xf32>,
          %mul3A_207 = arith.mulf %get3A_155, %get3A_199 : vector<16xf32>
          %swap3A_208 = arith.index_cast %add3A_149 : i32 to index
          %swap3A_209 = arith.constant 48 : index
          %swap3A_210 = tpu.vector_load %arg13[%swap3A_208, %swap3A_209] {strides = array<i32>} : memref<64x64xf32, #tpu.memory_space<vmem>>, vector<16xf32>,
          tpu.vector_store %arg13[%swap3A_208, %swap3A_209], %mul3A_207 {strides = array<i32>} : memref<64x64xf32, #tpu.memory_space<vmem>>, vector<16xf32>,
        }
        %scan3A_136 = arith.constant 64 : i32
        %dma_start3A_137 = arith.constant 0 : i32
        %dma_start3A_138 = tpu.memref_slice %arg7[%add3A_110, %dma_start3A_137] : memref<10240x64xf32, #tpu.memory_space<hbm>> -> memref<64x64xf32, #tpu.memory_space<hbm>>
        %dma_start3A_139 = arith.constant 0 : i32
        %dma_start3A_140 = tpu.memref_slice %arg7[%add3A_110, %dma_start3A_139] : memref<10240x64xf32, #tpu.memory_space<hbm>> -> memref<64x64xf32, #tpu.memory_space<hbm>>
        tpu.enqueue_dma source(%arg14 : memref<64x64xf32, #tpu.memory_space<vmem>>) target(%dma_start3A_140 : memref<64x64xf32, #tpu.memory_space<hbm>>) target_semaphore(%arg24 : memref<!tpu.dma_semaphore, #tpu.memory_space<semaphore_mem>>)
        %dma_start3A_141 = arith.constant 0 : i32
        %dma_start3A_142 = tpu.memref_slice %arg8[%add3A_110, %dma_start3A_141] : memref<10240x64xf32, #tpu.memory_space<hbm>> -> memref<64x64xf32, #tpu.memory_space<hbm>>
        %dma_start3A_143 = arith.constant 0 : i32
        %dma_start3A_144 = tpu.memref_slice %arg8[%add3A_110, %dma_start3A_143] : memref<10240x64xf32, #tpu.memory_space<hbm>> -> memref<64x64xf32, #tpu.memory_space<hbm>>
        tpu.enqueue_dma source(%arg13 : memref<64x64xf32, #tpu.memory_space<vmem>>) target(%dma_start3A_144 : memref<64x64xf32, #tpu.memory_space<hbm>>) target_semaphore(%arg25 : memref<!tpu.dma_semaphore, #tpu.memory_space<semaphore_mem>>)
      }
      %scan3A_90 = arith.constant 10 : i32
      %add3A_91 = arith.constant 576 : i32
      %add3A_92 = arith.addi %mul3A_0, %add3A_91 : i32
      %dma_wait3A = arith.constant 0 : i32
      %dma_wait3A_93 = tpu.memref_slice %arg7[%add3A_92, %dma_wait3A] : memref<10240x64xf32, #tpu.memory_space<hbm>> -> memref<64x64xf32, #tpu.memory_space<hbm>>
      %dma_wait3A_94 = arith.constant 0 : i32
      %dma_wait3A_95 = tpu.memref_slice %arg7[%add3A_92, %dma_wait3A_94] : memref<10240x64xf32, #tpu.memory_space<hbm>> -> memref<64x64xf32, #tpu.memory_space<hbm>>
      tpu.wait_dma2 semaphore(%arg24 : memref<!tpu.dma_semaphore, #tpu.memory_space<semaphore_mem>>) src(%arg14 : memref<64x64xf32, #tpu.memory_space<vmem>>) dst(%dma_wait3A_95 : memref<64x64xf32, #tpu.memory_space<hbm>>)
      %dma_wait3A_96 = arith.constant 0 : i32
      %dma_wait3A_97 = tpu.memref_slice %arg8[%add3A_92, %dma_wait3A_96] : memref<10240x64xf32, #tpu.memory_space<hbm>> -> memref<64x64xf32, #tpu.memory_space<hbm>>
      %dma_wait3A_98 = arith.constant 0 : i32
      %dma_wait3A_99 = tpu.memref_slice %arg8[%add3A_92, %dma_wait3A_98] : memref<10240x64xf32, #tpu.memory_space<hbm>> -> memref<64x64xf32, #tpu.memory_space<hbm>>
      tpu.wait_dma2 semaphore(%arg25 : memref<!tpu.dma_semaphore, #tpu.memory_space<semaphore_mem>>) src(%arg13 : memref<64x64xf32, #tpu.memory_space<vmem>>) dst(%dma_wait3A_99 : memref<64x64xf32, #tpu.memory_space<hbm>>)
      %dma_wait3A_100 = arith.constant 0 : i32
      %dma_wait3A_101 = tpu.memref_slice %arg27[%add3A_92, %dma_wait3A_100] : memref<10240x64xf32, #tpu.memory_space<vmem_shared>> -> memref<64x64xf32, #tpu.memory_space<vmem_shared>>
      tpu.wait_dma2 semaphore(%arg26 : memref<!tpu.dma_semaphore, #tpu.memory_space<semaphore_mem>>) src(%arg29 : memref<64x64xf32, #tpu.memory_space<vmem_shared>>) dst(%dma_wait3A_101 : memref<64x64xf32, #tpu.memory_space<vmem_shared>>)
      %barrier3A_102 = arith.constant 0 : index
      tpu.barrier barrier_id(%barrier3A_102)
    }
    %scan3A_61 = arith.constant 10 : i32
    %get3A_62 = arith.constant 0 : i32
    %get3A_63 = arith.index_cast %get3A_62 : i32 to index
    %get3A_64 = arith.constant 0 : index
    %get3A_65 = tpu.vector_load %arg18[%get3A_63, %get3A_64] {strides = array<i32>} : memref<16x16xf32, #tpu.memory_space<vmem>>, vector<16xf32>,
    %get3A_66 = arith.constant 3 : i32
    %get3A_67 = arith.index_cast %get3A_66 : i32 to index
    %get3A_68 = arith.constant 0 : index
    %get3A_69 = tpu.vector_load %arg18[%get3A_67, %get3A_68] {strides = array<i32>} : memref<16x16xf32, #tpu.memory_space<vmem>>, vector<16xf32>,
    %scan3A_70 = arith.constant 0 : i32
    %scan3A_71 = arith.constant 10 : i32
    %scan3A_72 = arith.addi %scan3A_70, %scan3A_71 : i32
    %scan3A_73 = arith.constant 1 : i32
    scf.for %scan3A_75 = %scan3A_70 to %scan3A_72 step %scan3A_73  : i32 {
      %mul3A_76 = arith.constant 1 : i32
      %mul3A_77 = arith.muli %scan3A_75, %mul3A_76 : i32
      %add3A = arith.constant 0 : i32
      %add3A_78 = arith.addi %add3A, %mul3A_77 : i32
      %mul3A_79 = arith.constant 64 : i32
      %mul3A_80 = arith.muli %add3A_78, %mul3A_79 : i32
      %add3A_81 = arith.addi %mul3A_0, %mul3A_80 : i32
      "tpu.region"() ({
        %run_scoped3A = tpu.sem_alloc : memref<!tpu.dma_semaphore, #tpu.memory_space<semaphore_mem>>
        %dma_start3A = arith.constant 0 : i32
        %dma_start3A_87 = tpu.memref_slice %arg2[%add3A_81, %dma_start3A] : memref<10240x64xf32, #tpu.memory_space<hbm>> -> memref<64x64xf32, #tpu.memory_space<hbm>>
        %dma_start3A_88 = arith.constant 0 : i32
        %dma_start3A_89 = tpu.memref_slice %arg2[%add3A_81, %dma_start3A_88] : memref<10240x64xf32, #tpu.memory_space<hbm>> -> memref<64x64xf32, #tpu.memory_space<hbm>>
        tpu.enqueue_dma source(%dma_start3A_89 : memref<64x64xf32, #tpu.memory_space<hbm>>) target(%arg12 : memref<64x64xf32, #tpu.memory_space<vmem>>) target_semaphore(%run_scoped3A : memref<!tpu.dma_semaphore, #tpu.memory_space<semaphore_mem>>)
        %dma_wait3A = arith.constant 0 : i32
        %dma_wait3A_90 = tpu.memref_slice %arg2[%add3A_81, %dma_wait3A] : memref<10240x64xf32, #tpu.memory_space<hbm>> -> memref<64x64xf32, #tpu.memory_space<hbm>>
        %dma_wait3A_91 = arith.constant 0 : i32
        %dma_wait3A_92 = tpu.memref_slice %arg2[%add3A_81, %dma_wait3A_91] : memref<10240x64xf32, #tpu.memory_space<hbm>> -> memref<64x64xf32, #tpu.memory_space<hbm>>
        tpu.wait_dma2 semaphore(%run_scoped3A : memref<!tpu.dma_semaphore, #tpu.memory_space<semaphore_mem>>) src(%dma_wait3A_92 : memref<64x64xf32, #tpu.memory_space<hbm>>) dst(%arg12 : memref<64x64xf32, #tpu.memory_space<vmem>>)
        tpu.yield
      }) : () -> ()
      "tpu.region"() ({
        %run_scoped3A = tpu.sem_alloc : memref<!tpu.dma_semaphore, #tpu.memory_space<semaphore_mem>>
        %dma_start3A = arith.constant 0 : i32
        %dma_start3A_87 = tpu.memref_slice %arg7[%add3A_81, %dma_start3A] : memref<10240x64xf32, #tpu.memory_space<hbm>> -> memref<64x64xf32, #tpu.memory_space<hbm>>
        %dma_start3A_88 = arith.constant 0 : i32
        %dma_start3A_89 = tpu.memref_slice %arg7[%add3A_81, %dma_start3A_88] : memref<10240x64xf32, #tpu.memory_space<hbm>> -> memref<64x64xf32, #tpu.memory_space<hbm>>
        tpu.enqueue_dma source(%dma_start3A_89 : memref<64x64xf32, #tpu.memory_space<hbm>>) target(%arg14 : memref<64x64xf32, #tpu.memory_space<vmem>>) target_semaphore(%run_scoped3A : memref<!tpu.dma_semaphore, #tpu.memory_space<semaphore_mem>>)
        %dma_wait3A = arith.constant 0 : i32
        %dma_wait3A_90 = tpu.memref_slice %arg7[%add3A_81, %dma_wait3A] : memref<10240x64xf32, #tpu.memory_space<hbm>> -> memref<64x64xf32, #tpu.memory_space<hbm>>
        %dma_wait3A_91 = arith.constant 0 : i32
        %dma_wait3A_92 = tpu.memref_slice %arg7[%add3A_81, %dma_wait3A_91] : memref<10240x64xf32, #tpu.memory_space<hbm>> -> memref<64x64xf32, #tpu.memory_space<hbm>>
        tpu.wait_dma2 semaphore(%run_scoped3A : memref<!tpu.dma_semaphore, #tpu.memory_space<semaphore_mem>>) src(%dma_wait3A_92 : memref<64x64xf32, #tpu.memory_space<hbm>>) dst(%arg14 : memref<64x64xf32, #tpu.memory_space<vmem>>)
        tpu.yield
      }) : () -> ()
      %scan3A_82 = arith.constant 0 : i32
      %scan3A_83 = arith.constant 64 : i32
      %scan3A_84 = arith.addi %scan3A_82, %scan3A_83 : i32
      %scan3A_85 = arith.constant 1 : i32
      scf.for %scan3A_87 = %scan3A_82 to %scan3A_84 step %scan3A_85  : i32 {
        %mul3A_88 = arith.constant 1 : i32
        %mul3A_89 = arith.muli %scan3A_87, %mul3A_88 : i32
        %add3A_90 = arith.constant 0 : i32
        %add3A_91 = arith.addi %add3A_90, %mul3A_89 : i32
        %mul3A_92 = arith.constant 64 : i32
        %mul3A_93 = arith.muli %add3A_78, %mul3A_92 : i32
        %add3A_94 = arith.addi %mul3A_93, %add3A_91 : i32
        %get3A_95 = arith.index_cast %add3A_94 : i32 to index
        %get3A_96 = arith.constant 0 : index
        %get3A_97 = tpu.vector_load %arg16[%get3A_95, %get3A_96] {strides = array<i32>} : memref<640x16xf32, #tpu.memory_space<vmem>>, vector<16xf32>,
        %gt3A = arith.constant 0.000000e+00 : f32
        %gt3A_98 = vector.broadcast %gt3A : f32 to vector<16xf32>
        %gt3A_99 = arith.cmpf ogt, %get3A_97, %gt3A_98 : vector<16xf32>
        %bitcast_convert_type3A = tpu.bitcast %get3A_97 : vector<16xf32> -> vector<16xi32>
        %shift_right_arithmetic3A = arith.constant 1 : i32
        %shift_right_arithmetic3A_100 = vector.broadcast %shift_right_arithmetic3A : i32 to vector<16xi32>
        %shift_right_arithmetic3A_101 = arith.shrsi %bitcast_convert_type3A, %shift_right_arithmetic3A_100 : vector<16xi32>
        %sub3A = arith.constant 1597463007 : i32
        %sub3A_102 = vector.broadcast %sub3A : i32 to vector<16xi32>
        %sub3A_103 = arith.subi %sub3A_102, %shift_right_arithmetic3A_101 : vector<16xi32>
        %bitcast_convert_type3A_104 = tpu.bitcast %sub3A_103 : vector<16xi32> -> vector<16xf32>
        %mul3A_105 = arith.constant 5.000000e-01 : f32
        %mul3A_106 = vector.broadcast %mul3A_105 : f32 to vector<16xf32>
        %mul3A_107 = arith.mulf %mul3A_106, %get3A_97 : vector<16xf32>
        %mul3A_108 = arith.mulf %mul3A_107, %bitcast_convert_type3A_104 : vector<16xf32>
        %mul3A_109 = arith.mulf %mul3A_108, %bitcast_convert_type3A_104 : vector<16xf32>
        %sub3A_110 = arith.constant 1.500000e+00 : f32
        %sub3A_111 = vector.broadcast %sub3A_110 : f32 to vector<16xf32>
        %sub3A_112 = arith.subf %sub3A_111, %mul3A_109 : vector<16xf32>
        %mul3A_113 = arith.mulf %bitcast_convert_type3A_104, %sub3A_112 : vector<16xf32>
        %mul3A_114 = arith.constant 5.000000e-01 : f32
        %mul3A_115 = vector.broadcast %mul3A_114 : f32 to vector<16xf32>
        %mul3A_116 = arith.mulf %mul3A_115, %get3A_97 : vector<16xf32>
        %mul3A_117 = arith.mulf %mul3A_116, %mul3A_113 : vector<16xf32>
        %mul3A_118 = arith.mulf %mul3A_117, %mul3A_113 : vector<16xf32>
        %sub3A_119 = arith.constant 1.500000e+00 : f32
        %sub3A_120 = vector.broadcast %sub3A_119 : f32 to vector<16xf32>
        %sub3A_121 = arith.subf %sub3A_120, %mul3A_118 : vector<16xf32>
        %mul3A_122 = arith.mulf %mul3A_113, %sub3A_121 : vector<16xf32>
        %mul3A_123 = arith.constant 5.000000e-01 : f32
        %mul3A_124 = vector.broadcast %mul3A_123 : f32 to vector<16xf32>
        %mul3A_125 = arith.mulf %mul3A_124, %get3A_97 : vector<16xf32>
        %mul3A_126 = arith.mulf %mul3A_125, %mul3A_122 : vector<16xf32>
        %mul3A_127 = arith.mulf %mul3A_126, %mul3A_122 : vector<16xf32>
        %sub3A_128 = arith.constant 1.500000e+00 : f32
        %sub3A_129 = vector.broadcast %sub3A_128 : f32 to vector<16xf32>
        %sub3A_130 = arith.subf %sub3A_129, %mul3A_127 : vector<16xf32>
        %mul3A_131 = arith.mulf %mul3A_122, %sub3A_130 : vector<16xf32>
        %mul3A_132 = arith.mulf %get3A_97, %mul3A_131 : vector<16xf32>
        %mul3A_133 = arith.mulf %mul3A_132, %get3A_69 : vector<16xf32>
        %jit3A = arith.constant 0.000000e+00 : f32
        %broadcast_in_dim3A = vector.broadcast %jit3A : f32 to vector<16xf32>
        %select_n3A = arith.select %gt3A_99, %mul3A_133, %broadcast_in_dim3A : vector<16xi1>, vector<16xf32>
        %get3A_134 = arith.index_cast %add3A_91 : i32 to index
        %get3A_135 = arith.constant 0 : index
        %get3A_136 = tpu.vector_load %arg12[%get3A_134, %get3A_135] {strides = array<i32>} : memref<64x64xf32, #tpu.memory_space<vmem>>, vector<16xf32>,
        %mul3A_137 = arith.mulf %get3A_65, %get3A_136 : vector<16xf32>
        %get3A_138 = arith.index_cast %add3A_91 : i32 to index
        %get3A_139 = arith.constant 0 : index
        %get3A_140 = tpu.vector_load %arg14[%get3A_138, %get3A_139] {strides = array<i32>} : memref<64x64xf32, #tpu.memory_space<vmem>>, vector<16xf32>,
        %mul3A_141 = arith.mulf %select_n3A, %get3A_140 : vector<16xf32>
        %add3A_142 = arith.addf %mul3A_137, %mul3A_141 : vector<16xf32>
        %swap3A = arith.index_cast %add3A_91 : i32 to index
        %swap3A_143 = arith.constant 0 : index
        %swap3A_144 = tpu.vector_load %arg13[%swap3A, %swap3A_143] {strides = array<i32>} : memref<64x64xf32, #tpu.memory_space<vmem>>, vector<16xf32>,
        tpu.vector_store %arg13[%swap3A, %swap3A_143], %add3A_142 {strides = array<i32>} : memref<64x64xf32, #tpu.memory_space<vmem>>, vector<16xf32>,
        %get3A_145 = arith.index_cast %add3A_91 : i32 to index
        %get3A_146 = arith.constant 16 : index
        %get3A_147 = tpu.vector_load %arg12[%get3A_145, %get3A_146] {strides = array<i32>} : memref<64x64xf32, #tpu.memory_space<vmem>>, vector<16xf32>,
        %mul3A_148 = arith.mulf %get3A_65, %get3A_147 : vector<16xf32>
        %get3A_149 = arith.index_cast %add3A_91 : i32 to index
        %get3A_150 = arith.constant 16 : index
        %get3A_151 = tpu.vector_load %arg14[%get3A_149, %get3A_150] {strides = array<i32>} : memref<64x64xf32, #tpu.memory_space<vmem>>, vector<16xf32>,
        %mul3A_152 = arith.mulf %select_n3A, %get3A_151 : vector<16xf32>
        %add3A_153 = arith.addf %mul3A_148, %mul3A_152 : vector<16xf32>
        %swap3A_154 = arith.index_cast %add3A_91 : i32 to index
        %swap3A_155 = arith.constant 16 : index
        %swap3A_156 = tpu.vector_load %arg13[%swap3A_154, %swap3A_155] {strides = array<i32>} : memref<64x64xf32, #tpu.memory_space<vmem>>, vector<16xf32>,
        tpu.vector_store %arg13[%swap3A_154, %swap3A_155], %add3A_153 {strides = array<i32>} : memref<64x64xf32, #tpu.memory_space<vmem>>, vector<16xf32>,
        %get3A_157 = arith.index_cast %add3A_91 : i32 to index
        %get3A_158 = arith.constant 32 : index
        %get3A_159 = tpu.vector_load %arg12[%get3A_157, %get3A_158] {strides = array<i32>} : memref<64x64xf32, #tpu.memory_space<vmem>>, vector<16xf32>,
        %mul3A_160 = arith.mulf %get3A_65, %get3A_159 : vector<16xf32>
        %get3A_161 = arith.index_cast %add3A_91 : i32 to index
        %get3A_162 = arith.constant 32 : index
        %get3A_163 = tpu.vector_load %arg14[%get3A_161, %get3A_162] {strides = array<i32>} : memref<64x64xf32, #tpu.memory_space<vmem>>, vector<16xf32>,
        %mul3A_164 = arith.mulf %select_n3A, %get3A_163 : vector<16xf32>
        %add3A_165 = arith.addf %mul3A_160, %mul3A_164 : vector<16xf32>
        %swap3A_166 = arith.index_cast %add3A_91 : i32 to index
        %swap3A_167 = arith.constant 32 : index
        %swap3A_168 = tpu.vector_load %arg13[%swap3A_166, %swap3A_167] {strides = array<i32>} : memref<64x64xf32, #tpu.memory_space<vmem>>, vector<16xf32>,
        tpu.vector_store %arg13[%swap3A_166, %swap3A_167], %add3A_165 {strides = array<i32>} : memref<64x64xf32, #tpu.memory_space<vmem>>, vector<16xf32>,
        %get3A_169 = arith.index_cast %add3A_91 : i32 to index
        %get3A_170 = arith.constant 48 : index
        %get3A_171 = tpu.vector_load %arg12[%get3A_169, %get3A_170] {strides = array<i32>} : memref<64x64xf32, #tpu.memory_space<vmem>>, vector<16xf32>,
        %mul3A_172 = arith.mulf %get3A_65, %get3A_171 : vector<16xf32>
        %get3A_173 = arith.index_cast %add3A_91 : i32 to index
        %get3A_174 = arith.constant 48 : index
        %get3A_175 = tpu.vector_load %arg14[%get3A_173, %get3A_174] {strides = array<i32>} : memref<64x64xf32, #tpu.memory_space<vmem>>, vector<16xf32>,
        %mul3A_176 = arith.mulf %select_n3A, %get3A_175 : vector<16xf32>
        %add3A_177 = arith.addf %mul3A_172, %mul3A_176 : vector<16xf32>
        %swap3A_178 = arith.index_cast %add3A_91 : i32 to index
        %swap3A_179 = arith.constant 48 : index
        %swap3A_180 = tpu.vector_load %arg13[%swap3A_178, %swap3A_179] {strides = array<i32>} : memref<64x64xf32, #tpu.memory_space<vmem>>, vector<16xf32>,
        tpu.vector_store %arg13[%swap3A_178, %swap3A_179], %add3A_177 {strides = array<i32>} : memref<64x64xf32, #tpu.memory_space<vmem>>, vector<16xf32>,
      }
      %scan3A_86 = arith.constant 64 : i32
      "tpu.region"() ({
        %run_scoped3A = tpu.sem_alloc : memref<!tpu.dma_semaphore, #tpu.memory_space<semaphore_mem>>
        %dma_start3A = arith.constant 0 : i32
        %dma_start3A_87 = tpu.memref_slice %arg6[%add3A_81, %dma_start3A] : memref<10240x64xf32, #tpu.memory_space<hbm>> -> memref<64x64xf32, #tpu.memory_space<hbm>>
        %dma_start3A_88 = arith.constant 0 : i32
        %dma_start3A_89 = tpu.memref_slice %arg6[%add3A_81, %dma_start3A_88] : memref<10240x64xf32, #tpu.memory_space<hbm>> -> memref<64x64xf32, #tpu.memory_space<hbm>>
        tpu.enqueue_dma source(%arg13 : memref<64x64xf32, #tpu.memory_space<vmem>>) target(%dma_start3A_89 : memref<64x64xf32, #tpu.memory_space<hbm>>) target_semaphore(%run_scoped3A : memref<!tpu.dma_semaphore, #tpu.memory_space<semaphore_mem>>)
        %dma_wait3A = arith.constant 0 : i32
        %dma_wait3A_90 = tpu.memref_slice %arg6[%add3A_81, %dma_wait3A] : memref<10240x64xf32, #tpu.memory_space<hbm>> -> memref<64x64xf32, #tpu.memory_space<hbm>>
        %dma_wait3A_91 = arith.constant 0 : i32
        %dma_wait3A_92 = tpu.memref_slice %arg6[%add3A_81, %dma_wait3A_91] : memref<10240x64xf32, #tpu.memory_space<hbm>> -> memref<64x64xf32, #tpu.memory_space<hbm>>
        tpu.wait_dma2 semaphore(%run_scoped3A : memref<!tpu.dma_semaphore, #tpu.memory_space<semaphore_mem>>) src(%arg13 : memref<64x64xf32, #tpu.memory_space<vmem>>) dst(%dma_wait3A_92 : memref<64x64xf32, #tpu.memory_space<hbm>>)
        tpu.yield
      }) : () -> ()
    }
    %scan3A_74 = arith.constant 10 : i32
    return
  }
}

module attributes {stable_mosaic.version = 14 : i64} {
  func.func @_mlp_body(%arg0: i32, %arg1: memref<256x128xf32, #tpu.memory_space<vmem>>, %arg2: memref<128x128xf32, #tpu.memory_space<vmem>>, %arg3: memref<1x128xf32, #tpu.memory_space<vmem>>, %arg4: memref<128x64xf32, #tpu.memory_space<vmem>>, %arg5: memref<1x64xf32, #tpu.memory_space<vmem>>, %arg6: memref<256x64xf32, #tpu.memory_space<vmem>>) attributes {dimension_semantics = [#tpu.dimension_semantics<arbitrary>], iteration_bounds = array<i64: 40>, scalar_prefetch = 0 : i64, scratch_operands = 0 : i64, tpu.core_type = #tpu.core_type<tc>, window_params = [{transform_indices = @transform_0, window_bounds = array<i64: 256, 128>}, {pipeline_mode = #tpu.pipeline_mode<synchronous>, transform_indices = @transform_1, window_bounds = array<i64: 128, 128>}, {pipeline_mode = #tpu.pipeline_mode<synchronous>, transform_indices = @transform_2, window_bounds = array<i64: 1, 128>}, {pipeline_mode = #tpu.pipeline_mode<synchronous>, transform_indices = @transform_3, window_bounds = array<i64: 128, 64>}, {pipeline_mode = #tpu.pipeline_mode<synchronous>, transform_indices = @transform_4, window_bounds = array<i64: 1, 64>}, {transform_indices = @transform_5, window_bounds = array<i64: 256, 64>}]} {
    %get3A = arith.constant 0 : index
    %get3A_0 = arith.constant 0 : index
    %get3A_1 = vector.load %arg1[%get3A, %get3A_0] : memref<256x128xf32, #tpu.memory_space<vmem>>, vector<256x128xf32>
    %get3A_2 = arith.constant 0 : index
    %get3A_3 = arith.constant 0 : index
    %get3A_4 = vector.load %arg2[%get3A_2, %get3A_3] : memref<128x128xf32, #tpu.memory_space<vmem>>, vector<128x128xf32>
    %dot_general3A = arith.constant dense<0.000000e+00> : vector<256x128xf32>
    %dot_general3A_5 = tpu.matmul %get3A_1, %get3A_4, %dot_general3A {dimension_numbers = #tpu.dot_dimension_numbers<[1], [0], [0], [1], [0, 0, 1, 1], [], []>, transpose_lhs_hint = false} : vector<256x128xf32>, vector<128x128xf32>, vector<256x128xf32> -> vector<256x128xf32>
    %get3A_6 = arith.constant 0 : index
    %get3A_7 = arith.constant 0 : index
    %get3A_8 = vector.load %arg3[%get3A_6, %get3A_7] : memref<1x128xf32, #tpu.memory_space<vmem>>, vector<1x128xf32>
    %add3A = vector.broadcast %get3A_8 : vector<1x128xf32> to vector<256x128xf32>
    %add3A_9 = arith.addf %dot_general3A_5, %add3A : vector<256x128xf32>
    %max3A = arith.constant 0.000000e+00 : f32
    %max3A_10 = vector.broadcast %max3A : f32 to vector<256x128xf32>
    %max3A_11 = arith.maximumf %add3A_9, %max3A_10 : vector<256x128xf32>
    %get3A_12 = arith.constant 0 : index
    %get3A_13 = arith.constant 0 : index
    %get3A_14 = vector.load %arg4[%get3A_12, %get3A_13] : memref<128x64xf32, #tpu.memory_space<vmem>>, vector<128x64xf32>
    %dot_general3A_15 = arith.constant dense<0.000000e+00> : vector<256x64xf32>
    %dot_general3A_16 = tpu.matmul %max3A_11, %get3A_14, %dot_general3A_15 {dimension_numbers = #tpu.dot_dimension_numbers<[1], [0], [0], [1], [0, 0, 1, 1], [], []>, transpose_lhs_hint = false} : vector<256x128xf32>, vector<128x64xf32>, vector<256x64xf32> -> vector<256x64xf32>
    %get3A_17 = arith.constant 0 : index
    %get3A_18 = arith.constant 0 : index
    %get3A_19 = vector.load %arg5[%get3A_17, %get3A_18] : memref<1x64xf32, #tpu.memory_space<vmem>>, vector<1x64xf32>
    %add3A_20 = vector.broadcast %get3A_19 : vector<1x64xf32> to vector<256x64xf32>
    %add3A_21 = arith.addf %dot_general3A_16, %add3A_20 : vector<256x64xf32>
    %swap3A = arith.constant 0 : index
    %swap3A_22 = arith.constant 0 : index
    %swap3A_23 = vector.load %arg6[%swap3A, %swap3A_22] : memref<256x64xf32, #tpu.memory_space<vmem>>, vector<256x64xf32>
    tpu.vector_store %arg6[%swap3A, %swap3A_22], %add3A_21 {strides = array<i32>} : memref<256x64xf32, #tpu.memory_space<vmem>>, vector<256x64xf32>,
    return
  }
  func.func @transform_0(%arg0: i32) -> (i32, i32) {
    %c0_i32 = arith.constant 0 : i32
    %c0_i32_0 = arith.constant 0 : i32
    return %arg0, %c0_i32 : i32, i32
  }
  func.func @transform_1(%arg0: i32) -> (i32, i32) {
    %c0_i32 = arith.constant 0 : i32
    %c0_i32_0 = arith.constant 0 : i32
    %c0_i32_1 = arith.constant 0 : i32
    return %c0_i32, %c0_i32_0 : i32, i32
  }
  func.func @transform_2(%arg0: i32) -> (i32, i32) {
    %c0_i32 = arith.constant 0 : i32
    %c0_i32_0 = arith.constant 0 : i32
    %c0_i32_1 = arith.constant 0 : i32
    return %c0_i32, %c0_i32_0 : i32, i32
  }
  func.func @transform_3(%arg0: i32) -> (i32, i32) {
    %c0_i32 = arith.constant 0 : i32
    %c0_i32_0 = arith.constant 0 : i32
    %c0_i32_1 = arith.constant 0 : i32
    return %c0_i32, %c0_i32_0 : i32, i32
  }
  func.func @transform_4(%arg0: i32) -> (i32, i32) {
    %c0_i32 = arith.constant 0 : i32
    %c0_i32_0 = arith.constant 0 : i32
    %c0_i32_1 = arith.constant 0 : i32
    return %c0_i32, %c0_i32_0 : i32, i32
  }
  func.func @transform_5(%arg0: i32) -> (i32, i32) {
    %c0_i32 = arith.constant 0 : i32
    %c0_i32_0 = arith.constant 0 : i32
    return %arg0, %c0_i32 : i32, i32
  }
}

</mosaic_0001>

<sc_bundles>
// kernel: kernel.4.cloned.1.call-start
scs
__scs_entry_jumppad:
0x0: {  	(pc) =	sbr.rel $0x88, $3  }
0x1: {  	(tag) =	ssettag $0x0;
	lr =	simm.s32 $0x1  }
0x2: {  	[smem:$0x3F9A] =	sst lr;
	_ =	strace $0xD0000000  }
0x3: {  	_ = 	snop  }
0x4: {  	_ = 	snop  }
0x5: {  	_ = 	snop  }
0x6: {  	_ = 	snop  }
0x7: {  	_ = 	snop  }
__scs_overlays_trampoline_lowered:
0x8: {  	[smem:$0x3FA9] =	sst s0  }
0x9: {  	[smem:$0x3FAA] =	sst s1  }
0xa: {  	[smem:$0x3FAB] =	sst s2  }
0xb: {  	[smem:$0x3FAC] =	sst s3  }
0xc: {  	[smem:$0x3FAD] =	sst s4  }
0xd: {  	[smem:$0x3FAE] =	sst s5  }
0xe: {  	[smem:$0x3FAF] =	sst s6  }
0xf: {  	[smem:$0x3FB0] =	sst s7  }
0x10: {  	[smem:$0x3FB1] =	sst s8  }
0x11: {  	[smem:$0x3FB2] =	sst s9;
	s0 =	simm.s32 @!p0 $0x0  }
0x12: {  	s1 =	sld [smem:$0x3F98];
	s0 =	simm.s32 @p0 $0x1  }
0x13: {  	[smem:$0x3FB3] =	sst s0;
	s0 =	simm.s32 @!p1 $0x0  }
0x14: {  	s2 =	sld [smem:$0x3F97];
	s0 =	simm.s32 @p1 $0x1  }
0x15: {  	[smem:$0x3FB4] =	sst s0;
	s0 =	simm.s32 @!p2 $0x0  }
0x16: {  	s3 =	sld [smem:$0x3FDB];
	s0 =	simm.s32 @p2 $0x1  }
0x17: {  	s4 =	simm.s32 $0x1BF5;
	[smem:$0x3FB6] =	sst s0  }
0x18: {  	s0 =	sld [smem:$0x3F99];
	_ =	swait.ge [sflag:s4], $0x0  }
0x19: {  	s7 =	sld [smem:$0x3F9A]  }
0x1a: {  	s8 =	sadd.s32 $0xFFFFE003, lr  }
0x1b: {  	s9 =	sadd.s32 $0xFFFFFEF7, lr;
	s5 =	simm.s32 $0xFFFFFFFF;
	p2 =	slt.u32 s8, $0xFFFFF086  }
0x1c: {  	p1 =	slt.u32 s9, $0xF7A;
	s5 =	simm.s32 @!p2 $0x0  }
0x1d: {  	s5 =	simm.s32 @p1 $0x1;
	p0 =	seq.s32 s7, s2  }
0x1e: {  	s7 =	smul.u32 @!p0 $0xF7A, s2;
	p2 =	seq.s32 @!p0 s5, $0x0  }
0x1f: {  	s9 =	smul.u32 $0xF7A, s1;
	s8 =	simm.s32 @!p0 $0x1BF5;
	p2 =	por !p2, p0  }
0x20: {  	[sflag:s8] =	ssyncset.s32 @!p0 $0xFFFFF086;
	s6 =	sadd.s32 @!p0 s3, s7;
	s7 =	simm.s32 @!p0 $0x108  }
0x21: {  	s3 =	sadd.s32 s3, s9;
	s6 =	sadd.s32 @!p0 $0x88, s6;
	s7 =	simm.s32 @p2 $0x1082  }
0x22: {  	[simem:s7], [sflag:s8] =	dma.local @!p0 [hbm:s6], $0xF7A  }
0x23: {  	s9 =	sor.u32 $0xD0000000, s2;
	s6 =	simm.s32 $0x108;
	_ =	swait.ge @!p0 [sflag:s8], $0x0  }
0x24: {  	s3 =	sadd.s32 $0x88, s3;
	s6 =	simm.s32 @!p1 $0x1082;
	[sflag:s4] =	ssyncset.s32 $0xFFFFF086  }
0x25: {  	[simem:s6], [sflag:s4] =	dma.local [hbm:s3], $0xF7A  }
0x26: {  	[smem:$0x3F9A] =	sst s1;
	(tag) =	ssettag s2;
	_ =	strace s9  }
0x27: {  	s1 =	sld [smem:$0x3FAA]  }
0x28: {  	s2 =	sld [smem:$0x3FAB]  }
0x29: {  	s4 =	sld [smem:$0x3FAD]  }
0x2a: {  	p0 =	seq.s32 s5, $0x0;
	s5 =	sld [smem:$0x3FAE]  }
0x2b: {  	s6 =	sld [smem:$0x3FAF]  }
0x2c: {  	s7 =	sld [smem:$0x3FB0]  }
0x2d: {  	s3 =	simm.s32 $0x108;
	s8 =	sld [smem:$0x3FB1]  }
0x2e: {  	s3 =	simm.s32 @!p0 $0x1082;
	s9 =	sld [smem:$0x3FB2]  }
0x2f: {  	lr =	sadd.s32 s0, s3;
	s0 =	sld [smem:$0x3FA9]  }
0x30: {  	s3 =	sld [smem:$0x3FAC]  }
0x31: {  	[smem:$0x3FB5] =	sst s10  }
0x32: {  	s10 =	sld [smem:$0x3FB3];
	_ =	sdelay $0x3  }
0x33: {  	p0 =	seq.s32 s10, $0x1;
	s10 =	sld [smem:$0x3FB5];
	_ =	sdelay $0x3  }
0x34: {  	[smem:$0x3FB5] =	sst s10  }
0x35: {  	s10 =	sld [smem:$0x3FB4];
	_ =	sdelay $0x3  }
0x36: {  	p1 =	seq.s32 s10, $0x1;
	s10 =	sld [smem:$0x3FB5];
	_ =	sdelay $0x3  }
0x37: {  	[smem:$0x3FB5] =	sst s10  }
0x38: {  	s10 =	sld [smem:$0x3FB6]  }
0x39: {  	_ = 	snop;
	(pc) =	sbr.ind lr, $3  }
0x3a: {  	_ = 	snop  }
0x3b: {  	_ = 	snop  }
0x3c: {  	p2 =	seq.s32 s10, $0x1;
	s10 =	sld [smem:$0x3FB5]  }
0x3d: {  	_ =	shalt  }
0x3e: {  	_ =	shalt  }
0x3f: {  	_ =	shalt  }
0x40: {  	_ =	shalt  }
0x41: {  	_ =	shalt  }
0x42: {  	_ =	shalt  }
0x43: {  	_ =	shalt  }
0x44: {  	_ =	shalt  }
0x45: {  	_ =	shalt  }
0x46: {  	_ =	shalt  }
0x47: {  	_ =	shalt  }
0x48: {  	_ =	shalt  }
0x49: {  	_ =	shalt  }
0x4a: {  	_ =	shalt  }
0x4b: {  	_ =	shalt  }
0x4c: {  	_ =	shalt  }
0x4d: {  	_ =	shalt  }
0x4e: {  	_ =	shalt  }
0x4f: {  	_ =	shalt  }
0x50: {  	_ =	shalt  }
0x51: {  	_ =	shalt  }
0x52: {  	_ =	shalt  }
0x53: {  	_ =	shalt  }
0x54: {  	_ =	shalt  }
0x55: {  	_ =	shalt  }
0x56: {  	_ =	shalt  }
0x57: {  	_ =	shalt  }
0x58: {  	_ =	shalt  }
0x59: {  	_ =	shalt  }
0x5a: {  	_ =	shalt  }
0x5b: {  	_ =	shalt  }
0x5c: {  	_ =	shalt  }
0x5d: {  	_ =	shalt  }
0x5e: {  	_ =	shalt  }
0x5f: {  	_ =	shalt  }
0x60: {  	_ =	shalt  }
0x61: {  	_ =	shalt  }
0x62: {  	_ =	shalt  }
0x63: {  	_ =	shalt  }
0x64: {  	_ =	shalt  }
0x65: {  	_ =	shalt  }
0x66: {  	_ =	shalt  }
0x67: {  	_ =	shalt  }
0x68: {  	_ =	shalt  }
0x69: {  	_ =	shalt  }
0x6a: {  	_ =	shalt  }
0x6b: {  	_ =	shalt  }
0x6c: {  	_ =	shalt  }
0x6d: {  	_ =	shalt  }
0x6e: {  	_ =	shalt  }
0x6f: {  	_ =	shalt  }
0x70: {  	_ =	shalt  }
0x71: {  	_ =	shalt  }
0x72: {  	_ =	shalt  }
0x73: {  	_ =	shalt  }
0x74: {  	_ =	shalt  }
0x75: {  	_ =	shalt  }
0x76: {  	_ =	shalt  }
0x77: {  	_ =	shalt  }
0x78: {  	_ =	shalt  }
0x79: {  	_ =	shalt  }
0x7a: {  	_ =	shalt  }
0x7b: {  	_ =	shalt  }
0x7c: {  	_ =	shalt  }
0x7d: {  	_ =	shalt  }
0x7e: {  	_ =	shalt  }
0x7f: {  	_ =	shalt  }
0x80: {  	_ =	shalt  }
0x81: {  	_ =	shalt  }
0x82: {  	_ =	shalt  }
0x83: {  	_ =	shalt  }
0x84: {  	_ =	shalt  }
0x85: {  	_ =	shalt  }
0x86: {  	_ =	shalt  }
0x87: {  	_ =	shalt  }
.Lfunc_end0:
.L_simem_size_0:
called_computation_lowered:
.L_overlay_start_0:
0x88: {  	s0 =	sld [smem:$0x3FD9]  }
0x89: {  	s1 =	sld [smem:$0x3FFE];
	_ =	sdelay $0x3  }
0x8a: {  	s0 =	sadd.s32 s1, s0  }
0x8b: {  	[smem:$0x3FC1] =	sst s0  }
0x8c: {  	_ = 	snop  }
0x8d: {  	s0 =	sld [smem:$0x3FD0];
	(tm) =	ssettm $0x1  }
0x8e: {  	s16 =	sld [smem:$0x3FFB];
	_ =	sdelay $0x3  }
0x8f: {  	_ =	strace s16  }
0x90: {  	s1 =	sld [smem:$0x3FFC];
	_ =	sdelay $0x3  }
0x91: {  	_ =	strace s1  }
0x92: {  	s1 =	sld [smem:$0x3FFD];
	_ =	sdelay $0x3  }
0x93: {  	_ =	strace s1  }
0x94: {  	_ =	strace $0x8FFFFFFF  }
0x95: {  	s17 =	sld [smem:$0x3FDB];
	_ =	sdelay $0x1  }
0x96: {  	s2 =	simm.s32 $_scs_section_size  }
0x97: {  	s3 =	simm.s32 $_size__tile_overlayer_lowered;
	s4 =	simm.s32 $_tile_overlayer_lowered  }
0x98: {  	s20 =	simm.s32 $0x1BFF;
	s19 =	sshll.u32 s4, $0x1;
	s1 =	sadd.s32 s2, s17  }
0x99: {  	s5 =	simm.s32 $0x0;
	s18 =	sshll.u32 s3, $0x1;
	s3 =	sadd.s32 s19, s1  }
0x9a: {  	[timem:s5], [sflag:s20] =	dma.local [hbm:s3], s18  }
0x9b: {  	_ =	swait.ge [sflag:s20], s18  }
0x9c: {  	s2 =	ssub.s32 $0x0, s18;
	[sflag:s20] =	ssyncset.done $0x0  }
0x9d: {  	[sflag:s20] =	ssyncadd.s32 s2;
	_ =	sdelay $0x1  }
0x9e: {  	s21 =	simm.s32 $0x1B8B  }
0x9f: {  	_ =	swait.ge [sflag:s21], $0x1  }
0xa0: {  	[sflag:s21] =	ssyncset.done $0x0  }
0xa1: {  	s23 =	simm.s32 $0x1B8E;
	s22 =	sld [smem:$0x3FFE];
	[sflag:s21] =	ssyncadd.s32 $0xFFFFFFFF  }
0xa2: {  	s24 =	simm.s32 $execute0_lowered;
	[smem:$0x3FD2] =	sst s23  }
0xa3: {  	s3 =	sshll.u32 s24, $0x1;
	_ =	strace $0x80000046;
	[dreg:$0x1] =	wrdreg $0xFFFFFFFF  }
0xa4: {  	s25 =	simm.s32 $_size_execute0_lowered;
	s1 =	sadd.s32 s1, s3;
	[dreg:$0x0] =	wrdreg $0x0  }
0xa5: {  	s3 =	sshll.u32 s25, $0x1;
	[dreg:$0x2] =	wrdreg s1  }
0xa6: {  	[dreg:$0x3] =	wrdreg s3  }
0xa7: {  	[dreg:$0x4] =	wrdreg $0xC0  }
0xa8: {  	_ =	task [dreg:s5], $0x5FFFF  }
0xa9: {  	[dreg:$0x1] =	wrdreg $0xFFFFFFFF  }
0xaa: {  	[dreg:$0x0] =	wrdreg $0x60  }
0xab: {  	[dreg:$0x2] =	wrdreg s22  }
0xac: {  	[dreg:$0x3] =	wrdreg s0  }
0xad: {  	[dreg:$0x4] =	wrdreg $0x195000  }
0xae: {  	[dreg:$0x5] =	wrdreg $0x1BD000  }
0xaf: {  	[dreg:$0x6] =	wrdreg $0xF5000  }
0xb0: {  	[dreg:$0x7] =	wrdreg $0x9  }
0xb1: {  	_ =	task.clear_ibuf [dreg:s5], $0x8FFFF;
	_ =	strace $0x90000046  }
0xb2: {  	s26 =	simm.s32 $0x9;
	_ =	strace $0x80000048  }
0xb3: {  	_ =	swait.ge [sflag:s26], $0x1  }
0xb4: {  	[sflag:s26] =	ssyncadd.s32 $0xFFFFFFFF  }
0xb5: {  	_ =	strace $0x90000048  }
0xb6: {  	_ =	sfence  }
0xb7: {  	s28 =	sld [smem:$0x0];
	_ =	sdelay $0x1  }
0xb8: {  	s29 =	srdreg.scid  }
0xb9: {  	s30 =	sshll.u32 s29, $0xD;
	s31 =	sshrl.u32 s29, $0x2  }
0xba: {  	s2 =	sand.u32 $0x4000, s30;
	s1 =	sand.u32 $0x1, s29;
	s0 =	sadd.s32 s31, s28  }
0xbb: {  	s1 =	sor.u32 s2, s1;
	s0 =	sshll.u32 s0, $0x11  }
0xbc: {  	s0 =	sor.u32 s0, s1  }
0xbd: {  	s0 =	sadd.s32 $0x8F2B, s0  }
0xbe: {  	[sflag:s0] =	ssyncadd.remote.s32 $0x1  }
0xbf: {  	_ =	sfence.sel $0xFFFF  }
0xc0: {  	[dreg:$0x0] =	wrdreg $0xFFFFFFFF;
	(pc) =	sbr.abs _section_cstart, $3  }
0xc1: {  	[dreg:$0x1] =	wrdreg $0xFFFFFFFF  }
0xc2: {  	_ =	task.clear_ibuf [dreg:s5], $0x2FFFF;
	_ =	strace $0x9FFFFFFF  }
0xc3: {  	(tm) =	ssettm $0x7FFFFFFF  }
tec
execute0_lowered:
.L_overlay_start_1:
0x0: {  	(tag) =	ssettag $0x1  }
0x1: {  	s0 =	rddreg [dreg:$0x0]  }
0x2: {  	s11 =	rddreg [dreg:$0x1]  }
0x3: {  	s12 =	rddreg [dreg:$0x2]  }
0x4: {  	s6 =	rddreg [dreg:$0x3]  }
0x5: {  	s4 =	rddreg [dreg:$0x4];
	s1 =	simm.s32 $0x0;
	s3 =	simm.s32 $0xF400  }
0x6: {  	s30 =	simm.s32 $0xF;
	[smem:$0x7FF] =	sst s1;
	s2 =	sadd.s32 $0xE00, s0  }
0x7: {  	s21 =	sadd.s32 $0x1200, s0;
	s9 =	sadd.s32 $0x15200, s0;
	_ =	strace $0x80000047  }
0x8: {  	[tilespmem:s3], [sflag:$0xF] =	stream.linear.gather [hbm4b:s2+s1], $0x100, $0x38;
	[tilespmem:$0x1BE00] =	vst v63  }
0x9: {  	s7 =	sadd.s32 $0x47200, s0;
	s31 =	sadd.s32 $0x1F200, s0;
	_ =	swait.ge [sflag:s30], $0x100  }
0xa: {  	s5 =	sadd.s32 $0x33200, s0;
	s0 =	stileid.u32;
	[sflag:s30] =	ssyncset.done $0x0  }
0xb: {  	v0 =	vimm.f32 $1.000000000e+00;
	s2 =	simm.s32 $0x0;
	[dreg:$0x8] =	wrdreg s31;
	[sflag:s30] =	ssyncadd.s32 $0xFFFFFF00  }
.LBB2_1:
0xc: {  	p0 =	sne.s32 s2, $0x1FC0  }
.Ltmp0:
0xd: {  	_ = 	snop;
	(pc) =	sbr.rel @p0 .LBB2_1-.Ltmp0, $3  }
0xe: {  	_ =	sdelay $0x1  }
0xf: {  	s3 =	sshra.s32 s2, $0x2  }
0x10: {  	s2 =	sadd.s32 $0x40, s2;
	[tilespmem:s3+$0xEC00] =	vst v0  }
0x11: {  	v0 =	vimm.f32 $0.0e+00  }
.LBB2_3:
0x12: {  	p0 =	sne.s32 s1, $0x3F00  }
.Ltmp1:
0x13: {  	s2 =	sshra.s32 s1, $0x2;
	(pc) =	sbr.rel @p0 .LBB2_3-.Ltmp1, $4  }
0x14: {  	[tilespmem:s2+$0xA000] =	vst v0  }
0x15: {  	[tilespmem:s2+$0xA010] =	vst v0  }
0x16: {  	[tilespmem:s2+$0xA020] =	vst v0  }
0x17: {  	s1 =	sadd.s32 $0x100, s1;
	[tilespmem:s2+$0xA030] =	vst v0  }
0x18: {  	[dreg:$0x7] =	wrdreg s7;
	v0 =	vimm.f32 $0.0e+00;
	s1 =	simm.s32 $0x40;
	s2 =	simm.s32 $0x0  }
.LBB2_5:
0x19: {  	p0 =	sne.s32 s1, $0xFC0;
	[tilespmem:s2+$0xC000] =	vst v0;
	s2 =	smov.u32 s1;
	s1 =	sadd.s32 $0x40, s1  }
.Ltmp2:
0x1a: {  	(pc) =	sbr.rel @p0 .LBB2_5-.Ltmp2, $2  }
0x1b: {  	_ =	sdelay $0x2  }
0x1c: {  	s2 =	sshra.s32 s2, $0x2  }
0x1d: {  	s1 =	smul.u32 $0xA000, s0;
	_ =	sdelay $0x1  }
0x1e: {  	s3 =	sshrl.u32 s1, $0x2  }
0x1f: {  	[tilespmem:s2+$0xC000] =	vst v0;
	s14 =	simm.s32 $0xC000;
	s15 =	simm.s32 $0xF;
	s13 =	sadd.s32 s3, s12  }
0x20: {  	[spmem:s13] =	stream.linear.scatter [tilespmem:s14], [sflag:$0xF], $0x400, $0x38;
	[tilespmem:$0x1BE00] =	vst v63  }
0x21: {  	_ =	swait.ge [sflag:s15], $0x400  }
0x22: {  	[sflag:s15] =	ssyncset.done $0x0  }
0x23: {  	s7 =	sadd.s32 $0x400, s13;
	[sflag:s15] =	ssyncadd.s32 $0xFFFFFC00  }
0x24: {  	[spmem:s7] =	stream.linear.scatter [tilespmem:s14], [sflag:$0xF], $0x400, $0x38;
	[tilespmem:$0x1BE00] =	vst v63  }
0x25: {  	_ =	swait.ge [sflag:s15], $0x400  }
0x26: {  	[sflag:s15] =	ssyncset.done $0x0  }
0x27: {  	s16 =	sadd.s32 $0x800, s13;
	[sflag:s15] =	ssyncadd.s32 $0xFFFFFC00  }
0x28: {  	[spmem:s16] =	stream.linear.scatter [tilespmem:s14], [sflag:$0xF], $0x400, $0x38;
	[tilespmem:$0x1BE00] =	vst v63  }
0x29: {  	_ =	swait.ge [sflag:s15], $0x400  }
0x2a: {  	[sflag:s15] =	ssyncset.done $0x0  }
0x2b: {  	s17 =	sadd.s32 $0xC00, s13;
	[sflag:s15] =	ssyncadd.s32 $0xFFFFFC00  }
0x2c: {  	[spmem:s17] =	stream.linear.scatter [tilespmem:s14], [sflag:$0xF], $0x400, $0x38;
	[tilespmem:$0x1BE00] =	vst v63  }
0x2d: {  	_ =	swait.ge [sflag:s15], $0x400  }
0x2e: {  	[sflag:s15] =	ssyncset.done $0x0  }
0x2f: {  	s18 =	sadd.s32 $0x1000, s13;
	[sflag:s15] =	ssyncadd.s32 $0xFFFFFC00  }
0x30: {  	[spmem:s18] =	stream.linear.scatter [tilespmem:s14], [sflag:$0xF], $0x400, $0x38;
	[tilespmem:$0x1BE00] =	vst v63  }
0x31: {  	_ =	swait.ge [sflag:s15], $0x400  }
0x32: {  	[sflag:s15] =	ssyncset.done $0x0  }
0x33: {  	s19 =	sadd.s32 $0x1400, s13;
	[sflag:s15] =	ssyncadd.s32 $0xFFFFFC00  }
0x34: {  	[spmem:s19] =	stream.linear.scatter [tilespmem:s14], [sflag:$0xF], $0x400, $0x38;
	[tilespmem:$0x1BE00] =	vst v63  }
0x35: {  	_ =	swait.ge [sflag:s15], $0x400  }
0x36: {  	[sflag:s15] =	ssyncset.done $0x0  }
0x37: {  	s20 =	sadd.s32 $0x1800, s13;
	[sflag:s15] =	ssyncadd.s32 $0xFFFFFC00  }
0x38: {  	[spmem:s20] =	stream.linear.scatter [tilespmem:s14], [sflag:$0xF], $0x400, $0x38;
	[tilespmem:$0x1BE00] =	vst v63  }
0x39: {  	_ =	swait.ge [sflag:s15], $0x400  }
0x3a: {  	[sflag:s15] =	ssyncset.done $0x0  }
0x3b: {  	s22 =	sadd.s32 $0x1C00, s13;
	[sflag:s15] =	ssyncadd.s32 $0xFFFFFC00  }
0x3c: {  	[spmem:s22] =	stream.linear.scatter [tilespmem:s14], [sflag:$0xF], $0x400, $0x38;
	[tilespmem:$0x1BE00] =	vst v63  }
0x3d: {  	_ =	swait.ge [sflag:s15], $0x400  }
0x3e: {  	[sflag:s15] =	ssyncset.done $0x0  }
0x3f: {  	s23 =	sadd.s32 $0x2000, s13;
	[sflag:s15] =	ssyncadd.s32 $0xFFFFFC00  }
0x40: {  	[spmem:s23] =	stream.linear.scatter [tilespmem:s14], [sflag:$0xF], $0x400, $0x38;
	[tilespmem:$0x1BE00] =	vst v63  }
0x41: {  	_ =	swait.ge [sflag:s15], $0x400  }
0x42: {  	[sflag:s15] =	ssyncset.done $0x0  }
0x43: {  	s2 =	sadd.s32 $0x2400, s13;
	[sflag:s15] =	ssyncadd.s32 $0xFFFFFC00  }
0x44: {  	[spmem:s2] =	stream.linear.scatter [tilespmem:s14], [sflag:$0xF], $0x400, $0x38;
	[tilespmem:$0x1BE00] =	vst v63  }
0x45: {  	_ =	swait.ge [sflag:s15], $0x400  }
0x46: {  	p0 =	sne.s32 s0, $0x0;
	[sflag:s15] =	ssyncset.done $0x0  }
0x47: {  	s2 =	simm.s32 @!p0 $0xA000;
	[sflag:s15] =	ssyncadd.s32 $0xFFFFFC00  }
0x48: {  	[spmem:s6] =	stream.linear.scatter @!p0 [tilespmem:s2], [sflag:$0xF], $0x1000, $0x38;
	[tilespmem:$0x1BE00] =	vst v63  }
0x49: {  	s2 =	simm.s32 @!p0 $0xF  }
0x4a: {  	_ =	swait.ge @!p0 [sflag:s2], $0x1000  }
0x4b: {  	[sflag:s2] =	ssyncset.done @!p0 $0x0  }
0x4c: {  	s24 =	sshll.u32 s0, $0x6;
	[sflag:s2] =	ssyncadd.s32 @!p0 $0xFFFFF000  }
0x4d: {  	s8 =	sshrl.u32 s6, $0x3;
	s25 =	sadd.s32 s1, s4;
	[bflag:$0x0] =	sbarrier.arrive $0xFFFF  }
0x4e: {  	s3 =	sshrl.u32 s25, $0x3;
	s2 =	sor.u32 $0x1C0F, s24;
	[dreg:$0xa] =	wrdreg s24  }
0x4f: {  	[spmem:s3], [sflag:s2] =	dma.local [spmem:s8], $0x200  }
0x50: {  	_ =	swait.ge [sflag:s15], $0x200  }
0x51: {  	s26 =	sshrl.u32 s1, $0x3;
	[sflag:s15] =	ssyncset.done $0x0;
	s7 =	rddreg [dreg:$0x8]  }
0x52: {  	[sflag:s15] =	ssyncadd.s32 $0xFFFFFE00;
	s3 =	sadd.s32 s7, s26  }
0x53: {  	[hbm:s3], [sflag:s2] =	dma.local [spmem:s8], $0x200  }
0x54: {  	s28 =	sor.u32 $0x1000, s1;
	_ =	swait.ge [sflag:s15], $0x200  }
0x55: {  	s29 =	sadd.s32 s28, s4;
	[sflag:s15] =	ssyncset.done $0x0  }
0x56: {  	s6 =	sshrl.u32 s29, $0x3;
	[sflag:s15] =	ssyncadd.s32 $0xFFFFFE00  }
0x57: {  	[spmem:s6], [sflag:s2] =	dma.local [spmem:s8], $0x200  }
0x58: {  	_ =	swait.ge [sflag:s15], $0x200  }
0x59: {  	s3 =	sshrl.u32 s28, $0x3;
	[sflag:s15] =	ssyncset.done $0x0  }
0x5a: {  	s3 =	sadd.s32 s7, s3;
	[sflag:s15] =	ssyncadd.s32 $0xFFFFFE00  }
0x5b: {  	[hbm:s3], [sflag:s2] =	dma.local [spmem:s8], $0x200  }
0x5c: {  	s30 =	sadd.s32 $0x2000, s1;
	_ =	swait.ge [sflag:s15], $0x200  }
0x5d: {  	s31 =	sadd.s32 s30, s4;
	[sflag:s15] =	ssyncset.done $0x0  }
0x5e: {  	s6 =	sshrl.u32 s31, $0x3;
	[sflag:s15] =	ssyncadd.s32 $0xFFFFFE00  }
0x5f: {  	[spmem:s6], [sflag:s2] =	dma.local [spmem:s8], $0x200  }
0x60: {  	_ =	swait.ge [sflag:s15], $0x200  }
0x61: {  	s3 =	sshrl.u32 s30, $0x3;
	[sflag:s15] =	ssyncset.done $0x0  }
0x62: {  	s3 =	sadd.s32 s7, s3;
	[sflag:s15] =	ssyncadd.s32 $0xFFFFFE00  }
0x63: {  	[hbm:s3], [sflag:s2] =	dma.local [spmem:s8], $0x200  }
0x64: {  	s10 =	sadd.s32 $0x3000, s1;
	_ =	swait.ge [sflag:s15], $0x200  }
0x65: {  	s13 =	sadd.s32 s10, s4;
	[sflag:s15] =	ssyncset.done $0x0  }
0x66: {  	s6 =	sshrl.u32 s13, $0x3;
	[sflag:s15] =	ssyncadd.s32 $0xFFFFFE00  }
0x67: {  	[spmem:s6], [sflag:s2] =	dma.local [spmem:s8], $0x200  }
0x68: {  	_ =	swait.ge [sflag:s15], $0x200  }
0x69: {  	s3 =	sshrl.u32 s10, $0x3;
	[sflag:s15] =	ssyncset.done $0x0  }
0x6a: {  	s3 =	sadd.s32 s7, s3;
	[sflag:s15] =	ssyncadd.s32 $0xFFFFFE00  }
0x6b: {  	[hbm:s3], [sflag:s2] =	dma.local [spmem:s8], $0x200  }
0x6c: {  	s14 =	sadd.s32 $0x4000, s1;
	_ =	swait.ge [sflag:s15], $0x200  }
0x6d: {  	s16 =	sadd.s32 s14, s4;
	[sflag:s15] =	ssyncset.done $0x0  }
0x6e: {  	s6 =	sshrl.u32 s16, $0x3;
	[sflag:s15] =	ssyncadd.s32 $0xFFFFFE00  }
0x6f: {  	[spmem:s6], [sflag:s2] =	dma.local [spmem:s8], $0x200  }
0x70: {  	_ =	swait.ge [sflag:s15], $0x200  }
0x71: {  	s3 =	sshrl.u32 s14, $0x3;
	[sflag:s15] =	ssyncset.done $0x0  }
0x72: {  	s3 =	sadd.s32 s7, s3;
	[sflag:s15] =	ssyncadd.s32 $0xFFFFFE00  }
0x73: {  	[hbm:s3], [sflag:s2] =	dma.local [spmem:s8], $0x200  }
0x74: {  	s17 =	sadd.s32 $0x5000, s1;
	_ =	swait.ge [sflag:s15], $0x200  }
0x75: {  	s18 =	sadd.s32 s17, s4;
	[sflag:s15] =	ssyncset.done $0x0  }
0x76: {  	s6 =	sshrl.u32 s18, $0x3;
	[sflag:s15] =	ssyncadd.s32 $0xFFFFFE00  }
0x77: {  	[spmem:s6], [sflag:s2] =	dma.local [spmem:s8], $0x200  }
0x78: {  	_ =	swait.ge [sflag:s15], $0x200  }
0x79: {  	s3 =	sshrl.u32 s17, $0x3;
	[sflag:s15] =	ssyncset.done $0x0  }
0x7a: {  	s3 =	sadd.s32 s7, s3;
	[sflag:s15] =	ssyncadd.s32 $0xFFFFFE00  }
0x7b: {  	[hbm:s3], [sflag:s2] =	dma.local [spmem:s8], $0x200  }
0x7c: {  	s19 =	sadd.s32 $0x6000, s1;
	_ =	swait.ge [sflag:s15], $0x200  }
0x7d: {  	s20 =	sadd.s32 s19, s4;
	[sflag:s15] =	ssyncset.done $0x0  }
0x7e: {  	s6 =	sshrl.u32 s20, $0x3;
	[sflag:s15] =	ssyncadd.s32 $0xFFFFFE00  }
0x7f: {  	[spmem:s6], [sflag:s2] =	dma.local [spmem:s8], $0x200  }
0x80: {  	_ =	swait.ge [sflag:s15], $0x200  }
0x81: {  	s3 =	sshrl.u32 s19, $0x3;
	[sflag:s15] =	ssyncset.done $0x0  }
0x82: {  	s3 =	sadd.s32 s7, s3;
	[sflag:s15] =	ssyncadd.s32 $0xFFFFFE00  }
0x83: {  	[hbm:s3], [sflag:s2] =	dma.local [spmem:s8], $0x200  }
0x84: {  	s22 =	sadd.s32 $0x7000, s1;
	_ =	swait.ge [sflag:s15], $0x200  }
0x85: {  	s23 =	sadd.s32 s22, s4;
	[sflag:s15] =	ssyncset.done $0x0  }
0x86: {  	s6 =	sshrl.u32 s23, $0x3;
	[sflag:s15] =	ssyncadd.s32 $0xFFFFFE00  }
0x87: {  	[spmem:s6], [sflag:s2] =	dma.local [spmem:s8], $0x200  }
0x88: {  	_ =	swait.ge [sflag:s15], $0x200  }
0x89: {  	s3 =	sshrl.u32 s22, $0x3;
	[sflag:s15] =	ssyncset.done $0x0  }
0x8a: {  	s3 =	sadd.s32 s7, s3;
	[sflag:s15] =	ssyncadd.s32 $0xFFFFFE00  }
0x8b: {  	[hbm:s3], [sflag:s2] =	dma.local [spmem:s8], $0x200  }
0x8c: {  	s24 =	sadd.s32 $0x8000, s1;
	_ =	swait.ge [sflag:s15], $0x200  }
0x8d: {  	s25 =	sadd.s32 s24, s4;
	[sflag:s15] =	ssyncset.done $0x0  }
0x8e: {  	s6 =	sshrl.u32 s25, $0x3;
	[sflag:s15] =	ssyncadd.s32 $0xFFFFFE00  }
0x8f: {  	[spmem:s6], [sflag:s2] =	dma.local [spmem:s8], $0x200  }
0x90: {  	_ =	swait.ge [sflag:s15], $0x200  }
0x91: {  	s3 =	sshrl.u32 s24, $0x3;
	[sflag:s15] =	ssyncset.done $0x0  }
0x92: {  	s3 =	sadd.s32 s7, s3;
	[sflag:s15] =	ssyncadd.s32 $0xFFFFFE00  }
0x93: {  	[hbm:s3], [sflag:s2] =	dma.local [spmem:s8], $0x200  }
0x94: {  	s1 =	sadd.s32 $0x9000, s1;
	_ =	swait.ge [sflag:s15], $0x200  }
0x95: {  	s26 =	sadd.s32 s1, s4;
	[sflag:s15] =	ssyncset.done $0x0  }
0x96: {  	s3 =	sshrl.u32 s26, $0x3;
	[sflag:s15] =	ssyncadd.s32 $0xFFFFFE00  }
0x97: {  	[spmem:s3], [sflag:s2] =	dma.local [spmem:s8], $0x200  }
0x98: {  	s1 =	sshrl.u32 s1, $0x3;
	_ =	swait.ge [sflag:s15], $0x200  }
0x99: {  	s1 =	sadd.s32 s7, s1;
	[sflag:s15] =	ssyncset.done $0x0  }
0x9a: {  	s13 =	smul.u32 $0xA00, s0;
	[dreg:$0xb] =	wrdreg s8;
	[sflag:s15] =	ssyncadd.s32 $0xFFFFFE00  }
0x9b: {  	[hbm:s1], [sflag:s2] =	dma.local [spmem:s8], $0x200  }
0x9c: {  	_ =	swait.ge [sflag:s15], $0x200  }
0x9d: {  	s14 =	sadd.s32 s13, s9;
	[sflag:s15] =	ssyncset.done $0x0  }
0x9e: {  	s10 =	simm.s32 $0x0;
	s28 =	sadd.s32 $0x0, s14;
	[sflag:s15] =	ssyncadd.s32 $0xFFFFFE00  }
0x9f: {  	[tilespmem:s10], [sflag:$0xF] =	stream.linear.gather [hbm4b:s28+s10], $0x400, $0x38;
	[tilespmem:$0x1BE00] =	vst v63  }
0xa0: {  	_ =	swait.ge [sflag:s15], $0x400  }
0xa1: {  	[sflag:s15] =	ssyncset.done $0x0  }
0xa2: {  	s1 =	simm.s32 $0x80;
	s2 =	simm.s32 $0xEC00;
	[sflag:s15] =	ssyncadd.s32 $0xFFFFFC00  }
0xa3: {  	[spmem:s12] =	stream.indirect.scatter.add.f32 [tilespmem:s2], [sflag:$0xF], $0x10, s10, s1, $0xb8;
	[tilespmem:$0x1BE00] =	vst v63  }
0xa4: {  	_ =	swait.ge [sflag:s15], $0x800  }
0xa5: {  	[sflag:s15] =	ssyncset.done $0x0  }
0xa6: {  	[sflag:s15] =	ssyncadd.s32 $0xFFFFF800  }
0xa7: {  	[spmem:s12] =	stream.indirect.scatter.add.f32 [tilespmem:s2], [sflag:$0xF], $0x10, s1, s1, $0xb8;
	[tilespmem:$0x1BE00] =	vst v63  }
0xa8: {  	_ =	swait.ge [sflag:s15], $0x800  }
0xa9: {  	[sflag:s15] =	ssyncset.done $0x0  }
0xaa: {  	s16 =	simm.s32 $0x100;
	[sflag:s15] =	ssyncadd.s32 $0xFFFFF800  }
0xab: {  	[spmem:s12] =	stream.indirect.scatter.add.f32 [tilespmem:s2], [sflag:$0xF], $0x10, s16, s1, $0xb8;
	[tilespmem:$0x1BE00] =	vst v63  }
0xac: {  	_ =	swait.ge [sflag:s15], $0x800  }
0xad: {  	[sflag:s15] =	ssyncset.done $0x0  }
0xae: {  	s17 =	simm.s32 $0x180;
	[sflag:s15] =	ssyncadd.s32 $0xFFFFF800  }
0xaf: {  	[spmem:s12] =	stream.indirect.scatter.add.f32 [tilespmem:s2], [sflag:$0xF], $0x10, s17, s1, $0xb8;
	[tilespmem:$0x1BE00] =	vst v63  }
0xb0: {  	_ =	swait.ge [sflag:s15], $0x800  }
0xb1: {  	[sflag:s15] =	ssyncset.done $0x0  }
0xb2: {  	s18 =	simm.s32 $0x200;
	[sflag:s15] =	ssyncadd.s32 $0xFFFFF800  }
0xb3: {  	[spmem:s12] =	stream.indirect.scatter.add.f32 [tilespmem:s2], [sflag:$0xF], $0x10, s18, s1, $0xb8;
	[tilespmem:$0x1BE00] =	vst v63  }
0xb4: {  	_ =	swait.ge [sflag:s15], $0x800  }
0xb5: {  	[sflag:s15] =	ssyncset.done $0x0  }
0xb6: {  	s19 =	simm.s32 $0x280;
	[sflag:s15] =	ssyncadd.s32 $0xFFFFF800  }
0xb7: {  	[spmem:s12] =	stream.indirect.scatter.add.f32 [tilespmem:s2], [sflag:$0xF], $0x10, s19, s1, $0xb8;
	[tilespmem:$0x1BE00] =	vst v63  }
0xb8: {  	_ =	swait.ge [sflag:s15], $0x800  }
0xb9: {  	[sflag:s15] =	ssyncset.done $0x0  }
0xba: {  	s29 =	smul.u32 $0x280, s0;
	s20 =	simm.s32 $0x300;
	[sflag:s15] =	ssyncadd.s32 $0xFFFFF800  }
0xbb: {  	[spmem:s12] =	stream.indirect.scatter.add.f32 [tilespmem:s2], [sflag:$0xF], $0x10, s20, s1, $0xb8;
	[tilespmem:$0x1BE00] =	vst v63  }
0xbc: {  	s30 =	sadd.s32 s9, s13;
	_ =	swait.ge [sflag:s15], $0x800;
	[dreg:$0x9] =	wrdreg s29  }
0xbd: {  	s31 =	sadd.s32 s11, s13;
	[dreg:$0xc] =	wrdreg s30;
	[sflag:s15] =	ssyncset.done $0x0  }
0xbe: {  	s0 =	simm.s32 $0x380;
	[dreg:$0xd] =	wrdreg s31;
	[sflag:s15] =	ssyncadd.s32 $0xFFFFF800  }
0xbf: {  	[spmem:s12] =	stream.indirect.scatter.add.f32 [tilespmem:s2], [sflag:$0xF], $0x10, s0, s1, $0xb8;
	[tilespmem:$0x1BE00] =	vst v63  }
0xc0: {  	_ =	swait.ge [sflag:s15], $0x800  }
0xc1: {  	s7 =	simm.s32 $0x100;
	s3 =	simm.s32 $0x80;
	[sflag:s15] =	ssyncset.done $0x0  }
.LBB2_7:
0xc2: {  	s8 =	sadd.s32 s3, s14  }
0xc3: {  	[sflag:s15] =	ssyncadd.s32 $0xFFFFF800;
	s3 =	smov.u32 s7;
	s9 =	sadd.s32 $0x80, s7  }
0xc4: {  	[tilespmem:s10], [sflag:$0xF] =	stream.linear.gather [hbm4b:s8+s10], $0x400, $0x38;
	[tilespmem:$0x1BE00] =	vst v63  }
0xc5: {  	p1 =	sne.s32 s7, $0x980;
	_ =	swait.ge [sflag:s15], $0x400  }
0xc6: {  	[sflag:s15] =	ssyncset.done $0x0  }
0xc7: {  	[sflag:s15] =	ssyncadd.s32 $0xFFFFFC00  }
0xc8: {  	[spmem:s12] =	stream.indirect.scatter.add.f32 [tilespmem:s2], [sflag:$0xF], $0x10, s10, s1, $0xb8;
	[tilespmem:$0x1BE00] =	vst v63  }
0xc9: {  	_ =	swait.ge [sflag:s15], $0x800  }
0xca: {  	[sflag:s15] =	ssyncset.done $0x0  }
0xcb: {  	[sflag:s15] =	ssyncadd.s32 $0xFFFFF800  }
0xcc: {  	[spmem:s12] =	stream.indirect.scatter.add.f32 [tilespmem:s2], [sflag:$0xF], $0x10, s1, s1, $0xb8;
	[tilespmem:$0x1BE00] =	vst v63  }
0xcd: {  	_ =	swait.ge [sflag:s15], $0x800  }
0xce: {  	[sflag:s15] =	ssyncset.done $0x0  }
0xcf: {  	[sflag:s15] =	ssyncadd.s32 $0xFFFFF800  }
0xd0: {  	[spmem:s12] =	stream.indirect.scatter.add.f32 [tilespmem:s2], [sflag:$0xF], $0x10, s16, s1, $0xb8;
	[tilespmem:$0x1BE00] =	vst v63  }
0xd1: {  	_ =	swait.ge [sflag:s15], $0x800  }
0xd2: {  	[sflag:s15] =	ssyncset.done $0x0  }
0xd3: {  	[sflag:s15] =	ssyncadd.s32 $0xFFFFF800  }
0xd4: {  	[spmem:s12] =	stream.indirect.scatter.add.f32 [tilespmem:s2], [sflag:$0xF], $0x10, s17, s1, $0xb8;
	[tilespmem:$0x1BE00] =	vst v63  }
0xd5: {  	_ =	swait.ge [sflag:s15], $0x800  }
0xd6: {  	[sflag:s15] =	ssyncset.done $0x0  }
0xd7: {  	[sflag:s15] =	ssyncadd.s32 $0xFFFFF800  }
0xd8: {  	[spmem:s12] =	stream.indirect.scatter.add.f32 [tilespmem:s2], [sflag:$0xF], $0x10, s18, s1, $0xb8;
	[tilespmem:$0x1BE00] =	vst v63  }
0xd9: {  	_ =	swait.ge [sflag:s15], $0x800  }
0xda: {  	[sflag:s15] =	ssyncset.done $0x0  }
0xdb: {  	[sflag:s15] =	ssyncadd.s32 $0xFFFFF800  }
0xdc: {  	[spmem:s12] =	stream.indirect.scatter.add.f32 [tilespmem:s2], [sflag:$0xF], $0x10, s19, s1, $0xb8;
	[tilespmem:$0x1BE00] =	vst v63  }
0xdd: {  	_ =	swait.ge [sflag:s15], $0x800  }
0xde: {  	[sflag:s15] =	ssyncset.done $0x0  }
0xdf: {  	[sflag:s15] =	ssyncadd.s32 $0xFFFFF800  }
0xe0: {  	[spmem:s12] =	stream.indirect.scatter.add.f32 [tilespmem:s2], [sflag:$0xF], $0x10, s20, s1, $0xb8;
	[tilespmem:$0x1BE00] =	vst v63  }
0xe1: {  	_ =	swait.ge [sflag:s15], $0x800  }
.Ltmp3:
0xe2: {  	[sflag:s15] =	ssyncset.done $0x0;
	(pc) =	sbr.rel @p1 .LBB2_7-.Ltmp3, $4  }
0xe3: {  	[sflag:s15] =	ssyncadd.s32 $0xFFFFF800  }
0xe4: {  	[spmem:s12] =	stream.indirect.scatter.add.f32 [tilespmem:s2], [sflag:$0xF], $0x10, s0, s1, $0xb8;
	[tilespmem:$0x1BE00] =	vst v63  }
0xe5: {  	_ =	swait.ge [sflag:s15], $0x800  }
0xe6: {  	s7 =	smov.u32 s9;
	[sflag:s15] =	ssyncset.done $0x0  }
0xe7: {  	s3 =	sadd.s32 s3, s14;
	[sflag:s15] =	ssyncadd.s32 $0xFFFFF800  }
0xe8: {  	[tilespmem:s10], [sflag:$0xF] =	stream.linear.gather [hbm4b:s3+s10], $0x400, $0x38;
	[tilespmem:$0x1BE00] =	vst v63  }
0xe9: {  	_ =	swait.ge [sflag:s15], $0x400  }
0xea: {  	[sflag:s15] =	ssyncset.done $0x0  }
0xeb: {  	[sflag:s15] =	ssyncadd.s32 $0xFFFFFC00  }
0xec: {  	[spmem:s12] =	stream.indirect.scatter.add.f32 [tilespmem:s2], [sflag:$0xF], $0x10, s10, s1, $0xb8;
	[tilespmem:$0x1BE00] =	vst v63  }
0xed: {  	_ =	swait.ge [sflag:s15], $0x800  }
0xee: {  	[sflag:s15] =	ssyncset.done $0x0  }
0xef: {  	[sflag:s15] =	ssyncadd.s32 $0xFFFFF800  }
0xf0: {  	[spmem:s12] =	stream.indirect.scatter.add.f32 [tilespmem:s2], [sflag:$0xF], $0x10, s1, s1, $0xb8;
	[tilespmem:$0x1BE00] =	vst v63  }
0xf1: {  	_ =	swait.ge [sflag:s15], $0x800  }
0xf2: {  	[sflag:s15] =	ssyncset.done $0x0  }
0xf3: {  	[sflag:s15] =	ssyncadd.s32 $0xFFFFF800  }
0xf4: {  	[spmem:s12] =	stream.indirect.scatter.add.f32 [tilespmem:s2], [sflag:$0xF], $0x10, s16, s1, $0xb8;
	[tilespmem:$0x1BE00] =	vst v63  }
0xf5: {  	_ =	swait.ge [sflag:s15], $0x800  }
0xf6: {  	[sflag:s15] =	ssyncset.done $0x0  }
0xf7: {  	[sflag:s15] =	ssyncadd.s32 $0xFFFFF800  }
0xf8: {  	[spmem:s12] =	stream.indirect.scatter.add.f32 [tilespmem:s2], [sflag:$0xF], $0x10, s17, s1, $0xb8;
	[tilespmem:$0x1BE00] =	vst v63  }
0xf9: {  	_ =	swait.ge [sflag:s15], $0x800  }
0xfa: {  	[sflag:s15] =	ssyncset.done $0x0  }
0xfb: {  	[sflag:s15] =	ssyncadd.s32 $0xFFFFF800  }
0xfc: {  	[spmem:s12] =	stream.indirect.scatter.add.f32 [tilespmem:s2], [sflag:$0xF], $0x10, s18, s1, $0xb8;
	[tilespmem:$0x1BE00] =	vst v63  }
0xfd: {  	_ =	swait.ge [sflag:s15], $0x800  }
0xfe: {  	[sflag:s15] =	ssyncset.done $0x0  }
0xff: {  	[sflag:s15] =	ssyncadd.s32 $0xFFFFF800  }
0x100: {  	[spmem:s12] =	stream.indirect.scatter.add.f32 [tilespmem:s2], [sflag:$0xF], $0x10, s19, s1, $0xb8;
	[tilespmem:$0x1BE00] =	vst v63  }
0x101: {  	_ =	swait.ge [sflag:s15], $0x800  }
0x102: {  	[sflag:s15] =	ssyncset.done $0x0  }
0x103: {  	[sflag:s15] =	ssyncadd.s32 $0xFFFFF800  }
0x104: {  	[spmem:s12] =	stream.indirect.scatter.add.f32 [tilespmem:s2], [sflag:$0xF], $0x10, s20, s1, $0xb8;
	[tilespmem:$0x1BE00] =	vst v63  }
0x105: {  	_ =	swait.ge [sflag:s15], $0x800  }
0x106: {  	[sflag:s15] =	ssyncset.done $0x0  }
0x107: {  	[sflag:s15] =	ssyncadd.s32 $0xFFFFF800  }
0x108: {  	[spmem:s12] =	stream.indirect.scatter.add.f32 [tilespmem:s2], [sflag:$0xF], $0x10, s0, s1, $0xb8;
	[tilespmem:$0x1BE00] =	vst v63  }
0x109: {  	_ =	swait.ge [sflag:s15], $0x800  }
0x10a: {  	[sflag:s15] =	ssyncset.done $0x0  }
0x10b: {  	[sflag:s15] =	ssyncadd.s32 $0xFFFFF800  }
0x10c: {  	s3 =	simm.s32 $0xF;
	[bflag:$0x0] =	sbarrier.arrive $0xFFFF  }
0x10d: {  	s0 =	simm.s32 $0x0;
	s1 =	simm.s32 $0xC400;
	s2 =	simm.s32 $0xC000;
	v0 =	vld [tilespmem:$0xF420]  }
.LBB2_9:
0x10e: {  	s7 =	sshll.u32 s0, $0x6;
	s6 =	rddreg [dreg:$0x9]  }
0x10f: {  	s7 =	sadd.s32 s6, s7  }
0x110: {  	s7 =	sshll.u32 s7, $0x4  }
0x111: {  	s7 =	sand.u32 $0x3FFFFFF0, s7  }
0x112: {  	s7 =	sadd.s32 s7, s12  }
0x113: {  	[tilespmem:s2], [sflag:$0xF] =	stream.linear.gather [spmem:s7], $0x400, $0x38;
	[tilespmem:$0x1BE00] =	vst v63  }
0x114: {  	_ =	swait.ge [sflag:s3], $0x400  }
0x115: {  	[sflag:s3] =	ssyncset.done $0x0  }
0x116: {  	v1 =	vmov s1;
	s8 =	simm.s32 $0x40;
	s7 =	simm.s32 $0x0;
	[sflag:s3] =	ssyncadd.s32 $0xFFFFFC00  }
.LBB2_10:
0x117: {  	p1 =	sne.s32 s8, $0xFC0;
	v2 =	vld [tilespmem:s7+$0xC000];
	_ =	sdelay $0x4  }
0x118: {  	(erf) = vrcp.f32 v2;
	_ =	sdelay $0x8  }
.Ltmp4:
0x119: {  	v3 =	vpop (erf);
	(pc) =	sbr.rel @p1 .LBB2_10-.Ltmp4, $4  }
0x11a: {  	v3 =	vmul.f32 v3, v0  }
0x11b: {  	vm0 =	vgt.f32 v2, $0.0e+00  }
0x11c: {  	v2 =	vnsel vm0, $0x0, v3  }
0x11d: {  	[tilespmem:v1+s7+$0x0 ss:$0x1] =	vst.idx.msk $0xffff, v2;
	s7 =	sshra.s32 s8, $0x2;
	s8 =	sadd.s32 $0x40, s8  }
0x11e: {  	v2 =	vld [tilespmem:s7+$0xC000];
	_ =	sdelay $0x4  }
0x11f: {  	(erf) = vrcp.f32 v2;
	_ =	sdelay $0x6  }
0x120: {  	s0 =	sadd.s32 $0x1, s0  }
0x121: {  	p1 =	sne.s32 s0, $0xA  }
.Ltmp5:
0x122: {  	v3 =	vpop (erf);
	(pc) =	sbr.rel @p1 .LBB2_9-.Ltmp5, $4  }
0x123: {  	v3 =	vmul.f32 v3, v0  }
0x124: {  	vm0 =	vgt.f32 v2, $0.0e+00  }
0x125: {  	v2 =	vnsel vm0, $0x0, v3  }
0x126: {  	s1 =	sadd.s32 $0x400, s1;
	[tilespmem:v1+s7+$0x0 ss:$0x1] =	vst.idx.msk $0xffff, v2  }
0x127: {  	v0 =	vld [tilespmem:$0xF410];
	s0 =	simm.s32 $0x0;
	s1 =	simm.s32 $0xC400;
	s2 =	simm.s32 $0x9000  }
0x128: {  	v1 =	vld [tilespmem:$0xF430];
	s9 =	simm.s32 $0xF;
	s10 =	simm.s32 $0xA000;
	s12 =	simm.s32 $0x0  }
.LBB2_13:
0x129: {  	s3 =	sshll.u32 s12, $0x6;
	s6 =	rddreg [dreg:$0x9]  }
0x12a: {  	s3 =	sadd.s32 s6, s3  }
0x12b: {  	s15 =	sshll.u32 s3, $0x3  }
0x12c: {  	s3 =	sadd.s32 s21, s15  }
0x12d: {  	[tilespmem:s2], [sflag:$0xF] =	stream.linear.gather [hbm4b:s3+s0], $0x1000, $0x38;
	[tilespmem:$0x1BE00] =	vst v63  }
0x12e: {  	_ =	swait.ge [sflag:s9], $0x1000  }
0x12f: {  	[sflag:s9] =	ssyncset.done $0x0  }
0x130: {  	[sflag:s9] =	ssyncadd.s32 $0xFFFFF000  }
0x131: {  	s17 =	simm.s32 $0x100;
	s16 =	simm.s32 $0x0;
	s18 =	smov.u32 s1;
	v2 =	vld [tilespmem:s1+$0x0]  }
.LBB2_14:
0x132: {  	p1 =	sne.s32 s17, $0x3F00;
	_ =	sdelay $0x3  }
0x133: {  	v3 =	vshra.s32 v2, $0x1;
	v4 =	vmul.f32 $5.000000000e-01, v2  }
0x134: {  	v3 =	vsub.s32 $0x5F3759DF, v3  }
0x135: {  	v5 =	vmul.f32 v3, v4;
	_ =	sdelay $0x1  }
0x136: {  	v5 =	vmul.f32 v3, v5;
	_ =	sdelay $0x1  }
0x137: {  	v5 =	vsub.f32 $1.500000000e+00, v5;
	_ =	sdelay $0x1  }
0x138: {  	v3 =	vmul.f32 v3, v5;
	_ =	sdelay $0x1  }
0x139: {  	v5 =	vmul.f32 v3, v4;
	_ =	sdelay $0x1  }
0x13a: {  	v5 =	vmul.f32 v5, v3;
	_ =	sdelay $0x1  }
0x13b: {  	v5 =	vsub.f32 $1.500000000e+00, v5;
	_ =	sdelay $0x1  }
0x13c: {  	v3 =	vmul.f32 v5, v3;
	_ =	sdelay $0x1  }
0x13d: {  	v4 =	vmul.f32 v3, v4;
	_ =	sdelay $0x1  }
0x13e: {  	v4 =	vmul.f32 v4, v3;
	_ =	sdelay $0x1  }
0x13f: {  	v4 =	vsub.f32 $1.500000000e+00, v4;
	_ =	sdelay $0x1  }
0x140: {  	v3 =	vmul.f32 v4, v3  }
0x141: {  	s3 =	sshra.s32 s16, $0x2;
	s16 =	smov.u32 s17  }
0x142: {  	v3 =	vmul.f32 v3, v2;
	v4 =	vld [tilespmem:s3+$0x9000]  }
0x143: {  	v5 =	vld [tilespmem:s3+$0x9010]  }
0x144: {  	v3 =	vmul.f32 v3, v1;
	v6 =	vld [tilespmem:s3+$0x9020]  }
0x145: {  	vm0 =	vgt.f32 v2, $0.0e+00;
	v2 =	vld [tilespmem:s3+$0x9030]  }
0x146: {  	v3 =	vnsel vm0, $0x0, v3  }
0x147: {  	v3 =	vmul.f32 v3, v0;
	_ =	sdelay $0x1  }
0x148: {  	v4 =	vmul.f32 v3, v4;
	v5 =	vmul.f32 v3, v5  }
0x149: {  	v6 =	vmul.f32 v3, v6;
	v2 =	vmul.f32 v3, v2  }
.Ltmp6:
0x14a: {  	[tilespmem:s3+$0xA000] =	vst v4;
	(pc) =	sbr.rel @p1 .LBB2_14-.Ltmp6, $4  }
0x14b: {  	[tilespmem:s3+$0xA010] =	vst v5  }
0x14c: {  	[tilespmem:s3+$0xA020] =	vst v6  }
0x14d: {  	s18 =	sadd.s32 $0x10, s18;
	[tilespmem:s3+$0xA030] =	vst v2  }
0x14e: {  	s17 =	sadd.s32 $0x100, s17;
	v2 =	vld [tilespmem:s18+$0x0]  }
0x14f: {  	_ =	sdelay $0x3  }
0x150: {  	v3 =	vshra.s32 v2, $0x1;
	v4 =	vmul.f32 $5.000000000e-01, v2  }
0x151: {  	v3 =	vsub.s32 $0x5F3759DF, v3  }
0x152: {  	v5 =	vmul.f32 v3, v4;
	_ =	sdelay $0x1  }
0x153: {  	v5 =	vmul.f32 v3, v5;
	_ =	sdelay $0x1  }
0x154: {  	v5 =	vsub.f32 $1.500000000e+00, v5;
	_ =	sdelay $0x1  }
0x155: {  	v3 =	vmul.f32 v3, v5;
	_ =	sdelay $0x1  }
0x156: {  	v5 =	vmul.f32 v3, v4;
	_ =	sdelay $0x1  }
0x157: {  	v5 =	vmul.f32 v5, v3;
	_ =	sdelay $0x1  }
0x158: {  	v5 =	vsub.f32 $1.500000000e+00, v5;
	_ =	sdelay $0x1  }
0x159: {  	v3 =	vmul.f32 v5, v3;
	_ =	sdelay $0x1  }
0x15a: {  	v4 =	vmul.f32 v3, v4;
	_ =	sdelay $0x1  }
0x15b: {  	v4 =	vmul.f32 v4, v3;
	_ =	sdelay $0x1  }
0x15c: {  	v4 =	vsub.f32 $1.500000000e+00, v4;
	_ =	sdelay $0x1  }
0x15d: {  	v3 =	vmul.f32 v4, v3;
	_ =	sdelay $0x1  }
0x15e: {  	v3 =	vmul.f32 v3, v2  }
0x15f: {  	s3 =	sshra.s32 s16, $0x2  }
0x160: {  	v62 =	vld [tilespmem:s3+$0x9000];
	v3 =	vmul.f32 v3, v1  }
0x161: {  	v63 =	vld [tilespmem:s3+$0x9010];
	vm0 =	vgt.f32 v2, $0.0e+00  }
0x162: {  	v2 =	vld [tilespmem:s3+$0x9020];
	v3 =	vnsel vm0, $0x0, v3  }
0x163: {  	v6 =	vld [tilespmem:s3+$0x9030];
	v3 =	vmul.f32 v3, v0;
	_ =	sdelay $0x1  }
0x164: {  	v4 =	vmul.f32 v3, v62  }
0x165: {  	v5 =	vmul.f32 v3, v63  }
0x166: {  	v2 =	vmul.f32 v3, v2;
	[tilespmem:s3+$0xA000] =	vst v4  }
0x167: {  	s12 =	sadd.s32 $0x1, s12;
	v3 =	vmul.f32 v3, v6;
	[tilespmem:s3+$0xA010] =	vst v5  }
0x168: {  	p1 =	sne.s32 s12, $0xA;
	[tilespmem:s3+$0xA020] =	vst v2  }
.Ltmp7:
0x169: {  	s31 =	sadd.s32 s5, s15;
	[tilespmem:s3+$0xA030] =	vst v3;
	(pc) =	sbr.rel @p1 .LBB2_13-.Ltmp7, $4  }
0x16a: {  	[hbm4b:s31+s0] =	stream.linear.scatter [tilespmem:s10], [sflag:$0xF], $0x1000, $0x38;
	[tilespmem:$0x1BE00] =	vst v63  }
0x16b: {  	_ =	swait.ge [sflag:s9], $0x1000  }
0x16c: {  	[sflag:s9] =	ssyncset.done $0x0  }
0x16d: {  	s1 =	sadd.s32 $0x400, s1;
	[sflag:s9] =	ssyncadd.s32 $0xFFFFF000  }
0x16e: {  	[dreg:$0x6] =	wrdreg s21;
	s0 =	sadd.s32 s13, s11;
	s26 =	sadd.s32 $0x80, s14  }
0x16f: {  	s13 =	simm.s32 $0x0;
	s16 =	simm.s32 $0x80;
	s17 =	simm.s32 $0x1000  }
0x170: {  	s18 =	simm.s32 $0x3000;
	s19 =	simm.s32 $0x2;
	s20 =	simm.s32 $0x5000  }
0x171: {  	s21 =	simm.s32 $0x3;
	s22 =	simm.s32 $0x7000;
	s23 =	simm.s32 $0x4  }
0x172: {  	s24 =	simm.s32 $0x6;
	s25 =	simm.s32 $0x5;
	s28 =	simm.s32 $0x8  }
0x173: {  	s29 =	simm.s32 $0x9;
	s30 =	simm.s32 $0x9000;
	s31 =	simm.s32 $0xB000  }
0x174: {  	s2 =	simm.s32 $0xB;
	[bflag:$0x0] =	sbarrier.arrive $0xFFFF;
	s0 =	sadd.s32 $0x80, s0  }
0x175: {  	s9 =	simm.s32 $0xA000;
	s3 =	simm.s32 $0x0;
	[dreg:$0xe] =	wrdreg s0  }
0x176: {  	[dreg:$0xf] =	wrdreg s26;
	s26 =	simm.s32 $0x7;
	s0 =	simm.s32 $0xA  }
.LBB2_17:
0x177: {  	[dreg:$0x10] =	wrdreg s3  }
0x178: {  	s1 =	rddreg [dreg:$0xc];
	s14 =	simm.s32 $0xF  }
0x179: {  	[tilespmem:s13], [sflag:$0xF] =	stream.linear.gather [hbm4b:s1+s13], $0x400, $0x38;
	[tilespmem:$0x1BE00] =	vst v63  }
0x17a: {  	_ =	swait.ge [sflag:s14], $0x400  }
0x17b: {  	[sflag:s14] =	ssyncset.done $0x0  }
0x17c: {  	s6 =	simm.s32 $0x800;
	s15 =	rddreg [dreg:$0xd];
	[sflag:s14] =	ssyncadd.s32 $0xFFFFFC00  }
0x17d: {  	[tilespmem:s6], [sflag:$0xF] =	stream.linear.gather [hbm4b:s15+s13], $0x400, $0x38;
	[tilespmem:$0x1BE00] =	vst v63  }
0x17e: {  	_ =	swait.ge [sflag:s14], $0x400  }
0x17f: {  	[sflag:s14] =	ssyncset.done $0x0;
	s10 =	rddreg [dreg:$0xf]  }
0x180: {  	s1 =	simm.s32 $0x400;
	s12 =	rddreg [dreg:$0xe];
	[sflag:s14] =	ssyncadd.s32 $0xFFFFFC00  }
.LBB2_18:
0x181: {  	p1 =	seq.s32 s1, $0x5000  }
0x182: {  	s3 =	sand.u32 @!p1 $0x400, s1;
	s7 =	simm.s32 @!p1 $0x0  }
0x183: {  	[tilespmem:s3], [sflag:$0x1] =	stream.linear.gather @!p1 [hbm4b:s10+s7], $0x400, $0x38;
	[tilespmem:$0x1BE00] =	vst v63  }
0x184: {  	s3 =	sor.u32 @!p1 $0x800, s3  }
0x185: {  	[tilespmem:s3], [sflag:$0x1] =	stream.linear.gather @!p1 [hbm4b:s12+s7], $0x400, $0x38;
	[tilespmem:$0x1BE00] =	vst v63  }
0x186: {  	s7 =	sadd.s32 $0xFFFFFC00, s1  }
0x187: {  	s3 =	sand.u32 $0x400, s7  }
0x188: {  	[tilespmem:s17], [sflag:$0x2] =	stream.indirect.gather [hbm4b:s5+s16], $0x40, s3, s16, $0xb8;
	[tilespmem:$0x1BE00] =	vst v63  }
0x189: {  	s8 =	sor.u32 $0x80, s3  }
0x18a: {  	[tilespmem:s18], [sflag:$0x3] =	stream.indirect.gather [hbm4b:s5+s16], $0x40, s8, s16, $0xb8;
	[tilespmem:$0x1BE00] =	vst v63  }
0x18b: {  	_ =	swait.ge [sflag:s19], $0x2000  }
0x18c: {  	[sflag:s19] =	ssyncset.done $0x0  }
0x18d: {  	s11 =	sor.u32 $0x800, s3;
	[sflag:s19] =	ssyncadd.s32 $0xFFFFE000  }
0x18e: {  	[spmem:s4] =	stream.indirect.scatter.add.f32 [tilespmem:s17], [sflag:$0x6], $0x40, s11, s16, $0xb8;
	[tilespmem:$0x1BE00] =	vst v63  }
0x18f: {  	s14 =	sor.u32 $0x100, s3  }
0x190: {  	[tilespmem:s20], [sflag:$0x4] =	stream.indirect.gather [hbm4b:s5+s16], $0x40, s14, s16, $0xb8;
	[tilespmem:$0x1BE00] =	vst v63  }
0x191: {  	_ =	swait.ge [sflag:s21], $0x2000  }
0x192: {  	[sflag:s21] =	ssyncset.done $0x0  }
0x193: {  	s15 =	sor.u32 $0x880, s3;
	[sflag:s21] =	ssyncadd.s32 $0xFFFFE000  }
0x194: {  	[spmem:s4] =	stream.indirect.scatter.add.f32 [tilespmem:s18], [sflag:$0x7], $0x40, s15, s16, $0xb8;
	[tilespmem:$0x1BE00] =	vst v63  }
0x195: {  	s6 =	sor.u32 $0x180, s3  }
0x196: {  	[tilespmem:s22], [sflag:$0x5] =	stream.indirect.gather [hbm4b:s5+s16], $0x40, s6, s16, $0xb8;
	[tilespmem:$0x1BE00] =	vst v63  }
0x197: {  	_ =	swait.ge [sflag:s23], $0x2000  }
0x198: {  	[sflag:s23] =	ssyncset.done $0x0  }
0x199: {  	s8 =	sor.u32 $0x900, s3;
	[sflag:s23] =	ssyncadd.s32 $0xFFFFE000  }
0x19a: {  	[spmem:s4] =	stream.indirect.scatter.add.f32 [tilespmem:s20], [sflag:$0x8], $0x40, s8, s16, $0xb8;
	[tilespmem:$0x1BE00] =	vst v63  }
0x19b: {  	_ =	swait.ge [sflag:s24], $0x2000  }
0x19c: {  	[sflag:s24] =	ssyncset.done $0x0  }
0x19d: {  	s11 =	sor.u32 $0x200, s3;
	[sflag:s24] =	ssyncadd.s32 $0xFFFFE000  }
0x19e: {  	[tilespmem:s17], [sflag:$0x2] =	stream.indirect.gather [hbm4b:s5+s16], $0x40, s11, s16, $0xb8;
	[tilespmem:$0x1BE00] =	vst v63  }
0x19f: {  	_ =	swait.ge [sflag:s25], $0x2000  }
0x1a0: {  	[sflag:s25] =	ssyncset.done $0x0  }
0x1a1: {  	s14 =	sor.u32 $0x980, s3;
	[sflag:s25] =	ssyncadd.s32 $0xFFFFE000  }
0x1a2: {  	[spmem:s4] =	stream.indirect.scatter.add.f32 [tilespmem:s22], [sflag:$0x9], $0x40, s14, s16, $0xb8;
	[tilespmem:$0x1BE00] =	vst v63  }
0x1a3: {  	_ =	swait.ge [sflag:s26], $0x2000  }
0x1a4: {  	[sflag:s26] =	ssyncset.done $0x0  }
0x1a5: {  	s15 =	sor.u32 $0x280, s3;
	[sflag:s26] =	ssyncadd.s32 $0xFFFFE000  }
0x1a6: {  	[tilespmem:s18], [sflag:$0x3] =	stream.indirect.gather [hbm4b:s5+s16], $0x40, s15, s16, $0xb8;
	[tilespmem:$0x1BE00] =	vst v63  }
0x1a7: {  	_ =	swait.ge [sflag:s19], $0x2000  }
0x1a8: {  	[sflag:s19] =	ssyncset.done $0x0  }
0x1a9: {  	s6 =	sor.u32 $0xA00, s3;
	[sflag:s19] =	ssyncadd.s32 $0xFFFFE000  }
0x1aa: {  	[spmem:s4] =	stream.indirect.scatter.add.f32 [tilespmem:s17], [sflag:$0x6], $0x40, s6, s16, $0xb8;
	[tilespmem:$0x1BE00] =	vst v63  }
0x1ab: {  	_ =	swait.ge [sflag:s28], $0x2000  }
0x1ac: {  	[sflag:s28] =	ssyncset.done $0x0  }
0x1ad: {  	s8 =	sor.u32 $0x300, s3;
	[sflag:s28] =	ssyncadd.s32 $0xFFFFE000  }
0x1ae: {  	[tilespmem:s20], [sflag:$0x4] =	stream.indirect.gather [hbm4b:s5+s16], $0x40, s8, s16, $0xb8;
	[tilespmem:$0x1BE00] =	vst v63  }
0x1af: {  	_ =	swait.ge [sflag:s21], $0x2000  }
0x1b0: {  	[sflag:s21] =	ssyncset.done $0x0  }
0x1b1: {  	s11 =	sor.u32 $0xA80, s3;
	[sflag:s21] =	ssyncadd.s32 $0xFFFFE000  }
0x1b2: {  	[spmem:s4] =	stream.indirect.scatter.add.f32 [tilespmem:s18], [sflag:$0x7], $0x40, s11, s16, $0xb8;
	[tilespmem:$0x1BE00] =	vst v63  }
0x1b3: {  	_ =	swait.ge [sflag:s29], $0x2000  }
0x1b4: {  	[sflag:s29] =	ssyncset.done $0x0  }
0x1b5: {  	s14 =	sor.u32 $0x380, s3;
	[sflag:s29] =	ssyncadd.s32 $0xFFFFE000  }
0x1b6: {  	[tilespmem:s22], [sflag:$0x5] =	stream.indirect.gather [hbm4b:s5+s16], $0x40, s14, s16, $0xb8;
	[tilespmem:$0x1BE00] =	vst v63  }
0x1b7: {  	_ =	swait.ge [sflag:s23], $0x2000  }
0x1b8: {  	[sflag:s23] =	ssyncset.done $0x0  }
0x1b9: {  	s15 =	sor.u32 $0xB00, s3;
	[sflag:s23] =	ssyncadd.s32 $0xFFFFE000  }
0x1ba: {  	[spmem:s4] =	stream.indirect.scatter.add.f32 [tilespmem:s20], [sflag:$0x8], $0x40, s15, s16, $0xb8;
	[tilespmem:$0x1BE00] =	vst v63  }
0x1bb: {  	_ =	swait.ge [sflag:s25], $0x2000  }
0x1bc: {  	[sflag:s25] =	ssyncset.done $0x0  }
0x1bd: {  	s3 =	sor.u32 $0xB80, s3;
	[sflag:s25] =	ssyncadd.s32 $0xFFFFE000  }
0x1be: {  	[spmem:s4] =	stream.indirect.scatter.add.f32 [tilespmem:s22], [sflag:$0x9], $0x40, s3, s16, $0xb8;
	[tilespmem:$0x1BE00] =	vst v63  }
0x1bf: {  	_ =	swait.ge [sflag:s24], $0x2000  }
0x1c0: {  	[sflag:s24] =	ssyncset.done $0x0  }
0x1c1: {  	[sflag:s24] =	ssyncadd.s32 $0xFFFFE000  }
0x1c2: {  	_ =	swait.ge [sflag:s26], $0x2000  }
0x1c3: {  	[sflag:s26] =	ssyncset.done $0x0  }
0x1c4: {  	[sflag:s26] =	ssyncadd.s32 $0xFFFFE000  }
0x1c5: {  	_ =	swait.ge [sflag:s28], $0x2000  }
0x1c6: {  	[sflag:s28] =	ssyncset.done $0x0  }
0x1c7: {  	[sflag:s28] =	ssyncadd.s32 $0xFFFFE000  }
0x1c8: {  	_ =	swait.ge [sflag:s29], $0x2000  }
0x1c9: {  	s1 =	sadd.s32 @!p1 $0x400, s1;
	[sflag:s29] =	ssyncset.done $0x0  }
0x1ca: {  	p2 =	sne.s32 @!p1 s1, $0x5400;
	s3 =	simm.s32 @!p1 $0x1;
	[sflag:s29] =	ssyncadd.s32 $0xFFFFE000  }
0x1cb: {  	p2 =	por p1, !p2;
	_ =	swait.ge @!p1 [sflag:s3], $0x400  }
.Ltmp8:
0x1cc: {  	[sflag:s3] =	ssyncset.done @!p1 $0x0;
	(pc) =	sbr.rel @!p2 .LBB2_18-.Ltmp8, $4  }
0x1cd: {  	[sflag:s3] =	ssyncadd.s32 @!p1 $0xFFFFFC00  }
0x1ce: {  	_ =	swait.ge @!p1 [sflag:s3], $0x400  }
0x1cf: {  	[sflag:s3] =	ssyncset.done @!p1 $0x0  }
0x1d0: {  	s10 =	sadd.s32 @!p1 $0x80, s10;
	s12 =	sadd.s32 @!p1 $0x80, s12;
	[sflag:s3] =	ssyncadd.s32 @!p1 $0xFFFFFC00  }
0x1d1: {  	[bflag:$0x0] =	sbarrier.arrive $0xFFFF  }
0x1d2: {  	s12 =	simm.s32 $0x0;
	s7 =	simm.s32 $0xC400;
	s15 =	simm.s32 $0x0  }
.LBB2_20:
0x1d3: {  	p1 =	seq.s32 s15, $0x0  }
0x1d4: {  	s1 =	simm.s32 @!p1 $0xC  }
0x1d5: {  	_ =	swait.ge @!p1 [sflag:s1], $0x1000  }
0x1d6: {  	[sflag:s1] =	ssyncset.done @!p1 $0x0  }
0x1d7: {  	[sflag:s1] =	ssyncadd.s32 @!p1 $0xFFFFF000;
	s1 =	simm.s32 @!p1 $0xD  }
0x1d8: {  	_ =	swait.ge @!p1 [sflag:s1], $0x1000  }
0x1d9: {  	s3 =	sshll.u32 s15, $0x6;
	[sflag:s1] =	ssyncset.done @!p1 $0x0;
	s6 =	rddreg [dreg:$0x9]  }
0x1da: {  	s3 =	sadd.s32 s6, s3;
	[sflag:s1] =	ssyncadd.s32 @!p1 $0xFFFFF000;
	s1 =	simm.s32 @!p1 $0xE  }
0x1db: {  	_ =	swait.ge @!p1 [sflag:s1], $0x200;
	s8 =	sshll.u32 s3, $0x6  }
0x1dc: {  	[sflag:s1] =	ssyncset.done @!p1 $0x0;
	s8 =	sand.u32 $0x3FFFFFC0, s8;
	s6 =	rddreg [dreg:$0x8]  }
0x1dd: {  	[sflag:s1] =	ssyncadd.s32 @!p1 $0xFFFFFE00;
	s8 =	sadd.s32 s8, s4;
	s1 =	sshll.u32 s3, $0x3  }
0x1de: {  	[tilespmem:s30], [sflag:$0xA] =	stream.linear.gather [spmem:s8], $0x1000, $0x38;
	[tilespmem:$0x1BE00] =	vst v63  }
0x1df: {  	s14 =	sadd.s32 s6, s1  }
0x1e0: {  	[tilespmem:s31], [sflag:$0xB] =	stream.linear.gather [hbm4b:s14+s12], $0x1000, $0x38;
	[tilespmem:$0x1BE00] =	vst v63  }
0x1e1: {  	_ =	swait.ge [sflag:s0], $0x1000  }
0x1e2: {  	s8 =	sshrl.u32 s8, $0x3;
	[sflag:s0] =	ssyncset.done $0x0;
	s10 =	rddreg [dreg:$0xa]  }
0x1e3: {  	s11 =	rddreg [dreg:$0xb];
	[sflag:s0] =	ssyncadd.s32 $0xFFFFF000;
	s3 =	sor.u32 $0x1C0E, s10  }
0x1e4: {  	[spmem:s8], [sflag:s3] =	dma.local [spmem:s11], $0x200  }
0x1e5: {  	_ =	swait.ge [sflag:s2], $0x1000  }
0x1e6: {  	[sflag:s2] =	ssyncset.done $0x0  }
0x1e7: {  	s3 =	simm.s32 $0x0;
	[sflag:s2] =	ssyncadd.s32 $0xFFFFF000  }
0x1e8: {  	v0 =	vld [tilespmem:s3+$0x9000]  }
0x1e9: {  	v2 =	vld [tilespmem:s3+$0x9010]  }
0x1ea: {  	v1 =	vld [tilespmem:s3+$0x9020]  }
0x1eb: {  	v4 =	vld [tilespmem:s3+$0xB000]  }
0x1ec: {  	v3 =	vld [tilespmem:s3+$0x9030]  }
0x1ed: {  	v5 =	vld [tilespmem:s3+$0xB010]  }
0x1ee: {  	v6 =	vld [tilespmem:s3+$0xB020]  }
0x1ef: {  	v7 =	vld [tilespmem:s3+$0xB030];
	_ =	sdelay $0x1  }
0x1f0: {  	v9 =	vadd.f32 v4, v0  }
0x1f1: {  	s11 =	simm.s32 $0x40;
	v8 =	vld [tilespmem:s7+$0x0];
	v10 =	vadd.f32 v5, v2  }
0x1f2: {  	v4 =	vld [tilespmem:s11+$0x9000];
	[tilespmem:s3+$0xB000] =	vst v9;
	v9 =	vadd.f32 v6, v1  }
0x1f3: {  	v5 =	vld [tilespmem:s11+$0x9010];
	[tilespmem:s3+$0xB010] =	vst v10;
	v10 =	vadd.f32 v7, v3  }
0x1f4: {  	v6 =	vld [tilespmem:s11+$0x9020];
	[tilespmem:s3+$0xB020] =	vst v9  }
0x1f5: {  	s10 =	smov.u32 s7;
	s8 =	simm.s32 $0x200;
	v7 =	vld [tilespmem:s11+$0x9030];
	[tilespmem:s3+$0xB030] =	vst v10  }
.LBB2_21:
0x1f6: {  	p1 =	sne.s32 s8, $0x3F00;
	v9 =	vld [tilespmem:s11+$0xB000]  }
0x1f7: {  	v10 =	vld [tilespmem:s11+$0xB010];
	v11 =	vmul.f32 v0, v8;
	v12 =	vmul.f32 v2, v8;
	v0 =	vmov v4  }
0x1f8: {  	v4 =	vmul.f32 v1, v8;
	v8 =	vmul.f32 v3, v8;
	v13 =	vld [tilespmem:s11+$0xB020];
	v2 =	vmov v5  }
0x1f9: {  	v14 =	vld [tilespmem:s11+$0xB030];
	[tilespmem:s3+$0xA000] =	vst v11;
	v1 =	vmov v6  }
0x1fa: {  	[tilespmem:s3+$0xA010] =	vst v12;
	v3 =	vmov v7  }
0x1fb: {  	s6 =	sshra.s32 s8, $0x2;
	v5 =	vadd.f32 v9, v0;
	[tilespmem:s3+$0xA020] =	vst v4  }
.Ltmp9:
0x1fc: {  	s10 =	sadd.s32 $0x10, s10;
	v4 =	vld [tilespmem:s6+$0x9000];
	v6 =	vadd.f32 v10, v2;
	[tilespmem:s3+$0xA030] =	vst v8;
	s3 =	smov.u32 s11;
	(pc) =	sbr.rel @p1 .LBB2_21-.Ltmp9, $4  }
0x1fd: {  	s11 =	smov.u32 s6;
	v8 =	vld [tilespmem:s10+$0x0];
	[tilespmem:s3+$0xB000] =	vst v5;
	v7 =	vadd.f32 v13, v1  }
0x1fe: {  	v5 =	vld [tilespmem:s11+$0x9010];
	[tilespmem:s3+$0xB010] =	vst v6;
	v9 =	vadd.f32 v14, v3  }
0x1ff: {  	v6 =	vld [tilespmem:s11+$0x9020];
	[tilespmem:s3+$0xB020] =	vst v7  }
0x200: {  	s8 =	sadd.s32 $0x100, s8;
	v7 =	vld [tilespmem:s11+$0x9030];
	[tilespmem:s3+$0xB030] =	vst v9  }
0x201: {  	v9 =	vld [tilespmem:s11+$0xB000]  }
0x202: {  	v10 =	vld [tilespmem:s11+$0xB010];
	v0 =	vmul.f32 v0, v8  }
0x203: {  	v11 =	vld [tilespmem:s11+$0xB020];
	v2 =	vmul.f32 v2, v8  }
0x204: {  	v12 =	vld [tilespmem:s11+$0xB030];
	v55 =	vmul.f32 v1, v8;
	[tilespmem:s3+$0xA000] =	vst v0  }
0x205: {  	v56 =	vmul.f32 v3, v8;
	[tilespmem:s3+$0xA010] =	vst v2  }
0x206: {  	[tilespmem:s3+$0xA020] =	vst v55  }
0x207: {  	s10 =	sadd.s32 $0x10, s10;
	[tilespmem:s3+$0xA030] =	vst v56  }
0x208: {  	v0 =	vld [tilespmem:s10+$0x0]  }
0x209: {  	v57 =	vadd.f32 v9, v4  }
0x20a: {  	v58 =	vadd.f32 v10, v5  }
0x20b: {  	v59 =	vadd.f32 v11, v6;
	[tilespmem:s11+$0xB000] =	vst v57  }
0x20c: {  	v60 =	vadd.f32 v12, v7;
	[tilespmem:s11+$0xB010] =	vst v58  }
0x20d: {  	[tilespmem:s11+$0xB020] =	vst v59;
	v61 =	vmul.f32 v4, v0  }
0x20e: {  	[tilespmem:s11+$0xB030] =	vst v60;
	v62 =	vmul.f32 v5, v0  }
0x20f: {  	s15 =	sadd.s32 $0x1, s15;
	v63 =	vmul.f32 v6, v0;
	[tilespmem:s11+$0xA000] =	vst v61  }
0x210: {  	p1 =	sne.s32 s15, $0xA;
	v0 =	vmul.f32 v7, v0;
	[tilespmem:s11+$0xA010] =	vst v62  }
.Ltmp10:
0x211: {  	[tilespmem:s11+$0xA020] =	vst v63;
	(pc) =	sbr.rel @p1 .LBB2_20-.Ltmp10, $4  }
0x212: {  	[tilespmem:s11+$0xA030] =	vst v0  }
0x213: {  	[hbm4b:s14+s13] =	stream.linear.scatter [tilespmem:s31], [sflag:$0xC], $0x1000, $0x38;
	[tilespmem:$0x1BE00] =	vst v63  }
0x214: {  	s1 =	sadd.s32 s5, s1;
	s7 =	sadd.s32 $0x400, s7  }
0x215: {  	[hbm4b:s1+s13] =	stream.linear.scatter [tilespmem:s9], [sflag:$0xD], $0x1000, $0x38;
	[tilespmem:$0x1BE00] =	vst v63  }
0x216: {  	s1 =	simm.s32 $0xC  }
0x217: {  	_ =	swait.ge [sflag:s1], $0x1000  }
0x218: {  	[sflag:s1] =	ssyncset.done $0x0  }
0x219: {  	s14 =	simm.s32 $0xD;
	[sflag:s1] =	ssyncadd.s32 $0xFFFFF000  }
0x21a: {  	_ =	swait.ge [sflag:s14], $0x1000  }
0x21b: {  	[sflag:s14] =	ssyncset.done $0x0  }
0x21c: {  	s15 =	simm.s32 $0xE;
	[sflag:s14] =	ssyncadd.s32 $0xFFFFF000  }
0x21d: {  	_ =	swait.ge [sflag:s15], $0x200  }
0x21e: {  	s3 =	rddreg [dreg:$0x10]  }
0x21f: {  	s3 =	sadd.s32 $0x1, s3  }
0x220: {  	p1 =	sne.s32 s3, $0xA  }
.Ltmp11:
0x221: {  	_ = 	snop;
	(pc) =	sbr.rel @p1 .LBB2_17-.Ltmp11, $3  }
0x222: {  	[sflag:s15] =	ssyncset.done $0x0  }
0x223: {  	[sflag:s15] =	ssyncadd.s32 $0xFFFFFE00  }
0x224: {  	[bflag:$0x0] =	sbarrier.arrive $0xFFFF;
	_ =	sdelay $0x1  }
0x225: {  	s0 =	simm.s32 $0x0;
	s1 =	simm.s32 $0xC400;
	s2 =	simm.s32 $0x9000  }
0x226: {  	v0 =	vld [tilespmem:$0xF400];
	s4 =	simm.s32 $0xF;
	s5 =	simm.s32 $0xB000;
	s6 =	rddreg [dreg:$0x6]  }
0x227: {  	v1 =	vld [tilespmem:$0xF430];
	s7 =	simm.s32 $0xA000;
	s8 =	simm.s32 $0x0;
	s13 =	rddreg [dreg:$0x7]  }
.LBB2_25:
0x228: {  	s3 =	sshll.u32 s8, $0x6;
	s9 =	rddreg [dreg:$0x9]  }
0x229: {  	s3 =	sadd.s32 s9, s3  }
0x22a: {  	s9 =	sshll.u32 s3, $0x3  }
0x22b: {  	s3 =	sadd.s32 s6, s9  }
0x22c: {  	[tilespmem:s2], [sflag:$0xF] =	stream.linear.gather [hbm4b:s3+s0], $0x1000, $0x38;
	[tilespmem:$0x1BE00] =	vst v63  }
0x22d: {  	_ =	swait.ge [sflag:s4], $0x1000  }
0x22e: {  	[sflag:s4] =	ssyncset.done $0x0;
	s31 =	rddreg [dreg:$0x8]  }
0x22f: {  	[sflag:s4] =	ssyncadd.s32 $0xFFFFF000;
	s3 =	sadd.s32 s31, s9  }
0x230: {  	[tilespmem:s5], [sflag:$0xF] =	stream.linear.gather [hbm4b:s3+s0], $0x1000, $0x38;
	[tilespmem:$0x1BE00] =	vst v63  }
0x231: {  	_ =	swait.ge [sflag:s4], $0x1000  }
0x232: {  	[sflag:s4] =	ssyncset.done $0x0  }
0x233: {  	[sflag:s4] =	ssyncadd.s32 $0xFFFFF000  }
0x234: {  	s11 =	simm.s32 $0x100;
	s10 =	simm.s32 $0x0;
	s12 =	smov.u32 s1;
	v2 =	vld [tilespmem:s1+$0x0]  }
.LBB2_26:
0x235: {  	p1 =	sne.s32 s11, $0x3F00;
	_ =	sdelay $0x3  }
0x236: {  	v3 =	vshra.s32 v2, $0x1;
	v4 =	vmul.f32 $5.000000000e-01, v2  }
0x237: {  	v3 =	vsub.s32 $0x5F3759DF, v3  }
0x238: {  	v5 =	vmul.f32 v3, v4;
	_ =	sdelay $0x1  }
0x239: {  	v5 =	vmul.f32 v3, v5;
	_ =	sdelay $0x1  }
0x23a: {  	v5 =	vsub.f32 $1.500000000e+00, v5;
	_ =	sdelay $0x1  }
0x23b: {  	v3 =	vmul.f32 v3, v5;
	_ =	sdelay $0x1  }
0x23c: {  	v5 =	vmul.f32 v3, v4;
	_ =	sdelay $0x1  }
0x23d: {  	v5 =	vmul.f32 v5, v3;
	_ =	sdelay $0x1  }
0x23e: {  	v5 =	vsub.f32 $1.500000000e+00, v5;
	_ =	sdelay $0x1  }
0x23f: {  	v3 =	vmul.f32 v5, v3;
	_ =	sdelay $0x1  }
0x240: {  	v4 =	vmul.f32 v3, v4  }
0x241: {  	s3 =	sshra.s32 s10, $0x2;
	s10 =	smov.u32 s11  }
0x242: {  	v4 =	vmul.f32 v4, v3;
	v5 =	vld [tilespmem:s3+$0x9000]  }
0x243: {  	v6 =	vld [tilespmem:s3+$0xB000]  }
0x244: {  	v4 =	vsub.f32 $1.500000000e+00, v4;
	v7 =	vld [tilespmem:s3+$0x9010]  }
0x245: {  	v8 =	vld [tilespmem:s3+$0xB010]  }
0x246: {  	v3 =	vmul.f32 v4, v3;
	v4 =	vld [tilespmem:s3+$0x9020]  }
0x247: {  	v9 =	vld [tilespmem:s3+$0x9030]  }
0x248: {  	v3 =	vmul.f32 v3, v2;
	v10 =	vld [tilespmem:s3+$0xB020]  }
0x249: {  	v11 =	vld [tilespmem:s3+$0xB030]  }
0x24a: {  	v3 =	vmul.f32 v3, v1  }
0x24b: {  	vm0 =	vgt.f32 v2, $0.0e+00;
	v2 =	vmul.f32 v5, v0;
	v5 =	vmul.f32 v7, v0  }
0x24c: {  	v4 =	vmul.f32 v4, v0;
	v3 =	vnsel vm0, $0x0, v3;
	v7 =	vmul.f32 v9, v0  }
0x24d: {  	v6 =	vmul.f32 v3, v6;
	v8 =	vmul.f32 v3, v8  }
0x24e: {  	v9 =	vmul.f32 v3, v10;
	v3 =	vmul.f32 v3, v11  }
0x24f: {  	v2 =	vadd.f32 v6, v2;
	v5 =	vadd.f32 v8, v5  }
0x250: {  	v4 =	vadd.f32 v9, v4;
	v3 =	vadd.f32 v3, v7  }
.Ltmp12:
0x251: {  	[tilespmem:s3+$0xA000] =	vst v2;
	(pc) =	sbr.rel @p1 .LBB2_26-.Ltmp12, $4  }
0x252: {  	[tilespmem:s3+$0xA010] =	vst v5  }
0x253: {  	[tilespmem:s3+$0xA020] =	vst v4  }
0x254: {  	s12 =	sadd.s32 $0x10, s12;
	[tilespmem:s3+$0xA030] =	vst v3  }
0x255: {  	s11 =	sadd.s32 $0x100, s11;
	v2 =	vld [tilespmem:s12+$0x0]  }
0x256: {  	_ =	sdelay $0x3  }
0x257: {  	v3 =	vshra.s32 v2, $0x1;
	v4 =	vmul.f32 $5.000000000e-01, v2  }
0x258: {  	v3 =	vsub.s32 $0x5F3759DF, v3  }
0x259: {  	v5 =	vmul.f32 v3, v4;
	_ =	sdelay $0x1  }
0x25a: {  	v5 =	vmul.f32 v3, v5;
	_ =	sdelay $0x1  }
0x25b: {  	v5 =	vsub.f32 $1.500000000e+00, v5;
	_ =	sdelay $0x1  }
0x25c: {  	v3 =	vmul.f32 v3, v5;
	_ =	sdelay $0x1  }
0x25d: {  	v5 =	vmul.f32 v3, v4;
	_ =	sdelay $0x1  }
0x25e: {  	v5 =	vmul.f32 v5, v3;
	_ =	sdelay $0x1  }
0x25f: {  	v5 =	vsub.f32 $1.500000000e+00, v5;
	_ =	sdelay $0x1  }
0x260: {  	v3 =	vmul.f32 v5, v3;
	_ =	sdelay $0x1  }
0x261: {  	v4 =	vmul.f32 v3, v4;
	_ =	sdelay $0x1  }
0x262: {  	v4 =	vmul.f32 v4, v3  }
0x263: {  	s3 =	sshra.s32 s10, $0x2  }
0x264: {  	v56 =	vld [tilespmem:s3+$0x9000];
	v4 =	vsub.f32 $1.500000000e+00, v4  }
0x265: {  	v6 =	vld [tilespmem:s3+$0xB000]  }
0x266: {  	v7 =	vld [tilespmem:s3+$0x9010];
	v3 =	vmul.f32 v4, v3  }
0x267: {  	v57 =	vld [tilespmem:s3+$0xB010]  }
0x268: {  	v8 =	vld [tilespmem:s3+$0x9020];
	v3 =	vmul.f32 v3, v2  }
0x269: {  	v9 =	vld [tilespmem:s3+$0x9030]  }
0x26a: {  	v10 =	vld [tilespmem:s3+$0xB020];
	v3 =	vmul.f32 v3, v1  }
0x26b: {  	v11 =	vld [tilespmem:s3+$0xB030];
	vm0 =	vgt.f32 v2, $0.0e+00  }
0x26c: {  	v2 =	vnsel vm0, $0x0, v3  }
0x26d: {  	v3 =	vmul.f32 v56, v0;
	v58 =	vmul.f32 v2, v6  }
0x26e: {  	v59 =	vmul.f32 v7, v0;
	v4 =	vmul.f32 v2, v57  }
0x26f: {  	v60 =	vmul.f32 v8, v0;
	v61 =	vmul.f32 v2, v10;
	v3 =	vadd.f32 v58, v3  }
0x270: {  	v62 =	vmul.f32 v9, v0;
	v2 =	vmul.f32 v2, v11;
	v4 =	vadd.f32 v4, v59  }
0x271: {  	v63 =	vadd.f32 v61, v60;
	[tilespmem:s3+$0xA000] =	vst v3  }
0x272: {  	s8 =	sadd.s32 $0x1, s8;
	v2 =	vadd.f32 v2, v62;
	[tilespmem:s3+$0xA010] =	vst v4  }
0x273: {  	p1 =	sne.s32 s8, $0xA;
	[tilespmem:s3+$0xA020] =	vst v63  }
.Ltmp13:
0x274: {  	s31 =	sadd.s32 s13, s9;
	[tilespmem:s3+$0xA030] =	vst v2;
	(pc) =	sbr.rel @p1 .LBB2_25-.Ltmp13, $4  }
0x275: {  	[hbm4b:s31+s0] =	stream.linear.scatter [tilespmem:s7], [sflag:$0xF], $0x1000, $0x38;
	[tilespmem:$0x1BE00] =	vst v63  }
0x276: {  	_ =	swait.ge [sflag:s4], $0x1000  }
0x277: {  	[sflag:s4] =	ssyncset.done $0x0  }
0x278: {  	s1 =	sadd.s32 $0x400, s1;
	[sflag:s4] =	ssyncadd.s32 $0xFFFFF000  }
0x279: {  	_ =	sfence.sel $0x180000  }
0x27a: {  	[bflag:$0x0] =	sbarrier.arrive $0xFFFF  }
0x27b: {  	_ =	strace $0x90000047  }
0x27c: {  	[bflag:$0x2] =	sbarrier.arrive $0xFFFF  }
0x27d: {  	s0 =	rddreg [dreg:$0x5]  }
0x27e: {  	s0 =	sadd.s32 @!p0 $0x100000, s0  }
0x27f: {  	[sflag:s0] =	ssyncadd.tile.s32 @!p0 $0x1;
	_ =	shalt  }
.Lfunc_end2:
_tile_overlayer_lowered:
.L_overlay_start_2:
0x280: {  	(tag) =	ssettag $0x2  }
0x281: {  	s0 =	rddreg [dreg:$0x0];
	s2 =	stileid.u32  }
0x282: {  	s1 =	rddreg [dreg:$0x1];
	p0 =	sne.s32 s2, $0x0  }
0x283: {  	s3 =	rddreg [dreg:$0x2];
	[bflag:$0x3] =	sbarrier.arrive $0xFFFF;
	s2 =	simm.s32 @!p0 $0x1C0F  }
0x284: {  	[timem:s3], [sflag:s2] =	dma.local @!p0 [hbm:s0], s1  }
0x285: {  	s0 =	simm.s32 @!p0 $0xF  }
0x286: {  	_ =	swait.ge @!p0 [sflag:s0], s1  }
0x287: {  	s1 =	ssub.s32 @!p0 $0x0, s1;
	[sflag:s0] =	ssyncset.done @!p0 $0x0  }
0x288: {  	[sflag:s0] =	ssyncadd.s32 @!p0 s1  }
0x289: {  	[bflag:$0x3] =	sbarrier.arrive $0xFFFF  }
0x28a: {  	_ =	shalt  }

</sc_bundles>
